<compile_context>
chip_gen: v7x
topology: tpu7x:2x2x1
jax: 0.10.2.dev20260603
libtpu: 0.0.44.dev20260713+nightly
codegen_flags: <defaults>
</compile_context>

<pallas_src>
import functools

import jax
import jax.numpy as jnp
from jax import lax
from jax.experimental import pallas as pl
from jax.experimental.pallas import tpu as pltpu
from jax.experimental.pallas import tpu_sc as plsc

N_NODES = 100000
D = 128
B = 16384
BLK = 1024
NC, NS = 2, 16
NW = NC * NS
BPW = B // NW
ROWS_PT = 3128
CAP = B + 256
CHUNK = 128

_mesh = plsc.VectorSubcoreMesh(core_axis_name="c", subcore_axis_name="s")


def _wid():
    return lax.axis_index("s") * NC + lax.axis_index("c")



@functools.partial(
    pl.kernel,
    out_type=jax.ShapeDtypeStruct((B, D), jnp.float32),
    mesh=_mesh,
    compiler_params=pltpu.CompilerParams(needs_layout_passes=False),
    scratch_types=[
        pltpu.VMEM((BPW,), jnp.int32),
        pltpu.VMEM((BPW, D), jnp.float32),
        pltpu.SemaphoreType.DMA,
    ],
)
def _sc_gather(ids_hbm, table_hbm, out_hbm, ids_v, rows_v, sem):
    base = _wid() * BPW
    pltpu.sync_copy(ids_hbm.at[pl.ds(base, BPW)], ids_v)
    copies = []
    for j in range(BPW // 16):
        vid = ids_v[pl.ds(16 * j, 16)]
        copies.append(
            pltpu.async_copy(table_hbm.at[vid], rows_v.at[pl.ds(16 * j, 16)], sem))
    for c in copies:
        c.wait()
    pltpu.sync_copy(rows_v, out_hbm.at[pl.ds(base, BPW)])



def _gru_body(m_ref, amt_ref, h_ref, wm_ref, wa_ref, bc_ref,
              wih_ref, whh_ref, bih_ref, bhh_ref, out_ref):
    m = m_ref[:]
    h = h_ref[:]
    x = (jnp.dot(m, wm_ref[:], preferred_element_type=jnp.float32)
         + amt_ref[:] * wa_ref[:] + bc_ref[:])
    gi = jnp.dot(x, wih_ref[:], preferred_element_type=jnp.float32) + bih_ref[:]
    gh = jnp.dot(h, whh_ref[:], preferred_element_type=jnp.float32) + bhh_ref[:]
    r = jax.nn.sigmoid(gi[:, :D] + gh[:, :D])
    z = jax.nn.sigmoid(gi[:, D:2 * D] + gh[:, D:2 * D])
    n = jnp.tanh(gi[:, 2 * D:] + r * gh[:, 2 * D:])
    out_ref[:] = (1.0 - z) * n + z * h


def _gru_new_h(messages, amounts, h, W_cat, b_cat, W_ih, W_hh, b_ih, b_hh):
    wm = W_cat[:, :D].T
    wa = W_cat[:, D].reshape(1, D)
    bc = b_cat.reshape(1, D)
    wih = W_ih.T
    whh = W_hh.T
    bih = b_ih.reshape(1, 3 * D)
    bhh = b_hh.reshape(1, 3 * D)
    amt = amounts.reshape(B, 1)
    blk_rows = lambda i: (i, 0)
    fixed = lambda i: (0, 0)
    return pl.pallas_call(
        _gru_body,
        grid=(B // BLK,),
        in_specs=[
            pl.BlockSpec((BLK, D), blk_rows),
            pl.BlockSpec((BLK, 1), blk_rows),
            pl.BlockSpec((BLK, D), blk_rows),
            pl.BlockSpec((D, D), fixed),
            pl.BlockSpec((1, D), fixed),
            pl.BlockSpec((1, D), fixed),
            pl.BlockSpec((D, 3 * D), fixed),
            pl.BlockSpec((D, 3 * D), fixed),
            pl.BlockSpec((1, 3 * D), fixed),
            pl.BlockSpec((1, 3 * D), fixed),
        ],
        out_specs=pl.BlockSpec((BLK, D), blk_rows),
        out_shape=jax.ShapeDtypeStruct((B, D), jnp.float32),
    )(messages, amt, h, wm, wa, bc, wih, whh, bih, bhh)



@functools.partial(
    pl.kernel,
    out_type=(),
    mesh=_mesh,
    compiler_params=pltpu.CompilerParams(needs_layout_passes=False),
    scratch_types=[
        pltpu.VMEM((B,), jnp.int32),
        pltpu.VMEM((B,), jnp.float32),
        pltpu.VMEM((CAP,), jnp.int32),
        pltpu.VMEM((CAP,), jnp.int32),
        pltpu.VMEM((ROWS_PT,), jnp.int32),
        pltpu.VMEM((CHUNK, D), jnp.float32),
        pltpu.VMEM((CHUNK,), jnp.float32),
        pltpu.SemaphoreType.DMA,
        pltpu.SemaphoreType.DMA,
    ],
)
def _sc_scatter(ids_hbm, newh_hbm, ts_hbm, outmem_hbm, outlu_hbm,
                ids_v, ts_v, idl, posl, win, rows_v, tsc_v,
                sem_g, sem_s):
    w = _wid()
    base = w * ROWS_PT
    nrows = jnp.minimum(ROWS_PT, N_NODES - base)

    pltpu.sync_copy(ids_hbm, ids_v)
    pltpu.sync_copy(ts_hbm, ts_v)
    lane = lax.iota(jnp.int32, 16)

    def scan_step(k, c):
        v = ids_v[pl.ds(16 * k, 16)]
        m = (v >= base) & (v < base + nrows)
        mi = jnp.where(m, jnp.int32(1), jnp.int32(0))
        inc = plsc.cumsum(mi)
        dst = c + inc - mi
        plsc.store_scatter(idl, [dst], v, mask=m)
        plsc.store_scatter(posl, [dst], lane + 16 * k, mask=m)
        return c + inc[15]

    c = lax.fori_loop(0, B // 16, scan_step, jnp.int32(0))

    cv16 = ((c + 15) // 16) * 16

    @pl.when(c > 0)
    def _prepare():
        last_id = jnp.full((16,), idl[pl.ds(c - 1, 16)][0], jnp.int32)
        last_pos = jnp.full((16,), posl[pl.ds(c - 1, 16)][0], jnp.int32)
        idl[pl.ds(c, 16)] = last_id
        posl[pl.ds(c, 16)] = last_pos

        def ded_step(k, _):
            v = idl[pl.ds(16 * k, 16)] - base
            p = lane + 16 * k
            for t in range(16):
                plsc.store_scatter(win, [v], p, mask=lane == t)
            return 0

        lax.fori_loop(0, cv16 // 16, ded_step, 0)

        def fp_step(k, _):
            vid = idl[pl.ds(16 * k, 16)]
            wn = plsc.load_gather(win, [vid - base])
            fp = plsc.load_gather(posl, [wn])
            posl[pl.ds(16 * k, 16)] = fp
            return 0

        lax.fori_loop(0, cv16 // 16, fp_step, 0)

    @pl.when(c > 0)
    def _process():
        def chunk_step(q, _):
            offs = [jnp.minimum(CHUNK * q + 16 * t, cv16 - 16)
                    for t in range(CHUNK // 16)]
            gathers = []
            for t in range(CHUNK // 16):
                fp = posl[pl.ds(offs[t], 16)]
                gathers.append(pltpu.async_copy(
                    newh_hbm.at[fp], rows_v.at[pl.ds(16 * t, 16)], sem_g))
                tsc_v[pl.ds(16 * t, 16)] = plsc.load_gather(ts_v, [fp])
            for g in gathers:
                g.wait()
            scatters = []
            for t in range(CHUNK // 16):
                vid = idl[pl.ds(offs[t], 16)]
                scatters.append(pltpu.async_copy(
                    rows_v.at[pl.ds(16 * t, 16)], outmem_hbm.at[vid], sem_s))
                scatters.append(pltpu.async_copy(
                    tsc_v.at[pl.ds(16 * t, 16)], outlu_hbm.at[vid], sem_s))
            for s in scatters:
                s.wait()
            return 0

        lax.fori_loop(0, (cv16 + CHUNK - 1) // CHUNK, chunk_step, 0)



def kernel(unique_node_ids, unique_messages, timestamps, net_transaction_amounts,
           memory, last_update, W_cat, b_cat, W_ih, W_hh, b_ih, b_hh):
    ids = unique_node_ids.astype(jnp.int32)
    h = _sc_gather(ids, memory)
    new_h = _gru_new_h(unique_messages, net_transaction_amounts, h,
                       W_cat, b_cat, W_ih, W_hh, b_ih, b_hh)
    mem_ref = jax.new_ref(memory)
    lu_ref = jax.new_ref(last_update)
    _sc_scatter(ids, new_h, timestamps, mem_ref, lu_ref)
    return (mem_ref[...], lu_ref[...])

# --- scband reference (transcript-rebuilt; emitter-appended) ---
"""Pipeline reference for scband-sequence-memory-updater-71365176590515 (READ-ONLY COPY).

The authoritative reference and input builder live on the scoring server;
editing this copy changes nothing except your own understanding.
"""

import jax, jax.numpy as jnp
import numpy as np

N_NODES = 100000
D_MSG = 128
D_MEM = 128
B = 16384


def setup_inputs(seed: int = 0) -> dict:
    key = jax.random.key(seed)
    ks = jax.random.split(key, 12)
    unique_node_ids = jax.random.randint(ks[0], (B,), 0, N_NODES)
    unique_messages = jax.random.normal(ks[1], (B, D_MSG), dtype=jnp.float32)
    # last_update starts at 0, so any positive timestamps satisfy the monotonicity assert
    timestamps = jax.random.uniform(ks[2], (B,), dtype=jnp.float32, minval=1.0, maxval=100.0)
    net_transaction_amounts = jax.random.normal(ks[3], (B,), dtype=jnp.float32)
    # persistent state
    memory = jax.random.normal(ks[4], (N_NODES, D_MEM), dtype=jnp.float32) * 0.1
    last_update = jnp.zeros((N_NODES,), dtype=jnp.float32)
    # concatenation_layer: Linear(message_dimension + 1 -> memory_dimension)
    lim = 1.0 / np.sqrt(D_MSG + 1)
    W_cat = jax.random.uniform(ks[5], (D_MEM, D_MSG + 1), dtype=jnp.float32, minval=-lim, maxval=lim)
    b_cat = jax.random.uniform(ks[6], (D_MEM,), dtype=jnp.float32, minval=-lim, maxval=lim)
    # GRUCell(memory_dimension, memory_dimension) params
    limg = 1.0 / np.sqrt(D_MEM)
    W_ih = jax.random.uniform(ks[7], (3 * D_MEM, D_MEM), dtype=jnp.float32, minval=-limg, maxval=limg)
    W_hh = jax.random.uniform(ks[8], (3 * D_MEM, D_MEM), dtype=jnp.float32, minval=-limg, maxval=limg)
    b_ih = jax.random.uniform(ks[9], (3 * D_MEM,), dtype=jnp.float32, minval=-limg, maxval=limg)
    b_hh = jax.random.uniform(ks[10], (3 * D_MEM,), dtype=jnp.float32, minval=-limg, maxval=limg)
    return {
        "unique_node_ids": unique_node_ids,
        "unique_messages": unique_messages,
        "timestamps": timestamps,
        "net_transaction_amounts": net_transaction_amounts,
        "memory": memory,
        "last_update": last_update,
        "W_cat": W_cat,
        "b_cat": b_cat,
        "W_ih": W_ih,
        "W_hh": W_hh,
        "b_ih": b_ih,
        "b_hh": b_hh,
    }


def _gru_cell(x, h, W_ih, W_hh, b_ih, b_hh):
    gi = x @ W_ih.T + b_ih
    gh = h @ W_hh.T + b_hh
    i_r, i_z, i_n = jnp.split(gi, 3, axis=1)
    h_r, h_z, h_n = jnp.split(gh, 3, axis=1)
    r = jax.nn.sigmoid(i_r + h_r)
    z = jax.nn.sigmoid(i_z + h_z)
    n = jnp.tanh(i_n + r * h_n)
    return (1.0 - z) * n + z * h


def reference(unique_node_ids, unique_messages, timestamps, net_transaction_amounts,
              memory, last_update, W_cat, b_cat, W_ih, W_hh, b_ih, b_hh):
    # get_updated_memory (functional update path)
    amounts = net_transaction_amounts[:, None]
    concatenated_inputs = jnp.concatenate([unique_messages, amounts], axis=1)
    final_inputs = concatenated_inputs @ W_cat.T + b_cat
    h = memory[unique_node_ids]
    new_h = _gru_cell(final_inputs, h, W_ih, W_hh, b_ih, b_hh)
    updated_memory = memory.at[unique_node_ids].set(new_h)
    updated_last_update = last_update.at[unique_node_ids].set(timestamps)
    return (updated_memory, updated_last_update)

if __name__ == "__main__":
    import jax
    _d = setup_inputs()
    print(jax.jit(kernel)(*tuple(_d.values())))

</pallas_src>

<mosaic_0001>
#map = affine_map<(d0, d1) -> (0)>
#map1 = affine_map<(d0, d1) -> (0, 0)>
module attributes {stable_mosaic.version = 14 : i64} {
  func.func @new_body(%arg0: i32, %arg1: i32, %arg2: memref<16384xi32, #tpu.memory_space<hbm>>, %arg3: memref<16384x128xf32, #tpu.memory_space<hbm>>, %arg4: memref<16384xf32, #tpu.memory_space<hbm>>, %arg5: memref<100000x128xf32, #tpu.memory_space<hbm>>, %arg6: memref<100000xf32, #tpu.memory_space<hbm>>, %arg7: memref<100000x128xf32, #tpu.memory_space<hbm>>, %arg8: memref<100000xf32, #tpu.memory_space<hbm>>, %arg9: memref<16384xi32, #tpu.memory_space<vmem>>, %arg10: memref<16384xf32, #tpu.memory_space<vmem>>, %arg11: memref<16640xi32, #tpu.memory_space<vmem>>, %arg12: memref<16640xi32, #tpu.memory_space<vmem>>, %arg13: memref<3128xi32, #tpu.memory_space<vmem>>, %arg14: memref<128x128xf32, #tpu.memory_space<vmem>>, %arg15: memref<128xf32, #tpu.memory_space<vmem>>, %arg16: memref<!tpu.dma_semaphore, #tpu.memory_space<semaphore_mem>>, %arg17: memref<!tpu.dma_semaphore, #tpu.memory_space<semaphore_mem>>) attributes {dimension_semantics = [#tpu.dimension_semantics<core_parallel>, #tpu.dimension_semantics<subcore_parallel>], iteration_bounds = array<i64: 2, 16>, scalar_prefetch = 0 : i64, scratch_operands = 9 : i64, tpu.core_type = #tpu.core_type<sc_vector_subcore>, window_params = [{transform_indices = #map}, {transform_indices = #map1}, {transform_indices = #map}, {transform_indices = #map1}, {transform_indices = #map}, {transform_indices = #map1}, {transform_indices = #map}]} {
    %mul3A = arith.constant 2 : i32
    %mul3A_0 = arith.muli %arg1, %mul3A : i32
    %add3A = arith.addi %mul3A_0, %arg0 : i32
    %mul3A_1 = arith.constant 3128 : i32
    %mul3A_2 = arith.muli %add3A, %mul3A_1 : i32
    %sub3A = arith.constant 100000 : i32
    %sub3A_3 = arith.subi %sub3A, %mul3A_2 : i32
    %min3A = arith.constant 3128 : i32
    %min3A_4 = arith.minsi %min3A, %sub3A_3 : i32
    "tpu.region"() ({
      %run_scoped3A = tpu.sem_alloc : memref<!tpu.dma_semaphore, #tpu.memory_space<semaphore_mem>>
      tpu.enqueue_dma source(%arg2 : memref<16384xi32, #tpu.memory_space<hbm>>) target(%arg9 : memref<16384xi32, #tpu.memory_space<vmem>>) target_semaphore(%run_scoped3A : memref<!tpu.dma_semaphore, #tpu.memory_space<semaphore_mem>>)
      tpu.wait_dma2 semaphore(%run_scoped3A : memref<!tpu.dma_semaphore, #tpu.memory_space<semaphore_mem>>) src(%arg2 : memref<16384xi32, #tpu.memory_space<hbm>>) dst(%arg9 : memref<16384xi32, #tpu.memory_space<vmem>>)
      tpu.yield
    }) : () -> ()
    "tpu.region"() ({
      %run_scoped3A = tpu.sem_alloc : memref<!tpu.dma_semaphore, #tpu.memory_space<semaphore_mem>>
      tpu.enqueue_dma source(%arg4 : memref<16384xf32, #tpu.memory_space<hbm>>) target(%arg10 : memref<16384xf32, #tpu.memory_space<vmem>>) target_semaphore(%run_scoped3A : memref<!tpu.dma_semaphore, #tpu.memory_space<semaphore_mem>>)
      tpu.wait_dma2 semaphore(%run_scoped3A : memref<!tpu.dma_semaphore, #tpu.memory_space<semaphore_mem>>) src(%arg4 : memref<16384xf32, #tpu.memory_space<hbm>>) dst(%arg10 : memref<16384xf32, #tpu.memory_space<vmem>>)
      tpu.yield
    }) : () -> ()
    %iota3A = tpu.iota {dimensions = array<i32: 0>} : vector<16xi32>
    %scan3A = arith.constant 0 : i32
    %scan3A_5 = arith.constant 0 : i32
    %scan3A_6 = arith.constant 1024 : i32
    %scan3A_7 = arith.addi %scan3A_5, %scan3A_6 : i32
    %scan3A_8 = arith.constant 1 : i32
    %scan3A_9 = scf.for %scan3A_39 = %scan3A_5 to %scan3A_7 step %scan3A_8 iter_args(%scan3A_40 = %scan3A) -> (i32)  : i32 {
      %mul3A_41 = arith.constant 16 : i32
      %mul3A_42 = arith.muli %mul3A_41, %scan3A_39 : i32
      %get3A = arith.index_cast %mul3A_42 : i32 to index
      %get3A_43 = tpu.vector_load %arg9[%get3A] {strides = array<i32>} : memref<16384xi32, #tpu.memory_space<vmem>>, vector<16xi32>,
      %ge3A = vector.broadcast %mul3A_2 : i32 to vector<16xi32>
      %ge3A_44 = arith.cmpi sge, %get3A_43, %ge3A : vector<16xi32>
      %add3A_45 = arith.addi %mul3A_2, %min3A_4 : i32
      %lt3A = vector.broadcast %add3A_45 : i32 to vector<16xi32>
      %lt3A_46 = arith.cmpi slt, %get3A_43, %lt3A : vector<16xi32>
      %and3A_47 = arith.andi %ge3A_44, %lt3A_46 : vector<16xi1>
      %jit3A_48 = arith.constant 1 : i32
      %jit3A_49 = arith.constant 0 : i32
      %broadcast_in_dim3A = vector.broadcast %jit3A_48 : i32 to vector<16xi32>
      %broadcast_in_dim3A_50 = vector.broadcast %jit3A_49 : i32 to vector<16xi32>
      %select_n3A_51 = arith.select %and3A_47, %broadcast_in_dim3A, %broadcast_in_dim3A_50 : vector<16xi1>, vector<16xi32>
      %broadcast_in_dim3A_52 = arith.constant true
      %broadcast_in_dim3A_53 = vector.broadcast %broadcast_in_dim3A_52 : i1 to vector<16xi1>
      %masked_cumsum3A = tpu.scan <sum>, %select_n3A_51 masked %broadcast_in_dim3A_53 : vector<16xi32>, vector<16xi1> -> vector<16xi32>
      %add3A_54 = vector.broadcast %scan3A_40 : i32 to vector<16xi32>
      %add3A_55 = arith.addi %add3A_54, %masked_cumsum3A : vector<16xi32>
      %sub3A_56 = arith.subi %add3A_55, %select_n3A_51 : vector<16xi32>
      tpu.vector_store_idx %arg11[%sub3A_56], %get3A_43 masked %and3A_47 : memref<16640xi32, #tpu.memory_space<vmem>>[vector<16xi32>], vector<16xi32>, vector<16xi1>
      %mul3A_57 = arith.constant 16 : i32
      %mul3A_58 = arith.muli %mul3A_57, %scan3A_39 : i32
      %add3A_59 = vector.broadcast %mul3A_58 : i32 to vector<16xi32>
      %add3A_60 = arith.addi %iota3A, %add3A_59 : vector<16xi32>
      tpu.vector_store_idx %arg12[%sub3A_56], %add3A_60 masked %and3A_47 : memref<16640xi32, #tpu.memory_space<vmem>>[vector<16xi32>], vector<16xi32>, vector<16xi1>
      %slice3A = vector.extract_strided_slice %masked_cumsum3A {offsets = [15], sizes = [1], strides = [1]} : vector<16xi32> to vector<1xi32>
      %squeeze3A = vector.extract %slice3A[0] : i32 from vector<1xi32>
      %add3A_61 = arith.addi %scan3A_40, %squeeze3A : i32
      scf.yield %add3A_61 : i32
    }
    %scan3A_10 = arith.constant 1024 : i32
    %add3A_11 = arith.constant 15 : i32
    %add3A_12 = arith.addi %scan3A_9, %add3A_11 : i32
    %jit3A = arith.constant 16 : i32
    %div3A = arith.divsi %add3A_12, %jit3A : i32
    %sign3A = arith.constant 0 : i32
    %sign3A_13 = arith.cmpi sgt, %add3A_12, %sign3A : i32
    %sign3A_14 = arith.extui %sign3A_13 : i1 to i32
    %sign3A_15 = arith.constant 0 : i32
    %sign3A_16 = arith.cmpi slt, %add3A_12, %sign3A_15 : i32
    %sign3A_17 = arith.extui %sign3A_16 : i1 to i32
    %sign3A_18 = arith.subi %sign3A_14, %sign3A_17 : i32
    %sign3A_19 = arith.constant 0 : i32
    %sign3A_20 = arith.cmpi sgt, %jit3A, %sign3A_19 : i32
    %sign3A_21 = arith.extui %sign3A_20 : i1 to i32
    %sign3A_22 = arith.constant 0 : i32
    %sign3A_23 = arith.cmpi slt, %jit3A, %sign3A_22 : i32
    %sign3A_24 = arith.extui %sign3A_23 : i1 to i32
    %sign3A_25 = arith.subi %sign3A_21, %sign3A_24 : i32
    %ne3A = arith.cmpi ne, %sign3A_18, %sign3A_25 : i32
    %rem3A = arith.remsi %add3A_12, %jit3A : i32
    %ne3A_26 = arith.constant 0 : i32
    %ne3A_27 = arith.cmpi ne, %rem3A, %ne3A_26 : i32
    %and3A = arith.andi %ne3A, %ne3A_27 : i1
    %sub3A_28 = arith.constant 1 : i32
    %sub3A_29 = arith.subi %div3A, %sub3A_28 : i32
    %select_n3A = arith.select %and3A, %sub3A_29, %div3A : i32
    %mul3A_30 = arith.constant 16 : i32
    %mul3A_31 = arith.muli %select_n3A, %mul3A_30 : i32
    %gt3A = arith.constant 0 : i32
    %gt3A_32 = arith.cmpi sgt, %scan3A_9, %gt3A : i32
    %convert_element_type3A = arith.extui %gt3A_32 : i1 to i32
    %cond3A = arith.constant 0 : i32
    %cond3A_33 = arith.cmpi ne, %convert_element_type3A, %cond3A : i32
    scf.if %cond3A_33 {
      %sub3A_39 = arith.constant 1 : i32
      %sub3A_40 = arith.subi %scan3A_9, %sub3A_39 : i32
      %get3A = arith.index_cast %sub3A_40 : i32 to index
      %get3A_41 = tpu.vector_load %arg11[%get3A] {strides = array<i32>} : memref<16640xi32, #tpu.memory_space<vmem>>, vector<16xi32>,
      %slice3A = vector.extract_strided_slice %get3A_41 {offsets = [0], sizes = [1], strides = [1]} : vector<16xi32> to vector<1xi32>
      %squeeze3A = vector.extract %slice3A[0] : i32 from vector<1xi32>
      %broadcast_in_dim3A = vector.broadcast %squeeze3A : i32 to vector<16xi32>
      %sub3A_42 = arith.constant 1 : i32
      %sub3A_43 = arith.subi %scan3A_9, %sub3A_42 : i32
      %get3A_44 = arith.index_cast %sub3A_43 : i32 to index
      %get3A_45 = tpu.vector_load %arg12[%get3A_44] {strides = array<i32>} : memref<16640xi32, #tpu.memory_space<vmem>>, vector<16xi32>,
      %slice3A_46 = vector.extract_strided_slice %get3A_45 {offsets = [0], sizes = [1], strides = [1]} : vector<16xi32> to vector<1xi32>
      %squeeze3A_47 = vector.extract %slice3A_46[0] : i32 from vector<1xi32>
      %broadcast_in_dim3A_48 = vector.broadcast %squeeze3A_47 : i32 to vector<16xi32>
      %swap3A = arith.index_cast %scan3A_9 : i32 to index
      %swap3A_49 = tpu.vector_load %arg11[%swap3A] {strides = array<i32>} : memref<16640xi32, #tpu.memory_space<vmem>>, vector<16xi32>,
      tpu.vector_store %arg11[%swap3A], %broadcast_in_dim3A {strides = array<i32>} : memref<16640xi32, #tpu.memory_space<vmem>>, vector<16xi32>,
      %swap3A_50 = arith.index_cast %scan3A_9 : i32 to index
      %swap3A_51 = tpu.vector_load %arg12[%swap3A_50] {strides = array<i32>} : memref<16640xi32, #tpu.memory_space<vmem>>, vector<16xi32>,
      tpu.vector_store %arg12[%swap3A_50], %broadcast_in_dim3A_48 {strides = array<i32>} : memref<16640xi32, #tpu.memory_space<vmem>>, vector<16xi32>,
      %jit3A_52 = arith.constant 16 : i32
      %div3A_53 = arith.divsi %mul3A_31, %jit3A_52 : i32
      %sign3A_54 = arith.constant 0 : i32
      %sign3A_55 = arith.cmpi sgt, %mul3A_31, %sign3A_54 : i32
      %sign3A_56 = arith.extui %sign3A_55 : i1 to i32
      %sign3A_57 = arith.constant 0 : i32
      %sign3A_58 = arith.cmpi slt, %mul3A_31, %sign3A_57 : i32
      %sign3A_59 = arith.extui %sign3A_58 : i1 to i32
      %sign3A_60 = arith.subi %sign3A_56, %sign3A_59 : i32
      %sign3A_61 = arith.constant 0 : i32
      %sign3A_62 = arith.cmpi sgt, %jit3A_52, %sign3A_61 : i32
      %sign3A_63 = arith.extui %sign3A_62 : i1 to i32
      %sign3A_64 = arith.constant 0 : i32
      %sign3A_65 = arith.cmpi slt, %jit3A_52, %sign3A_64 : i32
      %sign3A_66 = arith.extui %sign3A_65 : i1 to i32
      %sign3A_67 = arith.subi %sign3A_63, %sign3A_66 : i32
      %ne3A_68 = arith.cmpi ne, %sign3A_60, %sign3A_67 : i32
      %rem3A_69 = arith.remsi %mul3A_31, %jit3A_52 : i32
      %ne3A_70 = arith.constant 0 : i32
      %ne3A_71 = arith.cmpi ne, %rem3A_69, %ne3A_70 : i32
      %and3A_72 = arith.andi %ne3A_68, %ne3A_71 : i1
      %sub3A_73 = arith.constant 1 : i32
      %sub3A_74 = arith.subi %div3A_53, %sub3A_73 : i32
      %select_n3A_75 = arith.select %and3A_72, %sub3A_74, %div3A_53 : i32
      %while3A = arith.constant 0 : i32
      %while3A_76 = arith.constant 0 : i32
      %while3A_77 = arith.subi %select_n3A_75, %while3A : i32
      %while3A_78 = arith.addi %while3A, %while3A_77 : i32
      %while3A_79 = arith.constant 1 : i32
      %while3A_80 = arith.divsi %while3A_77, %while3A_79 : i32
      %while3A_81 = arith.muli %while3A_80, %while3A_79 : i32
      %while3A_82 = arith.addi %while3A, %while3A_81 : i32
      %while3A_83 = arith.constant 1 : i32
      %while3A_84 = scf.for %while3A_123 = %while3A to %while3A_82 step %while3A_83 iter_args(%while3A_124 = %while3A_76) -> (i32)  : i32 {
        %mul3A_125 = arith.constant 16 : i32
        %mul3A_126 = arith.muli %mul3A_125, %while3A_123 : i32
        %get3A_127 = arith.index_cast %mul3A_126 : i32 to index
        %get3A_128 = tpu.vector_load %arg11[%get3A_127] {strides = array<i32>} : memref<16640xi32, #tpu.memory_space<vmem>>, vector<16xi32>,
        %sub3A_129 = vector.broadcast %mul3A_2 : i32 to vector<16xi32>
        %sub3A_130 = arith.subi %get3A_128, %sub3A_129 : vector<16xi32>
        %mul3A_131 = arith.constant 16 : i32
        %mul3A_132 = arith.muli %mul3A_131, %while3A_123 : i32
        %add3A_133 = vector.broadcast %mul3A_132 : i32 to vector<16xi32>
        %add3A_134 = arith.addi %iota3A, %add3A_133 : vector<16xi32>
        %eq3A = arith.constant 0 : i32
        %eq3A_135 = vector.broadcast %eq3A : i32 to vector<16xi32>
        %eq3A_136 = arith.cmpi eq, %iota3A, %eq3A_135 : vector<16xi32>
        tpu.vector_store_idx %arg13[%sub3A_130], %add3A_134 masked %eq3A_136 : memref<3128xi32, #tpu.memory_space<vmem>>[vector<16xi32>], vector<16xi32>, vector<16xi1>
        %eq3A_137 = arith.constant 1 : i32
        %eq3A_138 = vector.broadcast %eq3A_137 : i32 to vector<16xi32>
        %eq3A_139 = arith.cmpi eq, %iota3A, %eq3A_138 : vector<16xi32>
        tpu.vector_store_idx %arg13[%sub3A_130], %add3A_134 masked %eq3A_139 : memref<3128xi32, #tpu.memory_space<vmem>>[vector<16xi32>], vector<16xi32>, vector<16xi1>
        %eq3A_140 = arith.constant 2 : i32
        %eq3A_141 = vector.broadcast %eq3A_140 : i32 to vector<16xi32>
        %eq3A_142 = arith.cmpi eq, %iota3A, %eq3A_141 : vector<16xi32>
        tpu.vector_store_idx %arg13[%sub3A_130], %add3A_134 masked %eq3A_142 : memref<3128xi32, #tpu.memory_space<vmem>>[vector<16xi32>], vector<16xi32>, vector<16xi1>
        %eq3A_143 = arith.constant 3 : i32
        %eq3A_144 = vector.broadcast %eq3A_143 : i32 to vector<16xi32>
        %eq3A_145 = arith.cmpi eq, %iota3A, %eq3A_144 : vector<16xi32>
        tpu.vector_store_idx %arg13[%sub3A_130], %add3A_134 masked %eq3A_145 : memref<3128xi32, #tpu.memory_space<vmem>>[vector<16xi32>], vector<16xi32>, vector<16xi1>
        %eq3A_146 = arith.constant 4 : i32
        %eq3A_147 = vector.broadcast %eq3A_146 : i32 to vector<16xi32>
        %eq3A_148 = arith.cmpi eq, %iota3A, %eq3A_147 : vector<16xi32>
        tpu.vector_store_idx %arg13[%sub3A_130], %add3A_134 masked %eq3A_148 : memref<3128xi32, #tpu.memory_space<vmem>>[vector<16xi32>], vector<16xi32>, vector<16xi1>
        %eq3A_149 = arith.constant 5 : i32
        %eq3A_150 = vector.broadcast %eq3A_149 : i32 to vector<16xi32>
        %eq3A_151 = arith.cmpi eq, %iota3A, %eq3A_150 : vector<16xi32>
        tpu.vector_store_idx %arg13[%sub3A_130], %add3A_134 masked %eq3A_151 : memref<3128xi32, #tpu.memory_space<vmem>>[vector<16xi32>], vector<16xi32>, vector<16xi1>
        %eq3A_152 = arith.constant 6 : i32
        %eq3A_153 = vector.broadcast %eq3A_152 : i32 to vector<16xi32>
        %eq3A_154 = arith.cmpi eq, %iota3A, %eq3A_153 : vector<16xi32>
        tpu.vector_store_idx %arg13[%sub3A_130], %add3A_134 masked %eq3A_154 : memref<3128xi32, #tpu.memory_space<vmem>>[vector<16xi32>], vector<16xi32>, vector<16xi1>
        %eq3A_155 = arith.constant 7 : i32
        %eq3A_156 = vector.broadcast %eq3A_155 : i32 to vector<16xi32>
        %eq3A_157 = arith.cmpi eq, %iota3A, %eq3A_156 : vector<16xi32>
        tpu.vector_store_idx %arg13[%sub3A_130], %add3A_134 masked %eq3A_157 : memref<3128xi32, #tpu.memory_space<vmem>>[vector<16xi32>], vector<16xi32>, vector<16xi1>
        %eq3A_158 = arith.constant 8 : i32
        %eq3A_159 = vector.broadcast %eq3A_158 : i32 to vector<16xi32>
        %eq3A_160 = arith.cmpi eq, %iota3A, %eq3A_159 : vector<16xi32>
        tpu.vector_store_idx %arg13[%sub3A_130], %add3A_134 masked %eq3A_160 : memref<3128xi32, #tpu.memory_space<vmem>>[vector<16xi32>], vector<16xi32>, vector<16xi1>
        %eq3A_161 = arith.constant 9 : i32
        %eq3A_162 = vector.broadcast %eq3A_161 : i32 to vector<16xi32>
        %eq3A_163 = arith.cmpi eq, %iota3A, %eq3A_162 : vector<16xi32>
        tpu.vector_store_idx %arg13[%sub3A_130], %add3A_134 masked %eq3A_163 : memref<3128xi32, #tpu.memory_space<vmem>>[vector<16xi32>], vector<16xi32>, vector<16xi1>
        %eq3A_164 = arith.constant 10 : i32
        %eq3A_165 = vector.broadcast %eq3A_164 : i32 to vector<16xi32>
        %eq3A_166 = arith.cmpi eq, %iota3A, %eq3A_165 : vector<16xi32>
        tpu.vector_store_idx %arg13[%sub3A_130], %add3A_134 masked %eq3A_166 : memref<3128xi32, #tpu.memory_space<vmem>>[vector<16xi32>], vector<16xi32>, vector<16xi1>
        %eq3A_167 = arith.constant 11 : i32
        %eq3A_168 = vector.broadcast %eq3A_167 : i32 to vector<16xi32>
        %eq3A_169 = arith.cmpi eq, %iota3A, %eq3A_168 : vector<16xi32>
        tpu.vector_store_idx %arg13[%sub3A_130], %add3A_134 masked %eq3A_169 : memref<3128xi32, #tpu.memory_space<vmem>>[vector<16xi32>], vector<16xi32>, vector<16xi1>
        %eq3A_170 = arith.constant 12 : i32
        %eq3A_171 = vector.broadcast %eq3A_170 : i32 to vector<16xi32>
        %eq3A_172 = arith.cmpi eq, %iota3A, %eq3A_171 : vector<16xi32>
        tpu.vector_store_idx %arg13[%sub3A_130], %add3A_134 masked %eq3A_172 : memref<3128xi32, #tpu.memory_space<vmem>>[vector<16xi32>], vector<16xi32>, vector<16xi1>
        %eq3A_173 = arith.constant 13 : i32
        %eq3A_174 = vector.broadcast %eq3A_173 : i32 to vector<16xi32>
        %eq3A_175 = arith.cmpi eq, %iota3A, %eq3A_174 : vector<16xi32>
        tpu.vector_store_idx %arg13[%sub3A_130], %add3A_134 masked %eq3A_175 : memref<3128xi32, #tpu.memory_space<vmem>>[vector<16xi32>], vector<16xi32>, vector<16xi1>
        %eq3A_176 = arith.constant 14 : i32
        %eq3A_177 = vector.broadcast %eq3A_176 : i32 to vector<16xi32>
        %eq3A_178 = arith.cmpi eq, %iota3A, %eq3A_177 : vector<16xi32>
        tpu.vector_store_idx %arg13[%sub3A_130], %add3A_134 masked %eq3A_178 : memref<3128xi32, #tpu.memory_space<vmem>>[vector<16xi32>], vector<16xi32>, vector<16xi1>
        %eq3A_179 = arith.constant 15 : i32
        %eq3A_180 = vector.broadcast %eq3A_179 : i32 to vector<16xi32>
        %eq3A_181 = arith.cmpi eq, %iota3A, %eq3A_180 : vector<16xi32>
        tpu.vector_store_idx %arg13[%sub3A_130], %add3A_134 masked %eq3A_181 : memref<3128xi32, #tpu.memory_space<vmem>>[vector<16xi32>], vector<16xi32>, vector<16xi1>
        %while3A_182 = arith.constant 0 : i32
        scf.yield %while3A_182 : i32
      }
      %while3A_85 = arith.constant 1 : i32
      %while3A_86 = scf.for %while3A_123 = %while3A_82 to %while3A_78 step %while3A_85 iter_args(%while3A_124 = %while3A_84) -> (i32)  : i32 {
        %mul3A_125 = arith.constant 16 : i32
        %mul3A_126 = arith.muli %mul3A_125, %while3A_123 : i32
        %get3A_127 = arith.index_cast %mul3A_126 : i32 to index
        %get3A_128 = tpu.vector_load %arg11[%get3A_127] {strides = array<i32>} : memref<16640xi32, #tpu.memory_space<vmem>>, vector<16xi32>,
        %sub3A_129 = vector.broadcast %mul3A_2 : i32 to vector<16xi32>
        %sub3A_130 = arith.subi %get3A_128, %sub3A_129 : vector<16xi32>
        %mul3A_131 = arith.constant 16 : i32
        %mul3A_132 = arith.muli %mul3A_131, %while3A_123 : i32
        %add3A_133 = vector.broadcast %mul3A_132 : i32 to vector<16xi32>
        %add3A_134 = arith.addi %iota3A, %add3A_133 : vector<16xi32>
        %eq3A = arith.constant 0 : i32
        %eq3A_135 = vector.broadcast %eq3A : i32 to vector<16xi32>
        %eq3A_136 = arith.cmpi eq, %iota3A, %eq3A_135 : vector<16xi32>
        tpu.vector_store_idx %arg13[%sub3A_130], %add3A_134 masked %eq3A_136 : memref<3128xi32, #tpu.memory_space<vmem>>[vector<16xi32>], vector<16xi32>, vector<16xi1>
        %eq3A_137 = arith.constant 1 : i32
        %eq3A_138 = vector.broadcast %eq3A_137 : i32 to vector<16xi32>
        %eq3A_139 = arith.cmpi eq, %iota3A, %eq3A_138 : vector<16xi32>
        tpu.vector_store_idx %arg13[%sub3A_130], %add3A_134 masked %eq3A_139 : memref<3128xi32, #tpu.memory_space<vmem>>[vector<16xi32>], vector<16xi32>, vector<16xi1>
        %eq3A_140 = arith.constant 2 : i32
        %eq3A_141 = vector.broadcast %eq3A_140 : i32 to vector<16xi32>
        %eq3A_142 = arith.cmpi eq, %iota3A, %eq3A_141 : vector<16xi32>
        tpu.vector_store_idx %arg13[%sub3A_130], %add3A_134 masked %eq3A_142 : memref<3128xi32, #tpu.memory_space<vmem>>[vector<16xi32>], vector<16xi32>, vector<16xi1>
        %eq3A_143 = arith.constant 3 : i32
        %eq3A_144 = vector.broadcast %eq3A_143 : i32 to vector<16xi32>
        %eq3A_145 = arith.cmpi eq, %iota3A, %eq3A_144 : vector<16xi32>
        tpu.vector_store_idx %arg13[%sub3A_130], %add3A_134 masked %eq3A_145 : memref<3128xi32, #tpu.memory_space<vmem>>[vector<16xi32>], vector<16xi32>, vector<16xi1>
        %eq3A_146 = arith.constant 4 : i32
        %eq3A_147 = vector.broadcast %eq3A_146 : i32 to vector<16xi32>
        %eq3A_148 = arith.cmpi eq, %iota3A, %eq3A_147 : vector<16xi32>
        tpu.vector_store_idx %arg13[%sub3A_130], %add3A_134 masked %eq3A_148 : memref<3128xi32, #tpu.memory_space<vmem>>[vector<16xi32>], vector<16xi32>, vector<16xi1>
        %eq3A_149 = arith.constant 5 : i32
        %eq3A_150 = vector.broadcast %eq3A_149 : i32 to vector<16xi32>
        %eq3A_151 = arith.cmpi eq, %iota3A, %eq3A_150 : vector<16xi32>
        tpu.vector_store_idx %arg13[%sub3A_130], %add3A_134 masked %eq3A_151 : memref<3128xi32, #tpu.memory_space<vmem>>[vector<16xi32>], vector<16xi32>, vector<16xi1>
        %eq3A_152 = arith.constant 6 : i32
        %eq3A_153 = vector.broadcast %eq3A_152 : i32 to vector<16xi32>
        %eq3A_154 = arith.cmpi eq, %iota3A, %eq3A_153 : vector<16xi32>
        tpu.vector_store_idx %arg13[%sub3A_130], %add3A_134 masked %eq3A_154 : memref<3128xi32, #tpu.memory_space<vmem>>[vector<16xi32>], vector<16xi32>, vector<16xi1>
        %eq3A_155 = arith.constant 7 : i32
        %eq3A_156 = vector.broadcast %eq3A_155 : i32 to vector<16xi32>
        %eq3A_157 = arith.cmpi eq, %iota3A, %eq3A_156 : vector<16xi32>
        tpu.vector_store_idx %arg13[%sub3A_130], %add3A_134 masked %eq3A_157 : memref<3128xi32, #tpu.memory_space<vmem>>[vector<16xi32>], vector<16xi32>, vector<16xi1>
        %eq3A_158 = arith.constant 8 : i32
        %eq3A_159 = vector.broadcast %eq3A_158 : i32 to vector<16xi32>
        %eq3A_160 = arith.cmpi eq, %iota3A, %eq3A_159 : vector<16xi32>
        tpu.vector_store_idx %arg13[%sub3A_130], %add3A_134 masked %eq3A_160 : memref<3128xi32, #tpu.memory_space<vmem>>[vector<16xi32>], vector<16xi32>, vector<16xi1>
        %eq3A_161 = arith.constant 9 : i32
        %eq3A_162 = vector.broadcast %eq3A_161 : i32 to vector<16xi32>
        %eq3A_163 = arith.cmpi eq, %iota3A, %eq3A_162 : vector<16xi32>
        tpu.vector_store_idx %arg13[%sub3A_130], %add3A_134 masked %eq3A_163 : memref<3128xi32, #tpu.memory_space<vmem>>[vector<16xi32>], vector<16xi32>, vector<16xi1>
        %eq3A_164 = arith.constant 10 : i32
        %eq3A_165 = vector.broadcast %eq3A_164 : i32 to vector<16xi32>
        %eq3A_166 = arith.cmpi eq, %iota3A, %eq3A_165 : vector<16xi32>
        tpu.vector_store_idx %arg13[%sub3A_130], %add3A_134 masked %eq3A_166 : memref<3128xi32, #tpu.memory_space<vmem>>[vector<16xi32>], vector<16xi32>, vector<16xi1>
        %eq3A_167 = arith.constant 11 : i32
        %eq3A_168 = vector.broadcast %eq3A_167 : i32 to vector<16xi32>
        %eq3A_169 = arith.cmpi eq, %iota3A, %eq3A_168 : vector<16xi32>
        tpu.vector_store_idx %arg13[%sub3A_130], %add3A_134 masked %eq3A_169 : memref<3128xi32, #tpu.memory_space<vmem>>[vector<16xi32>], vector<16xi32>, vector<16xi1>
        %eq3A_170 = arith.constant 12 : i32
        %eq3A_171 = vector.broadcast %eq3A_170 : i32 to vector<16xi32>
        %eq3A_172 = arith.cmpi eq, %iota3A, %eq3A_171 : vector<16xi32>
        tpu.vector_store_idx %arg13[%sub3A_130], %add3A_134 masked %eq3A_172 : memref<3128xi32, #tpu.memory_space<vmem>>[vector<16xi32>], vector<16xi32>, vector<16xi1>
        %eq3A_173 = arith.constant 13 : i32
        %eq3A_174 = vector.broadcast %eq3A_173 : i32 to vector<16xi32>
        %eq3A_175 = arith.cmpi eq, %iota3A, %eq3A_174 : vector<16xi32>
        tpu.vector_store_idx %arg13[%sub3A_130], %add3A_134 masked %eq3A_175 : memref<3128xi32, #tpu.memory_space<vmem>>[vector<16xi32>], vector<16xi32>, vector<16xi1>
        %eq3A_176 = arith.constant 14 : i32
        %eq3A_177 = vector.broadcast %eq3A_176 : i32 to vector<16xi32>
        %eq3A_178 = arith.cmpi eq, %iota3A, %eq3A_177 : vector<16xi32>
        tpu.vector_store_idx %arg13[%sub3A_130], %add3A_134 masked %eq3A_178 : memref<3128xi32, #tpu.memory_space<vmem>>[vector<16xi32>], vector<16xi32>, vector<16xi1>
        %eq3A_179 = arith.constant 15 : i32
        %eq3A_180 = vector.broadcast %eq3A_179 : i32 to vector<16xi32>
        %eq3A_181 = arith.cmpi eq, %iota3A, %eq3A_180 : vector<16xi32>
        tpu.vector_store_idx %arg13[%sub3A_130], %add3A_134 masked %eq3A_181 : memref<3128xi32, #tpu.memory_space<vmem>>[vector<16xi32>], vector<16xi32>, vector<16xi1>
        %while3A_182 = arith.constant 0 : i32
        scf.yield %while3A_182 : i32
      }
      %jit3A_87 = arith.constant 16 : i32
      %div3A_88 = arith.divsi %mul3A_31, %jit3A_87 : i32
      %sign3A_89 = arith.constant 0 : i32
      %sign3A_90 = arith.cmpi sgt, %mul3A_31, %sign3A_89 : i32
      %sign3A_91 = arith.extui %sign3A_90 : i1 to i32
      %sign3A_92 = arith.constant 0 : i32
      %sign3A_93 = arith.cmpi slt, %mul3A_31, %sign3A_92 : i32
      %sign3A_94 = arith.extui %sign3A_93 : i1 to i32
      %sign3A_95 = arith.subi %sign3A_91, %sign3A_94 : i32
      %sign3A_96 = arith.constant 0 : i32
      %sign3A_97 = arith.cmpi sgt, %jit3A_87, %sign3A_96 : i32
      %sign3A_98 = arith.extui %sign3A_97 : i1 to i32
      %sign3A_99 = arith.constant 0 : i32
      %sign3A_100 = arith.cmpi slt, %jit3A_87, %sign3A_99 : i32
      %sign3A_101 = arith.extui %sign3A_100 : i1 to i32
      %sign3A_102 = arith.subi %sign3A_98, %sign3A_101 : i32
      %ne3A_103 = arith.cmpi ne, %sign3A_95, %sign3A_102 : i32
      %rem3A_104 = arith.remsi %mul3A_31, %jit3A_87 : i32
      %ne3A_105 = arith.constant 0 : i32
      %ne3A_106 = arith.cmpi ne, %rem3A_104, %ne3A_105 : i32
      %and3A_107 = arith.andi %ne3A_103, %ne3A_106 : i1
      %sub3A_108 = arith.constant 1 : i32
      %sub3A_109 = arith.subi %div3A_88, %sub3A_108 : i32
      %select_n3A_110 = arith.select %and3A_107, %sub3A_109, %div3A_88 : i32
      %while3A_111 = arith.constant 0 : i32
      %while3A_112 = arith.constant 0 : i32
      %while3A_113 = arith.subi %select_n3A_110, %while3A_111 : i32
      %while3A_114 = arith.addi %while3A_111, %while3A_113 : i32
      %while3A_115 = arith.constant 1 : i32
      %while3A_116 = arith.divsi %while3A_113, %while3A_115 : i32
      %while3A_117 = arith.muli %while3A_116, %while3A_115 : i32
      %while3A_118 = arith.addi %while3A_111, %while3A_117 : i32
      %while3A_119 = arith.constant 1 : i32
      %while3A_120 = scf.for %while3A_123 = %while3A_111 to %while3A_118 step %while3A_119 iter_args(%while3A_124 = %while3A_112) -> (i32)  : i32 {
        %mul3A_125 = arith.constant 16 : i32
        %mul3A_126 = arith.muli %mul3A_125, %while3A_123 : i32
        %get3A_127 = arith.index_cast %mul3A_126 : i32 to index
        %get3A_128 = tpu.vector_load %arg11[%get3A_127] {strides = array<i32>} : memref<16640xi32, #tpu.memory_space<vmem>>, vector<16xi32>,
        %sub3A_129 = vector.broadcast %mul3A_2 : i32 to vector<16xi32>
        %sub3A_130 = arith.subi %get3A_128, %sub3A_129 : vector<16xi32>
        %gather3A = tpu.vector_load_idx %arg13[%sub3A_130] : memref<3128xi32, #tpu.memory_space<vmem>>[vector<16xi32>], vector<16xi32>,
        %gather3A_131 = tpu.vector_load_idx %arg12[%gather3A] : memref<16640xi32, #tpu.memory_space<vmem>>[vector<16xi32>], vector<16xi32>,
        %mul3A_132 = arith.constant 16 : i32
        %mul3A_133 = arith.muli %mul3A_132, %while3A_123 : i32
        %swap3A_134 = arith.index_cast %mul3A_133 : i32 to index
        %swap3A_135 = tpu.vector_load %arg12[%swap3A_134] {strides = array<i32>} : memref<16640xi32, #tpu.memory_space<vmem>>, vector<16xi32>,
        tpu.vector_store %arg12[%swap3A_134], %gather3A_131 {strides = array<i32>} : memref<16640xi32, #tpu.memory_space<vmem>>, vector<16xi32>,
        %while3A_136 = arith.constant 0 : i32
        scf.yield %while3A_136 : i32
      }
      %while3A_121 = arith.constant 1 : i32
      %while3A_122 = scf.for %while3A_123 = %while3A_118 to %while3A_114 step %while3A_121 iter_args(%while3A_124 = %while3A_120) -> (i32)  : i32 {
        %mul3A_125 = arith.constant 16 : i32
        %mul3A_126 = arith.muli %mul3A_125, %while3A_123 : i32
        %get3A_127 = arith.index_cast %mul3A_126 : i32 to index
        %get3A_128 = tpu.vector_load %arg11[%get3A_127] {strides = array<i32>} : memref<16640xi32, #tpu.memory_space<vmem>>, vector<16xi32>,
        %sub3A_129 = vector.broadcast %mul3A_2 : i32 to vector<16xi32>
        %sub3A_130 = arith.subi %get3A_128, %sub3A_129 : vector<16xi32>
        %gather3A = tpu.vector_load_idx %arg13[%sub3A_130] : memref<3128xi32, #tpu.memory_space<vmem>>[vector<16xi32>], vector<16xi32>,
        %gather3A_131 = tpu.vector_load_idx %arg12[%gather3A] : memref<16640xi32, #tpu.memory_space<vmem>>[vector<16xi32>], vector<16xi32>,
        %mul3A_132 = arith.constant 16 : i32
        %mul3A_133 = arith.muli %mul3A_132, %while3A_123 : i32
        %swap3A_134 = arith.index_cast %mul3A_133 : i32 to index
        %swap3A_135 = tpu.vector_load %arg12[%swap3A_134] {strides = array<i32>} : memref<16640xi32, #tpu.memory_space<vmem>>, vector<16xi32>,
        tpu.vector_store %arg12[%swap3A_134], %gather3A_131 {strides = array<i32>} : memref<16640xi32, #tpu.memory_space<vmem>>, vector<16xi32>,
        %while3A_136 = arith.constant 0 : i32
        scf.yield %while3A_136 : i32
      }
    } else {
    }
    %gt3A_34 = arith.constant 0 : i32
    %gt3A_35 = arith.cmpi sgt, %scan3A_9, %gt3A_34 : i32
    %convert_element_type3A_36 = arith.extui %gt3A_35 : i1 to i32
    %cond3A_37 = arith.constant 0 : i32
    %cond3A_38 = arith.cmpi ne, %convert_element_type3A_36, %cond3A_37 : i32
    scf.if %cond3A_38 {
      %add3A_39 = arith.constant 128 : i32
      %add3A_40 = arith.addi %mul3A_31, %add3A_39 : i32
      %sub3A_41 = arith.constant 1 : i32
      %sub3A_42 = arith.subi %add3A_40, %sub3A_41 : i32
      %jit3A_43 = arith.constant 128 : i32
      %div3A_44 = arith.divsi %sub3A_42, %jit3A_43 : i32
      %sign3A_45 = arith.constant 0 : i32
      %sign3A_46 = arith.cmpi sgt, %sub3A_42, %sign3A_45 : i32
      %sign3A_47 = arith.extui %sign3A_46 : i1 to i32
      %sign3A_48 = arith.constant 0 : i32
      %sign3A_49 = arith.cmpi slt, %sub3A_42, %sign3A_48 : i32
      %sign3A_50 = arith.extui %sign3A_49 : i1 to i32
      %sign3A_51 = arith.subi %sign3A_47, %sign3A_50 : i32
      %sign3A_52 = arith.constant 0 : i32
      %sign3A_53 = arith.cmpi sgt, %jit3A_43, %sign3A_52 : i32
      %sign3A_54 = arith.extui %sign3A_53 : i1 to i32
      %sign3A_55 = arith.constant 0 : i32
      %sign3A_56 = arith.cmpi slt, %jit3A_43, %sign3A_55 : i32
      %sign3A_57 = arith.extui %sign3A_56 : i1 to i32
      %sign3A_58 = arith.subi %sign3A_54, %sign3A_57 : i32
      %ne3A_59 = arith.cmpi ne, %sign3A_51, %sign3A_58 : i32
      %rem3A_60 = arith.remsi %sub3A_42, %jit3A_43 : i32
      %ne3A_61 = arith.constant 0 : i32
      %ne3A_62 = arith.cmpi ne, %rem3A_60, %ne3A_61 : i32
      %and3A_63 = arith.andi %ne3A_59, %ne3A_62 : i1
      %sub3A_64 = arith.constant 1 : i32
      %sub3A_65 = arith.subi %div3A_44, %sub3A_64 : i32
      %select_n3A_66 = arith.select %and3A_63, %sub3A_65, %div3A_44 : i32
      %while3A = arith.constant 0 : i32
      %while3A_67 = arith.constant 0 : i32
      %while3A_68 = arith.subi %select_n3A_66, %while3A : i32
      %while3A_69 = arith.addi %while3A, %while3A_68 : i32
      %while3A_70 = arith.constant 1 : i32
      %while3A_71 = arith.divsi %while3A_68, %while3A_70 : i32
      %while3A_72 = arith.muli %while3A_71, %while3A_70 : i32
      %while3A_73 = arith.addi %while3A, %while3A_72 : i32
      %while3A_74 = arith.constant 1 : i32
      %while3A_75 = scf.for %while3A_78 = %while3A to %while3A_73 step %while3A_74 iter_args(%while3A_79 = %while3A_67) -> (i32)  : i32 {
        %mul3A_80 = arith.constant 128 : i32
        %mul3A_81 = arith.muli %mul3A_80, %while3A_78 : i32
        %add3A_82 = arith.constant 0 : i32
        %add3A_83 = arith.addi %mul3A_81, %add3A_82 : i32
        %sub3A_84 = arith.constant 16 : i32
        %sub3A_85 = arith.subi %mul3A_31, %sub3A_84 : i32
        %min3A_86 = arith.minsi %add3A_83, %sub3A_85 : i32
        %mul3A_87 = arith.constant 128 : i32
        %mul3A_88 = arith.muli %mul3A_87, %while3A_78 : i32
        %add3A_89 = arith.constant 16 : i32
        %add3A_90 = arith.addi %mul3A_88, %add3A_89 : i32
        %sub3A_91 = arith.constant 16 : i32
        %sub3A_92 = arith.subi %mul3A_31, %sub3A_91 : i32
        %min3A_93 = arith.minsi %add3A_90, %sub3A_92 : i32
        %mul3A_94 = arith.constant 128 : i32
        %mul3A_95 = arith.muli %mul3A_94, %while3A_78 : i32
        %add3A_96 = arith.constant 32 : i32
        %add3A_97 = arith.addi %mul3A_95, %add3A_96 : i32
        %sub3A_98 = arith.constant 16 : i32
        %sub3A_99 = arith.subi %mul3A_31, %sub3A_98 : i32
        %min3A_100 = arith.minsi %add3A_97, %sub3A_99 : i32
        %mul3A_101 = arith.constant 128 : i32
        %mul3A_102 = arith.muli %mul3A_101, %while3A_78 : i32
        %add3A_103 = arith.constant 48 : i32
        %add3A_104 = arith.addi %mul3A_102, %add3A_103 : i32
        %sub3A_105 = arith.constant 16 : i32
        %sub3A_106 = arith.subi %mul3A_31, %sub3A_105 : i32
        %min3A_107 = arith.minsi %add3A_104, %sub3A_106 : i32
        %mul3A_108 = arith.constant 128 : i32
        %mul3A_109 = arith.muli %mul3A_108, %while3A_78 : i32
        %add3A_110 = arith.constant 64 : i32
        %add3A_111 = arith.addi %mul3A_109, %add3A_110 : i32
        %sub3A_112 = arith.constant 16 : i32
        %sub3A_113 = arith.subi %mul3A_31, %sub3A_112 : i32
        %min3A_114 = arith.minsi %add3A_111, %sub3A_113 : i32
        %mul3A_115 = arith.constant 128 : i32
        %mul3A_116 = arith.muli %mul3A_115, %while3A_78 : i32
        %add3A_117 = arith.constant 80 : i32
        %add3A_118 = arith.addi %mul3A_116, %add3A_117 : i32
        %sub3A_119 = arith.constant 16 : i32
        %sub3A_120 = arith.subi %mul3A_31, %sub3A_119 : i32
        %min3A_121 = arith.minsi %add3A_118, %sub3A_120 : i32
        %mul3A_122 = arith.constant 128 : i32
        %mul3A_123 = arith.muli %mul3A_122, %while3A_78 : i32
        %add3A_124 = arith.constant 96 : i32
        %add3A_125 = arith.addi %mul3A_123, %add3A_124 : i32
        %sub3A_126 = arith.constant 16 : i32
        %sub3A_127 = arith.subi %mul3A_31, %sub3A_126 : i32
        %min3A_128 = arith.minsi %add3A_125, %sub3A_127 : i32
        %mul3A_129 = arith.constant 128 : i32
        %mul3A_130 = arith.muli %mul3A_129, %while3A_78 : i32
        %add3A_131 = arith.constant 112 : i32
        %add3A_132 = arith.addi %mul3A_130, %add3A_131 : i32
        %sub3A_133 = arith.constant 16 : i32
        %sub3A_134 = arith.subi %mul3A_31, %sub3A_133 : i32
        %min3A_135 = arith.minsi %add3A_132, %sub3A_134 : i32
        %get3A = arith.index_cast %min3A_86 : i32 to index
        %get3A_136 = tpu.vector_load %arg12[%get3A] {strides = array<i32>} : memref<16640xi32, #tpu.memory_space<vmem>>, vector<16xi32>,
        %dma_start3A = arith.constant 0 : i32
        %dma_start3A_137 = arith.constant 0 : i32
        %dma_start3A_138 = tpu.memref_slice %arg14[%dma_start3A, %dma_start3A_137] : memref<128x128xf32, #tpu.memory_space<vmem>> -> memref<16x128xf32, #tpu.memory_space<vmem>>
        %dma_start3A_139 = arith.constant 0 : i32
        %dma_start3A_140 = arith.constant 0 : i32
        %dma_start3A_141 = tpu.memref_slice %arg3[%dma_start3A_139, %dma_start3A_140] : memref<16384x128xf32, #tpu.memory_space<hbm>> -> memref<16384x128xf32, #tpu.memory_space<hbm>>
        tpu.enqueue_indirect_dma source(%dma_start3A_141 : memref<16384x128xf32, #tpu.memory_space<hbm>>) target(%dma_start3A_138 : memref<16x128xf32, #tpu.memory_space<vmem>>) offsets(%get3A_136 : vector<16xi32>) semaphore(%arg16 : memref<!tpu.dma_semaphore, #tpu.memory_space<semaphore_mem>>)
        %gather3A = tpu.vector_load_idx %arg10[%get3A_136] : memref<16384xf32, #tpu.memory_space<vmem>>[vector<16xi32>], vector<16xf32>,
        %swap3A = arith.constant 0 : index
        %swap3A_142 = tpu.vector_load %arg15[%swap3A] {strides = array<i32>} : memref<128xf32, #tpu.memory_space<vmem>>, vector<16xf32>,
        tpu.vector_store %arg15[%swap3A], %gather3A {strides = array<i32>} : memref<128xf32, #tpu.memory_space<vmem>>, vector<16xf32>,
        %get3A_143 = arith.index_cast %min3A_93 : i32 to index
        %get3A_144 = tpu.vector_load %arg12[%get3A_143] {strides = array<i32>} : memref<16640xi32, #tpu.memory_space<vmem>>, vector<16xi32>,
        %dma_start3A_145 = arith.constant 16 : i32
        %dma_start3A_146 = arith.constant 0 : i32
        %dma_start3A_147 = tpu.memref_slice %arg14[%dma_start3A_145, %dma_start3A_146] : memref<128x128xf32, #tpu.memory_space<vmem>> -> memref<16x128xf32, #tpu.memory_space<vmem>>
        %dma_start3A_148 = arith.constant 0 : i32
        %dma_start3A_149 = arith.constant 0 : i32
        %dma_start3A_150 = tpu.memref_slice %arg3[%dma_start3A_148, %dma_start3A_149] : memref<16384x128xf32, #tpu.memory_space<hbm>> -> memref<16384x128xf32, #tpu.memory_space<hbm>>
        tpu.enqueue_indirect_dma source(%dma_start3A_150 : memref<16384x128xf32, #tpu.memory_space<hbm>>) target(%dma_start3A_147 : memref<16x128xf32, #tpu.memory_space<vmem>>) offsets(%get3A_144 : vector<16xi32>) semaphore(%arg16 : memref<!tpu.dma_semaphore, #tpu.memory_space<semaphore_mem>>)
        %gather3A_151 = tpu.vector_load_idx %arg10[%get3A_144] : memref<16384xf32, #tpu.memory_space<vmem>>[vector<16xi32>], vector<16xf32>,
        %swap3A_152 = arith.constant 16 : index
        %swap3A_153 = tpu.vector_load %arg15[%swap3A_152] {strides = array<i32>} : memref<128xf32, #tpu.memory_space<vmem>>, vector<16xf32>,
        tpu.vector_store %arg15[%swap3A_152], %gather3A_151 {strides = array<i32>} : memref<128xf32, #tpu.memory_space<vmem>>, vector<16xf32>,
        %get3A_154 = arith.index_cast %min3A_100 : i32 to index
        %get3A_155 = tpu.vector_load %arg12[%get3A_154] {strides = array<i32>} : memref<16640xi32, #tpu.memory_space<vmem>>, vector<16xi32>,
        %dma_start3A_156 = arith.constant 32 : i32
        %dma_start3A_157 = arith.constant 0 : i32
        %dma_start3A_158 = tpu.memref_slice %arg14[%dma_start3A_156, %dma_start3A_157] : memref<128x128xf32, #tpu.memory_space<vmem>> -> memref<16x128xf32, #tpu.memory_space<vmem>>
        %dma_start3A_159 = arith.constant 0 : i32
        %dma_start3A_160 = arith.constant 0 : i32
        %dma_start3A_161 = tpu.memref_slice %arg3[%dma_start3A_159, %dma_start3A_160] : memref<16384x128xf32, #tpu.memory_space<hbm>> -> memref<16384x128xf32, #tpu.memory_space<hbm>>
        tpu.enqueue_indirect_dma source(%dma_start3A_161 : memref<16384x128xf32, #tpu.memory_space<hbm>>) target(%dma_start3A_158 : memref<16x128xf32, #tpu.memory_space<vmem>>) offsets(%get3A_155 : vector<16xi32>) semaphore(%arg16 : memref<!tpu.dma_semaphore, #tpu.memory_space<semaphore_mem>>)
        %gather3A_162 = tpu.vector_load_idx %arg10[%get3A_155] : memref<16384xf32, #tpu.memory_space<vmem>>[vector<16xi32>], vector<16xf32>,
        %swap3A_163 = arith.constant 32 : index
        %swap3A_164 = tpu.vector_load %arg15[%swap3A_163] {strides = array<i32>} : memref<128xf32, #tpu.memory_space<vmem>>, vector<16xf32>,
        tpu.vector_store %arg15[%swap3A_163], %gather3A_162 {strides = array<i32>} : memref<128xf32, #tpu.memory_space<vmem>>, vector<16xf32>,
        %get3A_165 = arith.index_cast %min3A_107 : i32 to index
        %get3A_166 = tpu.vector_load %arg12[%get3A_165] {strides = array<i32>} : memref<16640xi32, #tpu.memory_space<vmem>>, vector<16xi32>,
        %dma_start3A_167 = arith.constant 48 : i32
        %dma_start3A_168 = arith.constant 0 : i32
        %dma_start3A_169 = tpu.memref_slice %arg14[%dma_start3A_167, %dma_start3A_168] : memref<128x128xf32, #tpu.memory_space<vmem>> -> memref<16x128xf32, #tpu.memory_space<vmem>>
        %dma_start3A_170 = arith.constant 0 : i32
        %dma_start3A_171 = arith.constant 0 : i32
        %dma_start3A_172 = tpu.memref_slice %arg3[%dma_start3A_170, %dma_start3A_171] : memref<16384x128xf32, #tpu.memory_space<hbm>> -> memref<16384x128xf32, #tpu.memory_space<hbm>>
        tpu.enqueue_indirect_dma source(%dma_start3A_172 : memref<16384x128xf32, #tpu.memory_space<hbm>>) target(%dma_start3A_169 : memref<16x128xf32, #tpu.memory_space<vmem>>) offsets(%get3A_166 : vector<16xi32>) semaphore(%arg16 : memref<!tpu.dma_semaphore, #tpu.memory_space<semaphore_mem>>)
        %gather3A_173 = tpu.vector_load_idx %arg10[%get3A_166] : memref<16384xf32, #tpu.memory_space<vmem>>[vector<16xi32>], vector<16xf32>,
        %swap3A_174 = arith.constant 48 : index
        %swap3A_175 = tpu.vector_load %arg15[%swap3A_174] {strides = array<i32>} : memref<128xf32, #tpu.memory_space<vmem>>, vector<16xf32>,
        tpu.vector_store %arg15[%swap3A_174], %gather3A_173 {strides = array<i32>} : memref<128xf32, #tpu.memory_space<vmem>>, vector<16xf32>,
        %get3A_176 = arith.index_cast %min3A_114 : i32 to index
        %get3A_177 = tpu.vector_load %arg12[%get3A_176] {strides = array<i32>} : memref<16640xi32, #tpu.memory_space<vmem>>, vector<16xi32>,
        %dma_start3A_178 = arith.constant 64 : i32
        %dma_start3A_179 = arith.constant 0 : i32
        %dma_start3A_180 = tpu.memref_slice %arg14[%dma_start3A_178, %dma_start3A_179] : memref<128x128xf32, #tpu.memory_space<vmem>> -> memref<16x128xf32, #tpu.memory_space<vmem>>
        %dma_start3A_181 = arith.constant 0 : i32
        %dma_start3A_182 = arith.constant 0 : i32
        %dma_start3A_183 = tpu.memref_slice %arg3[%dma_start3A_181, %dma_start3A_182] : memref<16384x128xf32, #tpu.memory_space<hbm>> -> memref<16384x128xf32, #tpu.memory_space<hbm>>
        tpu.enqueue_indirect_dma source(%dma_start3A_183 : memref<16384x128xf32, #tpu.memory_space<hbm>>) target(%dma_start3A_180 : memref<16x128xf32, #tpu.memory_space<vmem>>) offsets(%get3A_177 : vector<16xi32>) semaphore(%arg16 : memref<!tpu.dma_semaphore, #tpu.memory_space<semaphore_mem>>)
        %gather3A_184 = tpu.vector_load_idx %arg10[%get3A_177] : memref<16384xf32, #tpu.memory_space<vmem>>[vector<16xi32>], vector<16xf32>,
        %swap3A_185 = arith.constant 64 : index
        %swap3A_186 = tpu.vector_load %arg15[%swap3A_185] {strides = array<i32>} : memref<128xf32, #tpu.memory_space<vmem>>, vector<16xf32>,
        tpu.vector_store %arg15[%swap3A_185], %gather3A_184 {strides = array<i32>} : memref<128xf32, #tpu.memory_space<vmem>>, vector<16xf32>,
        %get3A_187 = arith.index_cast %min3A_121 : i32 to index
        %get3A_188 = tpu.vector_load %arg12[%get3A_187] {strides = array<i32>} : memref<16640xi32, #tpu.memory_space<vmem>>, vector<16xi32>,
        %dma_start3A_189 = arith.constant 80 : i32
        %dma_start3A_190 = arith.constant 0 : i32
        %dma_start3A_191 = tpu.memref_slice %arg14[%dma_start3A_189, %dma_start3A_190] : memref<128x128xf32, #tpu.memory_space<vmem>> -> memref<16x128xf32, #tpu.memory_space<vmem>>
        %dma_start3A_192 = arith.constant 0 : i32
        %dma_start3A_193 = arith.constant 0 : i32
        %dma_start3A_194 = tpu.memref_slice %arg3[%dma_start3A_192, %dma_start3A_193] : memref<16384x128xf32, #tpu.memory_space<hbm>> -> memref<16384x128xf32, #tpu.memory_space<hbm>>
        tpu.enqueue_indirect_dma source(%dma_start3A_194 : memref<16384x128xf32, #tpu.memory_space<hbm>>) target(%dma_start3A_191 : memref<16x128xf32, #tpu.memory_space<vmem>>) offsets(%get3A_188 : vector<16xi32>) semaphore(%arg16 : memref<!tpu.dma_semaphore, #tpu.memory_space<semaphore_mem>>)
        %gather3A_195 = tpu.vector_load_idx %arg10[%get3A_188] : memref<16384xf32, #tpu.memory_space<vmem>>[vector<16xi32>], vector<16xf32>,
        %swap3A_196 = arith.constant 80 : index
        %swap3A_197 = tpu.vector_load %arg15[%swap3A_196] {strides = array<i32>} : memref<128xf32, #tpu.memory_space<vmem>>, vector<16xf32>,
        tpu.vector_store %arg15[%swap3A_196], %gather3A_195 {strides = array<i32>} : memref<128xf32, #tpu.memory_space<vmem>>, vector<16xf32>,
        %get3A_198 = arith.index_cast %min3A_128 : i32 to index
        %get3A_199 = tpu.vector_load %arg12[%get3A_198] {strides = array<i32>} : memref<16640xi32, #tpu.memory_space<vmem>>, vector<16xi32>,
        %dma_start3A_200 = arith.constant 96 : i32
        %dma_start3A_201 = arith.constant 0 : i32
        %dma_start3A_202 = tpu.memref_slice %arg14[%dma_start3A_200, %dma_start3A_201] : memref<128x128xf32, #tpu.memory_space<vmem>> -> memref<16x128xf32, #tpu.memory_space<vmem>>
        %dma_start3A_203 = arith.constant 0 : i32
        %dma_start3A_204 = arith.constant 0 : i32
        %dma_start3A_205 = tpu.memref_slice %arg3[%dma_start3A_203, %dma_start3A_204] : memref<16384x128xf32, #tpu.memory_space<hbm>> -> memref<16384x128xf32, #tpu.memory_space<hbm>>
        tpu.enqueue_indirect_dma source(%dma_start3A_205 : memref<16384x128xf32, #tpu.memory_space<hbm>>) target(%dma_start3A_202 : memref<16x128xf32, #tpu.memory_space<vmem>>) offsets(%get3A_199 : vector<16xi32>) semaphore(%arg16 : memref<!tpu.dma_semaphore, #tpu.memory_space<semaphore_mem>>)
        %gather3A_206 = tpu.vector_load_idx %arg10[%get3A_199] : memref<16384xf32, #tpu.memory_space<vmem>>[vector<16xi32>], vector<16xf32>,
        %swap3A_207 = arith.constant 96 : index
        %swap3A_208 = tpu.vector_load %arg15[%swap3A_207] {strides = array<i32>} : memref<128xf32, #tpu.memory_space<vmem>>, vector<16xf32>,
        tpu.vector_store %arg15[%swap3A_207], %gather3A_206 {strides = array<i32>} : memref<128xf32, #tpu.memory_space<vmem>>, vector<16xf32>,
        %get3A_209 = arith.index_cast %min3A_135 : i32 to index
        %get3A_210 = tpu.vector_load %arg12[%get3A_209] {strides = array<i32>} : memref<16640xi32, #tpu.memory_space<vmem>>, vector<16xi32>,
        %dma_start3A_211 = arith.constant 112 : i32
        %dma_start3A_212 = arith.constant 0 : i32
        %dma_start3A_213 = tpu.memref_slice %arg14[%dma_start3A_211, %dma_start3A_212] : memref<128x128xf32, #tpu.memory_space<vmem>> -> memref<16x128xf32, #tpu.memory_space<vmem>>
        %dma_start3A_214 = arith.constant 0 : i32
        %dma_start3A_215 = arith.constant 0 : i32
        %dma_start3A_216 = tpu.memref_slice %arg3[%dma_start3A_214, %dma_start3A_215] : memref<16384x128xf32, #tpu.memory_space<hbm>> -> memref<16384x128xf32, #tpu.memory_space<hbm>>
        tpu.enqueue_indirect_dma source(%dma_start3A_216 : memref<16384x128xf32, #tpu.memory_space<hbm>>) target(%dma_start3A_213 : memref<16x128xf32, #tpu.memory_space<vmem>>) offsets(%get3A_210 : vector<16xi32>) semaphore(%arg16 : memref<!tpu.dma_semaphore, #tpu.memory_space<semaphore_mem>>)
        %gather3A_217 = tpu.vector_load_idx %arg10[%get3A_210] : memref<16384xf32, #tpu.memory_space<vmem>>[vector<16xi32>], vector<16xf32>,
        %swap3A_218 = arith.constant 112 : index
        %swap3A_219 = tpu.vector_load %arg15[%swap3A_218] {strides = array<i32>} : memref<128xf32, #tpu.memory_space<vmem>>, vector<16xf32>,
        tpu.vector_store %arg15[%swap3A_218], %gather3A_217 {strides = array<i32>} : memref<128xf32, #tpu.memory_space<vmem>>, vector<16xf32>,
        %dma_wait3A = arith.constant 0 : i32
        %dma_wait3A_220 = arith.constant 0 : i32
        %dma_wait3A_221 = tpu.memref_slice %arg14[%dma_wait3A, %dma_wait3A_220] : memref<128x128xf32, #tpu.memory_space<vmem>> -> memref<16x128xf32, #tpu.memory_space<vmem>>
        %dma_wait3A_222 = arith.constant 0 : i32
        %dma_wait3A_223 = arith.constant 0 : i32
        %dma_wait3A_224 = tpu.memref_slice %arg3[%dma_wait3A_222, %dma_wait3A_223] : memref<16384x128xf32, #tpu.memory_space<hbm>> -> memref<16384x128xf32, #tpu.memory_space<hbm>>
        tpu.wait_indirect_dma semaphore(%arg16 : memref<!tpu.dma_semaphore, #tpu.memory_space<semaphore_mem>>) src(%dma_wait3A_224 : memref<16384x128xf32, #tpu.memory_space<hbm>>) dst(%dma_wait3A_221 : memref<16x128xf32, #tpu.memory_space<vmem>>)
        %dma_wait3A_225 = arith.constant 16 : i32
        %dma_wait3A_226 = arith.constant 0 : i32
        %dma_wait3A_227 = tpu.memref_slice %arg14[%dma_wait3A_225, %dma_wait3A_226] : memref<128x128xf32, #tpu.memory_space<vmem>> -> memref<16x128xf32, #tpu.memory_space<vmem>>
        %dma_wait3A_228 = arith.constant 0 : i32
        %dma_wait3A_229 = arith.constant 0 : i32
        %dma_wait3A_230 = tpu.memref_slice %arg3[%dma_wait3A_228, %dma_wait3A_229] : memref<16384x128xf32, #tpu.memory_space<hbm>> -> memref<16384x128xf32, #tpu.memory_space<hbm>>
        tpu.wait_indirect_dma semaphore(%arg16 : memref<!tpu.dma_semaphore, #tpu.memory_space<semaphore_mem>>) src(%dma_wait3A_230 : memref<16384x128xf32, #tpu.memory_space<hbm>>) dst(%dma_wait3A_227 : memref<16x128xf32, #tpu.memory_space<vmem>>)
        %dma_wait3A_231 = arith.constant 32 : i32
        %dma_wait3A_232 = arith.constant 0 : i32
        %dma_wait3A_233 = tpu.memref_slice %arg14[%dma_wait3A_231, %dma_wait3A_232] : memref<128x128xf32, #tpu.memory_space<vmem>> -> memref<16x128xf32, #tpu.memory_space<vmem>>
        %dma_wait3A_234 = arith.constant 0 : i32
        %dma_wait3A_235 = arith.constant 0 : i32
        %dma_wait3A_236 = tpu.memref_slice %arg3[%dma_wait3A_234, %dma_wait3A_235] : memref<16384x128xf32, #tpu.memory_space<hbm>> -> memref<16384x128xf32, #tpu.memory_space<hbm>>
        tpu.wait_indirect_dma semaphore(%arg16 : memref<!tpu.dma_semaphore, #tpu.memory_space<semaphore_mem>>) src(%dma_wait3A_236 : memref<16384x128xf32, #tpu.memory_space<hbm>>) dst(%dma_wait3A_233 : memref<16x128xf32, #tpu.memory_space<vmem>>)
        %dma_wait3A_237 = arith.constant 48 : i32
        %dma_wait3A_238 = arith.constant 0 : i32
        %dma_wait3A_239 = tpu.memref_slice %arg14[%dma_wait3A_237, %dma_wait3A_238] : memref<128x128xf32, #tpu.memory_space<vmem>> -> memref<16x128xf32, #tpu.memory_space<vmem>>
        %dma_wait3A_240 = arith.constant 0 : i32
        %dma_wait3A_241 = arith.constant 0 : i32
        %dma_wait3A_242 = tpu.memref_slice %arg3[%dma_wait3A_240, %dma_wait3A_241] : memref<16384x128xf32, #tpu.memory_space<hbm>> -> memref<16384x128xf32, #tpu.memory_space<hbm>>
        tpu.wait_indirect_dma semaphore(%arg16 : memref<!tpu.dma_semaphore, #tpu.memory_space<semaphore_mem>>) src(%dma_wait3A_242 : memref<16384x128xf32, #tpu.memory_space<hbm>>) dst(%dma_wait3A_239 : memref<16x128xf32, #tpu.memory_space<vmem>>)
        %dma_wait3A_243 = arith.constant 64 : i32
        %dma_wait3A_244 = arith.constant 0 : i32
        %dma_wait3A_245 = tpu.memref_slice %arg14[%dma_wait3A_243, %dma_wait3A_244] : memref<128x128xf32, #tpu.memory_space<vmem>> -> memref<16x128xf32, #tpu.memory_space<vmem>>
        %dma_wait3A_246 = arith.constant 0 : i32
        %dma_wait3A_247 = arith.constant 0 : i32
        %dma_wait3A_248 = tpu.memref_slice %arg3[%dma_wait3A_246, %dma_wait3A_247] : memref<16384x128xf32, #tpu.memory_space<hbm>> -> memref<16384x128xf32, #tpu.memory_space<hbm>>
        tpu.wait_indirect_dma semaphore(%arg16 : memref<!tpu.dma_semaphore, #tpu.memory_space<semaphore_mem>>) src(%dma_wait3A_248 : memref<16384x128xf32, #tpu.memory_space<hbm>>) dst(%dma_wait3A_245 : memref<16x128xf32, #tpu.memory_space<vmem>>)
        %dma_wait3A_249 = arith.constant 80 : i32
        %dma_wait3A_250 = arith.constant 0 : i32
        %dma_wait3A_251 = tpu.memref_slice %arg14[%dma_wait3A_249, %dma_wait3A_250] : memref<128x128xf32, #tpu.memory_space<vmem>> -> memref<16x128xf32, #tpu.memory_space<vmem>>
        %dma_wait3A_252 = arith.constant 0 : i32
        %dma_wait3A_253 = arith.constant 0 : i32
        %dma_wait3A_254 = tpu.memref_slice %arg3[%dma_wait3A_252, %dma_wait3A_253] : memref<16384x128xf32, #tpu.memory_space<hbm>> -> memref<16384x128xf32, #tpu.memory_space<hbm>>
        tpu.wait_indirect_dma semaphore(%arg16 : memref<!tpu.dma_semaphore, #tpu.memory_space<semaphore_mem>>) src(%dma_wait3A_254 : memref<16384x128xf32, #tpu.memory_space<hbm>>) dst(%dma_wait3A_251 : memref<16x128xf32, #tpu.memory_space<vmem>>)
        %dma_wait3A_255 = arith.constant 96 : i32
        %dma_wait3A_256 = arith.constant 0 : i32
        %dma_wait3A_257 = tpu.memref_slice %arg14[%dma_wait3A_255, %dma_wait3A_256] : memref<128x128xf32, #tpu.memory_space<vmem>> -> memref<16x128xf32, #tpu.memory_space<vmem>>
        %dma_wait3A_258 = arith.constant 0 : i32
        %dma_wait3A_259 = arith.constant 0 : i32
        %dma_wait3A_260 = tpu.memref_slice %arg3[%dma_wait3A_258, %dma_wait3A_259] : memref<16384x128xf32, #tpu.memory_space<hbm>> -> memref<16384x128xf32, #tpu.memory_space<hbm>>
        tpu.wait_indirect_dma semaphore(%arg16 : memref<!tpu.dma_semaphore, #tpu.memory_space<semaphore_mem>>) src(%dma_wait3A_260 : memref<16384x128xf32, #tpu.memory_space<hbm>>) dst(%dma_wait3A_257 : memref<16x128xf32, #tpu.memory_space<vmem>>)
        %dma_wait3A_261 = arith.constant 112 : i32
        %dma_wait3A_262 = arith.constant 0 : i32
        %dma_wait3A_263 = tpu.memref_slice %arg14[%dma_wait3A_261, %dma_wait3A_262] : memref<128x128xf32, #tpu.memory_space<vmem>> -> memref<16x128xf32, #tpu.memory_space<vmem>>
        %dma_wait3A_264 = arith.constant 0 : i32
        %dma_wait3A_265 = arith.constant 0 : i32
        %dma_wait3A_266 = tpu.memref_slice %arg3[%dma_wait3A_264, %dma_wait3A_265] : memref<16384x128xf32, #tpu.memory_space<hbm>> -> memref<16384x128xf32, #tpu.memory_space<hbm>>
        tpu.wait_indirect_dma semaphore(%arg16 : memref<!tpu.dma_semaphore, #tpu.memory_space<semaphore_mem>>) src(%dma_wait3A_266 : memref<16384x128xf32, #tpu.memory_space<hbm>>) dst(%dma_wait3A_263 : memref<16x128xf32, #tpu.memory_space<vmem>>)
        %get3A_267 = arith.index_cast %min3A_86 : i32 to index
        %get3A_268 = tpu.vector_load %arg11[%get3A_267] {strides = array<i32>} : memref<16640xi32, #tpu.memory_space<vmem>>, vector<16xi32>,
        %dma_start3A_269 = arith.constant 0 : i32
        %dma_start3A_270 = arith.constant 0 : i32
        %dma_start3A_271 = tpu.memref_slice %arg14[%dma_start3A_269, %dma_start3A_270] : memref<128x128xf32, #tpu.memory_space<vmem>> -> memref<16x128xf32, #tpu.memory_space<vmem>>
        %dma_start3A_272 = arith.constant 0 : i32
        %dma_start3A_273 = arith.constant 0 : i32
        %dma_start3A_274 = tpu.memref_slice %arg5[%dma_start3A_272, %dma_start3A_273] : memref<100000x128xf32, #tpu.memory_space<hbm>> -> memref<100000x128xf32, #tpu.memory_space<hbm>>
        tpu.enqueue_indirect_dma source(%dma_start3A_271 : memref<16x128xf32, #tpu.memory_space<vmem>>) target(%dma_start3A_274 : memref<100000x128xf32, #tpu.memory_space<hbm>>) offsets(%get3A_268 : vector<16xi32>) semaphore(%arg17 : memref<!tpu.dma_semaphore, #tpu.memory_space<semaphore_mem>>)
        %dma_start3A_275 = arith.constant 0 : i32
        %dma_start3A_276 = tpu.memref_slice %arg15[%dma_start3A_275] : memref<128xf32, #tpu.memory_space<vmem>> -> memref<16xf32, #tpu.memory_space<vmem>>
        %dma_start3A_277 = arith.constant 0 : i32
        %dma_start3A_278 = tpu.memref_slice %arg6[%dma_start3A_277] : memref<100000xf32, #tpu.memory_space<hbm>> -> memref<100000xf32, #tpu.memory_space<hbm>>
        tpu.enqueue_indirect_dma source(%dma_start3A_276 : memref<16xf32, #tpu.memory_space<vmem>>) target(%dma_start3A_278 : memref<100000xf32, #tpu.memory_space<hbm>>) offsets(%get3A_268 : vector<16xi32>) semaphore(%arg17 : memref<!tpu.dma_semaphore, #tpu.memory_space<semaphore_mem>>)
        %get3A_279 = arith.index_cast %min3A_93 : i32 to index
        %get3A_280 = tpu.vector_load %arg11[%get3A_279] {strides = array<i32>} : memref<16640xi32, #tpu.memory_space<vmem>>, vector<16xi32>,
        %dma_start3A_281 = arith.constant 16 : i32
        %dma_start3A_282 = arith.constant 0 : i32
        %dma_start3A_283 = tpu.memref_slice %arg14[%dma_start3A_281, %dma_start3A_282] : memref<128x128xf32, #tpu.memory_space<vmem>> -> memref<16x128xf32, #tpu.memory_space<vmem>>
        %dma_start3A_284 = arith.constant 0 : i32
        %dma_start3A_285 = arith.constant 0 : i32
        %dma_start3A_286 = tpu.memref_slice %arg5[%dma_start3A_284, %dma_start3A_285] : memref<100000x128xf32, #tpu.memory_space<hbm>> -> memref<100000x128xf32, #tpu.memory_space<hbm>>
        tpu.enqueue_indirect_dma source(%dma_start3A_283 : memref<16x128xf32, #tpu.memory_space<vmem>>) target(%dma_start3A_286 : memref<100000x128xf32, #tpu.memory_space<hbm>>) offsets(%get3A_280 : vector<16xi32>) semaphore(%arg17 : memref<!tpu.dma_semaphore, #tpu.memory_space<semaphore_mem>>)
        %dma_start3A_287 = arith.constant 16 : i32
        %dma_start3A_288 = tpu.memref_slice %arg15[%dma_start3A_287] : memref<128xf32, #tpu.memory_space<vmem>> -> memref<16xf32, #tpu.memory_space<vmem>>
        %dma_start3A_289 = arith.constant 0 : i32
        %dma_start3A_290 = tpu.memref_slice %arg6[%dma_start3A_289] : memref<100000xf32, #tpu.memory_space<hbm>> -> memref<100000xf32, #tpu.memory_space<hbm>>
        tpu.enqueue_indirect_dma source(%dma_start3A_288 : memref<16xf32, #tpu.memory_space<vmem>>) target(%dma_start3A_290 : memref<100000xf32, #tpu.memory_space<hbm>>) offsets(%get3A_280 : vector<16xi32>) semaphore(%arg17 : memref<!tpu.dma_semaphore, #tpu.memory_space<semaphore_mem>>)
        %get3A_291 = arith.index_cast %min3A_100 : i32 to index
        %get3A_292 = tpu.vector_load %arg11[%get3A_291] {strides = array<i32>} : memref<16640xi32, #tpu.memory_space<vmem>>, vector<16xi32>,
        %dma_start3A_293 = arith.constant 32 : i32
        %dma_start3A_294 = arith.constant 0 : i32
        %dma_start3A_295 = tpu.memref_slice %arg14[%dma_start3A_293, %dma_start3A_294] : memref<128x128xf32, #tpu.memory_space<vmem>> -> memref<16x128xf32, #tpu.memory_space<vmem>>
        %dma_start3A_296 = arith.constant 0 : i32
        %dma_start3A_297 = arith.constant 0 : i32
        %dma_start3A_298 = tpu.memref_slice %arg5[%dma_start3A_296, %dma_start3A_297] : memref<100000x128xf32, #tpu.memory_space<hbm>> -> memref<100000x128xf32, #tpu.memory_space<hbm>>
        tpu.enqueue_indirect_dma source(%dma_start3A_295 : memref<16x128xf32, #tpu.memory_space<vmem>>) target(%dma_start3A_298 : memref<100000x128xf32, #tpu.memory_space<hbm>>) offsets(%get3A_292 : vector<16xi32>) semaphore(%arg17 : memref<!tpu.dma_semaphore, #tpu.memory_space<semaphore_mem>>)
        %dma_start3A_299 = arith.constant 32 : i32
        %dma_start3A_300 = tpu.memref_slice %arg15[%dma_start3A_299] : memref<128xf32, #tpu.memory_space<vmem>> -> memref<16xf32, #tpu.memory_space<vmem>>
        %dma_start3A_301 = arith.constant 0 : i32
        %dma_start3A_302 = tpu.memref_slice %arg6[%dma_start3A_301] : memref<100000xf32, #tpu.memory_space<hbm>> -> memref<100000xf32, #tpu.memory_space<hbm>>
        tpu.enqueue_indirect_dma source(%dma_start3A_300 : memref<16xf32, #tpu.memory_space<vmem>>) target(%dma_start3A_302 : memref<100000xf32, #tpu.memory_space<hbm>>) offsets(%get3A_292 : vector<16xi32>) semaphore(%arg17 : memref<!tpu.dma_semaphore, #tpu.memory_space<semaphore_mem>>)
        %get3A_303 = arith.index_cast %min3A_107 : i32 to index
        %get3A_304 = tpu.vector_load %arg11[%get3A_303] {strides = array<i32>} : memref<16640xi32, #tpu.memory_space<vmem>>, vector<16xi32>,
        %dma_start3A_305 = arith.constant 48 : i32
        %dma_start3A_306 = arith.constant 0 : i32
        %dma_start3A_307 = tpu.memref_slice %arg14[%dma_start3A_305, %dma_start3A_306] : memref<128x128xf32, #tpu.memory_space<vmem>> -> memref<16x128xf32, #tpu.memory_space<vmem>>
        %dma_start3A_308 = arith.constant 0 : i32
        %dma_start3A_309 = arith.constant 0 : i32
        %dma_start3A_310 = tpu.memref_slice %arg5[%dma_start3A_308, %dma_start3A_309] : memref<100000x128xf32, #tpu.memory_space<hbm>> -> memref<100000x128xf32, #tpu.memory_space<hbm>>
        tpu.enqueue_indirect_dma source(%dma_start3A_307 : memref<16x128xf32, #tpu.memory_space<vmem>>) target(%dma_start3A_310 : memref<100000x128xf32, #tpu.memory_space<hbm>>) offsets(%get3A_304 : vector<16xi32>) semaphore(%arg17 : memref<!tpu.dma_semaphore, #tpu.memory_space<semaphore_mem>>)
        %dma_start3A_311 = arith.constant 48 : i32
        %dma_start3A_312 = tpu.memref_slice %arg15[%dma_start3A_311] : memref<128xf32, #tpu.memory_space<vmem>> -> memref<16xf32, #tpu.memory_space<vmem>>
        %dma_start3A_313 = arith.constant 0 : i32
        %dma_start3A_314 = tpu.memref_slice %arg6[%dma_start3A_313] : memref<100000xf32, #tpu.memory_space<hbm>> -> memref<100000xf32, #tpu.memory_space<hbm>>
        tpu.enqueue_indirect_dma source(%dma_start3A_312 : memref<16xf32, #tpu.memory_space<vmem>>) target(%dma_start3A_314 : memref<100000xf32, #tpu.memory_space<hbm>>) offsets(%get3A_304 : vector<16xi32>) semaphore(%arg17 : memref<!tpu.dma_semaphore, #tpu.memory_space<semaphore_mem>>)
        %get3A_315 = arith.index_cast %min3A_114 : i32 to index
        %get3A_316 = tpu.vector_load %arg11[%get3A_315] {strides = array<i32>} : memref<16640xi32, #tpu.memory_space<vmem>>, vector<16xi32>,
        %dma_start3A_317 = arith.constant 64 : i32
        %dma_start3A_318 = arith.constant 0 : i32
        %dma_start3A_319 = tpu.memref_slice %arg14[%dma_start3A_317, %dma_start3A_318] : memref<128x128xf32, #tpu.memory_space<vmem>> -> memref<16x128xf32, #tpu.memory_space<vmem>>
        %dma_start3A_320 = arith.constant 0 : i32
        %dma_start3A_321 = arith.constant 0 : i32
        %dma_start3A_322 = tpu.memref_slice %arg5[%dma_start3A_320, %dma_start3A_321] : memref<100000x128xf32, #tpu.memory_space<hbm>> -> memref<100000x128xf32, #tpu.memory_space<hbm>>
        tpu.enqueue_indirect_dma source(%dma_start3A_319 : memref<16x128xf32, #tpu.memory_space<vmem>>) target(%dma_start3A_322 : memref<100000x128xf32, #tpu.memory_space<hbm>>) offsets(%get3A_316 : vector<16xi32>) semaphore(%arg17 : memref<!tpu.dma_semaphore, #tpu.memory_space<semaphore_mem>>)
        %dma_start3A_323 = arith.constant 64 : i32
        %dma_start3A_324 = tpu.memref_slice %arg15[%dma_start3A_323] : memref<128xf32, #tpu.memory_space<vmem>> -> memref<16xf32, #tpu.memory_space<vmem>>
        %dma_start3A_325 = arith.constant 0 : i32
        %dma_start3A_326 = tpu.memref_slice %arg6[%dma_start3A_325] : memref<100000xf32, #tpu.memory_space<hbm>> -> memref<100000xf32, #tpu.memory_space<hbm>>
        tpu.enqueue_indirect_dma source(%dma_start3A_324 : memref<16xf32, #tpu.memory_space<vmem>>) target(%dma_start3A_326 : memref<100000xf32, #tpu.memory_space<hbm>>) offsets(%get3A_316 : vector<16xi32>) semaphore(%arg17 : memref<!tpu.dma_semaphore, #tpu.memory_space<semaphore_mem>>)
        %get3A_327 = arith.index_cast %min3A_121 : i32 to index
        %get3A_328 = tpu.vector_load %arg11[%get3A_327] {strides = array<i32>} : memref<16640xi32, #tpu.memory_space<vmem>>, vector<16xi32>,
        %dma_start3A_329 = arith.constant 80 : i32
        %dma_start3A_330 = arith.constant 0 : i32
        %dma_start3A_331 = tpu.memref_slice %arg14[%dma_start3A_329, %dma_start3A_330] : memref<128x128xf32, #tpu.memory_space<vmem>> -> memref<16x128xf32, #tpu.memory_space<vmem>>
        %dma_start3A_332 = arith.constant 0 : i32
        %dma_start3A_333 = arith.constant 0 : i32
        %dma_start3A_334 = tpu.memref_slice %arg5[%dma_start3A_332, %dma_start3A_333] : memref<100000x128xf32, #tpu.memory_space<hbm>> -> memref<100000x128xf32, #tpu.memory_space<hbm>>
        tpu.enqueue_indirect_dma source(%dma_start3A_331 : memref<16x128xf32, #tpu.memory_space<vmem>>) target(%dma_start3A_334 : memref<100000x128xf32, #tpu.memory_space<hbm>>) offsets(%get3A_328 : vector<16xi32>) semaphore(%arg17 : memref<!tpu.dma_semaphore, #tpu.memory_space<semaphore_mem>>)
        %dma_start3A_335 = arith.constant 80 : i32
        %dma_start3A_336 = tpu.memref_slice %arg15[%dma_start3A_335] : memref<128xf32, #tpu.memory_space<vmem>> -> memref<16xf32, #tpu.memory_space<vmem>>
        %dma_start3A_337 = arith.constant 0 : i32
        %dma_start3A_338 = tpu.memref_slice %arg6[%dma_start3A_337] : memref<100000xf32, #tpu.memory_space<hbm>> -> memref<100000xf32, #tpu.memory_space<hbm>>
        tpu.enqueue_indirect_dma source(%dma_start3A_336 : memref<16xf32, #tpu.memory_space<vmem>>) target(%dma_start3A_338 : memref<100000xf32, #tpu.memory_space<hbm>>) offsets(%get3A_328 : vector<16xi32>) semaphore(%arg17 : memref<!tpu.dma_semaphore, #tpu.memory_space<semaphore_mem>>)
        %get3A_339 = arith.index_cast %min3A_128 : i32 to index
        %get3A_340 = tpu.vector_load %arg11[%get3A_339] {strides = array<i32>} : memref<16640xi32, #tpu.memory_space<vmem>>, vector<16xi32>,
        %dma_start3A_341 = arith.constant 96 : i32
        %dma_start3A_342 = arith.constant 0 : i32
        %dma_start3A_343 = tpu.memref_slice %arg14[%dma_start3A_341, %dma_start3A_342] : memref<128x128xf32, #tpu.memory_space<vmem>> -> memref<16x128xf32, #tpu.memory_space<vmem>>
        %dma_start3A_344 = arith.constant 0 : i32
        %dma_start3A_345 = arith.constant 0 : i32
        %dma_start3A_346 = tpu.memref_slice %arg5[%dma_start3A_344, %dma_start3A_345] : memref<100000x128xf32, #tpu.memory_space<hbm>> -> memref<100000x128xf32, #tpu.memory_space<hbm>>
        tpu.enqueue_indirect_dma source(%dma_start3A_343 : memref<16x128xf32, #tpu.memory_space<vmem>>) target(%dma_start3A_346 : memref<100000x128xf32, #tpu.memory_space<hbm>>) offsets(%get3A_340 : vector<16xi32>) semaphore(%arg17 : memref<!tpu.dma_semaphore, #tpu.memory_space<semaphore_mem>>)
        %dma_start3A_347 = arith.constant 96 : i32
        %dma_start3A_348 = tpu.memref_slice %arg15[%dma_start3A_347] : memref<128xf32, #tpu.memory_space<vmem>> -> memref<16xf32, #tpu.memory_space<vmem>>
        %dma_start3A_349 = arith.constant 0 : i32
        %dma_start3A_350 = tpu.memref_slice %arg6[%dma_start3A_349] : memref<100000xf32, #tpu.memory_space<hbm>> -> memref<100000xf32, #tpu.memory_space<hbm>>
        tpu.enqueue_indirect_dma source(%dma_start3A_348 : memref<16xf32, #tpu.memory_space<vmem>>) target(%dma_start3A_350 : memref<100000xf32, #tpu.memory_space<hbm>>) offsets(%get3A_340 : vector<16xi32>) semaphore(%arg17 : memref<!tpu.dma_semaphore, #tpu.memory_space<semaphore_mem>>)
        %get3A_351 = arith.index_cast %min3A_135 : i32 to index
        %get3A_352 = tpu.vector_load %arg11[%get3A_351] {strides = array<i32>} : memref<16640xi32, #tpu.memory_space<vmem>>, vector<16xi32>,
        %dma_start3A_353 = arith.constant 112 : i32
        %dma_start3A_354 = arith.constant 0 : i32
        %dma_start3A_355 = tpu.memref_slice %arg14[%dma_start3A_353, %dma_start3A_354] : memref<128x128xf32, #tpu.memory_space<vmem>> -> memref<16x128xf32, #tpu.memory_space<vmem>>
        %dma_start3A_356 = arith.constant 0 : i32
        %dma_start3A_357 = arith.constant 0 : i32
        %dma_start3A_358 = tpu.memref_slice %arg5[%dma_start3A_356, %dma_start3A_357] : memref<100000x128xf32, #tpu.memory_space<hbm>> -> memref<100000x128xf32, #tpu.memory_space<hbm>>
        tpu.enqueue_indirect_dma source(%dma_start3A_355 : memref<16x128xf32, #tpu.memory_space<vmem>>) target(%dma_start3A_358 : memref<100000x128xf32, #tpu.memory_space<hbm>>) offsets(%get3A_352 : vector<16xi32>) semaphore(%arg17 : memref<!tpu.dma_semaphore, #tpu.memory_space<semaphore_mem>>)
        %dma_start3A_359 = arith.constant 112 : i32
        %dma_start3A_360 = tpu.memref_slice %arg15[%dma_start3A_359] : memref<128xf32, #tpu.memory_space<vmem>> -> memref<16xf32, #tpu.memory_space<vmem>>
        %dma_start3A_361 = arith.constant 0 : i32
        %dma_start3A_362 = tpu.memref_slice %arg6[%dma_start3A_361] : memref<100000xf32, #tpu.memory_space<hbm>> -> memref<100000xf32, #tpu.memory_space<hbm>>
        tpu.enqueue_indirect_dma source(%dma_start3A_360 : memref<16xf32, #tpu.memory_space<vmem>>) target(%dma_start3A_362 : memref<100000xf32, #tpu.memory_space<hbm>>) offsets(%get3A_352 : vector<16xi32>) semaphore(%arg17 : memref<!tpu.dma_semaphore, #tpu.memory_space<semaphore_mem>>)
        %dma_wait3A_363 = arith.constant 0 : i32
        %dma_wait3A_364 = arith.constant 0 : i32
        %dma_wait3A_365 = tpu.memref_slice %arg14[%dma_wait3A_363, %dma_wait3A_364] : memref<128x128xf32, #tpu.memory_space<vmem>> -> memref<16x128xf32, #tpu.memory_space<vmem>>
        %dma_wait3A_366 = arith.constant 0 : i32
        %dma_wait3A_367 = arith.constant 0 : i32
        %dma_wait3A_368 = tpu.memref_slice %arg5[%dma_wait3A_366, %dma_wait3A_367] : memref<100000x128xf32, #tpu.memory_space<hbm>> -> memref<100000x128xf32, #tpu.memory_space<hbm>>
        tpu.wait_indirect_dma semaphore(%arg17 : memref<!tpu.dma_semaphore, #tpu.memory_space<semaphore_mem>>) src(%dma_wait3A_365 : memref<16x128xf32, #tpu.memory_space<vmem>>) dst(%dma_wait3A_368 : memref<100000x128xf32, #tpu.memory_space<hbm>>)
        %dma_wait3A_369 = arith.constant 0 : i32
        %dma_wait3A_370 = tpu.memref_slice %arg15[%dma_wait3A_369] : memref<128xf32, #tpu.memory_space<vmem>> -> memref<16xf32, #tpu.memory_space<vmem>>
        %dma_wait3A_371 = arith.constant 0 : i32
        %dma_wait3A_372 = tpu.memref_slice %arg6[%dma_wait3A_371] : memref<100000xf32, #tpu.memory_space<hbm>> -> memref<100000xf32, #tpu.memory_space<hbm>>
        tpu.wait_indirect_dma semaphore(%arg17 : memref<!tpu.dma_semaphore, #tpu.memory_space<semaphore_mem>>) src(%dma_wait3A_370 : memref<16xf32, #tpu.memory_space<vmem>>) dst(%dma_wait3A_372 : memref<100000xf32, #tpu.memory_space<hbm>>)
        %dma_wait3A_373 = arith.constant 16 : i32
        %dma_wait3A_374 = arith.constant 0 : i32
        %dma_wait3A_375 = tpu.memref_slice %arg14[%dma_wait3A_373, %dma_wait3A_374] : memref<128x128xf32, #tpu.memory_space<vmem>> -> memref<16x128xf32, #tpu.memory_space<vmem>>
        %dma_wait3A_376 = arith.constant 0 : i32
        %dma_wait3A_377 = arith.constant 0 : i32
        %dma_wait3A_378 = tpu.memref_slice %arg5[%dma_wait3A_376, %dma_wait3A_377] : memref<100000x128xf32, #tpu.memory_space<hbm>> -> memref<100000x128xf32, #tpu.memory_space<hbm>>
        tpu.wait_indirect_dma semaphore(%arg17 : memref<!tpu.dma_semaphore, #tpu.memory_space<semaphore_mem>>) src(%dma_wait3A_375 : memref<16x128xf32, #tpu.memory_space<vmem>>) dst(%dma_wait3A_378 : memref<100000x128xf32, #tpu.memory_space<hbm>>)
        %dma_wait3A_379 = arith.constant 16 : i32
        %dma_wait3A_380 = tpu.memref_slice %arg15[%dma_wait3A_379] : memref<128xf32, #tpu.memory_space<vmem>> -> memref<16xf32, #tpu.memory_space<vmem>>
        %dma_wait3A_381 = arith.constant 0 : i32
        %dma_wait3A_382 = tpu.memref_slice %arg6[%dma_wait3A_381] : memref<100000xf32, #tpu.memory_space<hbm>> -> memref<100000xf32, #tpu.memory_space<hbm>>
        tpu.wait_indirect_dma semaphore(%arg17 : memref<!tpu.dma_semaphore, #tpu.memory_space<semaphore_mem>>) src(%dma_wait3A_380 : memref<16xf32, #tpu.memory_space<vmem>>) dst(%dma_wait3A_382 : memref<100000xf32, #tpu.memory_space<hbm>>)
        %dma_wait3A_383 = arith.constant 32 : i32
        %dma_wait3A_384 = arith.constant 0 : i32
        %dma_wait3A_385 = tpu.memref_slice %arg14[%dma_wait3A_383, %dma_wait3A_384] : memref<128x128xf32, #tpu.memory_space<vmem>> -> memref<16x128xf32, #tpu.memory_space<vmem>>
        %dma_wait3A_386 = arith.constant 0 : i32
        %dma_wait3A_387 = arith.constant 0 : i32
        %dma_wait3A_388 = tpu.memref_slice %arg5[%dma_wait3A_386, %dma_wait3A_387] : memref<100000x128xf32, #tpu.memory_space<hbm>> -> memref<100000x128xf32, #tpu.memory_space<hbm>>
        tpu.wait_indirect_dma semaphore(%arg17 : memref<!tpu.dma_semaphore, #tpu.memory_space<semaphore_mem>>) src(%dma_wait3A_385 : memref<16x128xf32, #tpu.memory_space<vmem>>) dst(%dma_wait3A_388 : memref<100000x128xf32, #tpu.memory_space<hbm>>)
        %dma_wait3A_389 = arith.constant 32 : i32
        %dma_wait3A_390 = tpu.memref_slice %arg15[%dma_wait3A_389] : memref<128xf32, #tpu.memory_space<vmem>> -> memref<16xf32, #tpu.memory_space<vmem>>
        %dma_wait3A_391 = arith.constant 0 : i32
        %dma_wait3A_392 = tpu.memref_slice %arg6[%dma_wait3A_391] : memref<100000xf32, #tpu.memory_space<hbm>> -> memref<100000xf32, #tpu.memory_space<hbm>>
        tpu.wait_indirect_dma semaphore(%arg17 : memref<!tpu.dma_semaphore, #tpu.memory_space<semaphore_mem>>) src(%dma_wait3A_390 : memref<16xf32, #tpu.memory_space<vmem>>) dst(%dma_wait3A_392 : memref<100000xf32, #tpu.memory_space<hbm>>)
        %dma_wait3A_393 = arith.constant 48 : i32
        %dma_wait3A_394 = arith.constant 0 : i32
        %dma_wait3A_395 = tpu.memref_slice %arg14[%dma_wait3A_393, %dma_wait3A_394] : memref<128x128xf32, #tpu.memory_space<vmem>> -> memref<16x128xf32, #tpu.memory_space<vmem>>
        %dma_wait3A_396 = arith.constant 0 : i32
        %dma_wait3A_397 = arith.constant 0 : i32
        %dma_wait3A_398 = tpu.memref_slice %arg5[%dma_wait3A_396, %dma_wait3A_397] : memref<100000x128xf32, #tpu.memory_space<hbm>> -> memref<100000x128xf32, #tpu.memory_space<hbm>>
        tpu.wait_indirect_dma semaphore(%arg17 : memref<!tpu.dma_semaphore, #tpu.memory_space<semaphore_mem>>) src(%dma_wait3A_395 : memref<16x128xf32, #tpu.memory_space<vmem>>) dst(%dma_wait3A_398 : memref<100000x128xf32, #tpu.memory_space<hbm>>)
        %dma_wait3A_399 = arith.constant 48 : i32
        %dma_wait3A_400 = tpu.memref_slice %arg15[%dma_wait3A_399] : memref<128xf32, #tpu.memory_space<vmem>> -> memref<16xf32, #tpu.memory_space<vmem>>
        %dma_wait3A_401 = arith.constant 0 : i32
        %dma_wait3A_402 = tpu.memref_slice %arg6[%dma_wait3A_401] : memref<100000xf32, #tpu.memory_space<hbm>> -> memref<100000xf32, #tpu.memory_space<hbm>>
        tpu.wait_indirect_dma semaphore(%arg17 : memref<!tpu.dma_semaphore, #tpu.memory_space<semaphore_mem>>) src(%dma_wait3A_400 : memref<16xf32, #tpu.memory_space<vmem>>) dst(%dma_wait3A_402 : memref<100000xf32, #tpu.memory_space<hbm>>)
        %dma_wait3A_403 = arith.constant 64 : i32
        %dma_wait3A_404 = arith.constant 0 : i32
        %dma_wait3A_405 = tpu.memref_slice %arg14[%dma_wait3A_403, %dma_wait3A_404] : memref<128x128xf32, #tpu.memory_space<vmem>> -> memref<16x128xf32, #tpu.memory_space<vmem>>
        %dma_wait3A_406 = arith.constant 0 : i32
        %dma_wait3A_407 = arith.constant 0 : i32
        %dma_wait3A_408 = tpu.memref_slice %arg5[%dma_wait3A_406, %dma_wait3A_407] : memref<100000x128xf32, #tpu.memory_space<hbm>> -> memref<100000x128xf32, #tpu.memory_space<hbm>>
        tpu.wait_indirect_dma semaphore(%arg17 : memref<!tpu.dma_semaphore, #tpu.memory_space<semaphore_mem>>) src(%dma_wait3A_405 : memref<16x128xf32, #tpu.memory_space<vmem>>) dst(%dma_wait3A_408 : memref<100000x128xf32, #tpu.memory_space<hbm>>)
        %dma_wait3A_409 = arith.constant 64 : i32
        %dma_wait3A_410 = tpu.memref_slice %arg15[%dma_wait3A_409] : memref<128xf32, #tpu.memory_space<vmem>> -> memref<16xf32, #tpu.memory_space<vmem>>
        %dma_wait3A_411 = arith.constant 0 : i32
        %dma_wait3A_412 = tpu.memref_slice %arg6[%dma_wait3A_411] : memref<100000xf32, #tpu.memory_space<hbm>> -> memref<100000xf32, #tpu.memory_space<hbm>>
        tpu.wait_indirect_dma semaphore(%arg17 : memref<!tpu.dma_semaphore, #tpu.memory_space<semaphore_mem>>) src(%dma_wait3A_410 : memref<16xf32, #tpu.memory_space<vmem>>) dst(%dma_wait3A_412 : memref<100000xf32, #tpu.memory_space<hbm>>)
        %dma_wait3A_413 = arith.constant 80 : i32
        %dma_wait3A_414 = arith.constant 0 : i32
        %dma_wait3A_415 = tpu.memref_slice %arg14[%dma_wait3A_413, %dma_wait3A_414] : memref<128x128xf32, #tpu.memory_space<vmem>> -> memref<16x128xf32, #tpu.memory_space<vmem>>
        %dma_wait3A_416 = arith.constant 0 : i32
        %dma_wait3A_417 = arith.constant 0 : i32
        %dma_wait3A_418 = tpu.memref_slice %arg5[%dma_wait3A_416, %dma_wait3A_417] : memref<100000x128xf32, #tpu.memory_space<hbm>> -> memref<100000x128xf32, #tpu.memory_space<hbm>>
        tpu.wait_indirect_dma semaphore(%arg17 : memref<!tpu.dma_semaphore, #tpu.memory_space<semaphore_mem>>) src(%dma_wait3A_415 : memref<16x128xf32, #tpu.memory_space<vmem>>) dst(%dma_wait3A_418 : memref<100000x128xf32, #tpu.memory_space<hbm>>)
        %dma_wait3A_419 = arith.constant 80 : i32
        %dma_wait3A_420 = tpu.memref_slice %arg15[%dma_wait3A_419] : memref<128xf32, #tpu.memory_space<vmem>> -> memref<16xf32, #tpu.memory_space<vmem>>
        %dma_wait3A_421 = arith.constant 0 : i32
        %dma_wait3A_422 = tpu.memref_slice %arg6[%dma_wait3A_421] : memref<100000xf32, #tpu.memory_space<hbm>> -> memref<100000xf32, #tpu.memory_space<hbm>>
        tpu.wait_indirect_dma semaphore(%arg17 : memref<!tpu.dma_semaphore, #tpu.memory_space<semaphore_mem>>) src(%dma_wait3A_420 : memref<16xf32, #tpu.memory_space<vmem>>) dst(%dma_wait3A_422 : memref<100000xf32, #tpu.memory_space<hbm>>)
        %dma_wait3A_423 = arith.constant 96 : i32
        %dma_wait3A_424 = arith.constant 0 : i32
        %dma_wait3A_425 = tpu.memref_slice %arg14[%dma_wait3A_423, %dma_wait3A_424] : memref<128x128xf32, #tpu.memory_space<vmem>> -> memref<16x128xf32, #tpu.memory_space<vmem>>
        %dma_wait3A_426 = arith.constant 0 : i32
        %dma_wait3A_427 = arith.constant 0 : i32
        %dma_wait3A_428 = tpu.memref_slice %arg5[%dma_wait3A_426, %dma_wait3A_427] : memref<100000x128xf32, #tpu.memory_space<hbm>> -> memref<100000x128xf32, #tpu.memory_space<hbm>>
        tpu.wait_indirect_dma semaphore(%arg17 : memref<!tpu.dma_semaphore, #tpu.memory_space<semaphore_mem>>) src(%dma_wait3A_425 : memref<16x128xf32, #tpu.memory_space<vmem>>) dst(%dma_wait3A_428 : memref<100000x128xf32, #tpu.memory_space<hbm>>)
        %dma_wait3A_429 = arith.constant 96 : i32
        %dma_wait3A_430 = tpu.memref_slice %arg15[%dma_wait3A_429] : memref<128xf32, #tpu.memory_space<vmem>> -> memref<16xf32, #tpu.memory_space<vmem>>
        %dma_wait3A_431 = arith.constant 0 : i32
        %dma_wait3A_432 = tpu.memref_slice %arg6[%dma_wait3A_431] : memref<100000xf32, #tpu.memory_space<hbm>> -> memref<100000xf32, #tpu.memory_space<hbm>>
        tpu.wait_indirect_dma semaphore(%arg17 : memref<!tpu.dma_semaphore, #tpu.memory_space<semaphore_mem>>) src(%dma_wait3A_430 : memref<16xf32, #tpu.memory_space<vmem>>) dst(%dma_wait3A_432 : memref<100000xf32, #tpu.memory_space<hbm>>)
        %dma_wait3A_433 = arith.constant 112 : i32
        %dma_wait3A_434 = arith.constant 0 : i32
        %dma_wait3A_435 = tpu.memref_slice %arg14[%dma_wait3A_433, %dma_wait3A_434] : memref<128x128xf32, #tpu.memory_space<vmem>> -> memref<16x128xf32, #tpu.memory_space<vmem>>
        %dma_wait3A_436 = arith.constant 0 : i32
        %dma_wait3A_437 = arith.constant 0 : i32
        %dma_wait3A_438 = tpu.memref_slice %arg5[%dma_wait3A_436, %dma_wait3A_437] : memref<100000x128xf32, #tpu.memory_space<hbm>> -> memref<100000x128xf32, #tpu.memory_space<hbm>>
        tpu.wait_indirect_dma semaphore(%arg17 : memref<!tpu.dma_semaphore, #tpu.memory_space<semaphore_mem>>) src(%dma_wait3A_435 : memref<16x128xf32, #tpu.memory_space<vmem>>) dst(%dma_wait3A_438 : memref<100000x128xf32, #tpu.memory_space<hbm>>)
        %dma_wait3A_439 = arith.constant 112 : i32
        %dma_wait3A_440 = tpu.memref_slice %arg15[%dma_wait3A_439] : memref<128xf32, #tpu.memory_space<vmem>> -> memref<16xf32, #tpu.memory_space<vmem>>
        %dma_wait3A_441 = arith.constant 0 : i32
        %dma_wait3A_442 = tpu.memref_slice %arg6[%dma_wait3A_441] : memref<100000xf32, #tpu.memory_space<hbm>> -> memref<100000xf32, #tpu.memory_space<hbm>>
        tpu.wait_indirect_dma semaphore(%arg17 : memref<!tpu.dma_semaphore, #tpu.memory_space<semaphore_mem>>) src(%dma_wait3A_440 : memref<16xf32, #tpu.memory_space<vmem>>) dst(%dma_wait3A_442 : memref<100000xf32, #tpu.memory_space<hbm>>)
        %while3A_443 = arith.constant 0 : i32
        scf.yield %while3A_443 : i32
      }
      %while3A_76 = arith.constant 1 : i32
      %while3A_77 = scf.for %while3A_78 = %while3A_73 to %while3A_69 step %while3A_76 iter_args(%while3A_79 = %while3A_75) -> (i32)  : i32 {
        %mul3A_80 = arith.constant 128 : i32
        %mul3A_81 = arith.muli %mul3A_80, %while3A_78 : i32
        %add3A_82 = arith.constant 0 : i32
        %add3A_83 = arith.addi %mul3A_81, %add3A_82 : i32
        %sub3A_84 = arith.constant 16 : i32
        %sub3A_85 = arith.subi %mul3A_31, %sub3A_84 : i32
        %min3A_86 = arith.minsi %add3A_83, %sub3A_85 : i32
        %mul3A_87 = arith.constant 128 : i32
        %mul3A_88 = arith.muli %mul3A_87, %while3A_78 : i32
        %add3A_89 = arith.constant 16 : i32
        %add3A_90 = arith.addi %mul3A_88, %add3A_89 : i32
        %sub3A_91 = arith.constant 16 : i32
        %sub3A_92 = arith.subi %mul3A_31, %sub3A_91 : i32
        %min3A_93 = arith.minsi %add3A_90, %sub3A_92 : i32
        %mul3A_94 = arith.constant 128 : i32
        %mul3A_95 = arith.muli %mul3A_94, %while3A_78 : i32
        %add3A_96 = arith.constant 32 : i32
        %add3A_97 = arith.addi %mul3A_95, %add3A_96 : i32
        %sub3A_98 = arith.constant 16 : i32
        %sub3A_99 = arith.subi %mul3A_31, %sub3A_98 : i32
        %min3A_100 = arith.minsi %add3A_97, %sub3A_99 : i32
        %mul3A_101 = arith.constant 128 : i32
        %mul3A_102 = arith.muli %mul3A_101, %while3A_78 : i32
        %add3A_103 = arith.constant 48 : i32
        %add3A_104 = arith.addi %mul3A_102, %add3A_103 : i32
        %sub3A_105 = arith.constant 16 : i32
        %sub3A_106 = arith.subi %mul3A_31, %sub3A_105 : i32
        %min3A_107 = arith.minsi %add3A_104, %sub3A_106 : i32
        %mul3A_108 = arith.constant 128 : i32
        %mul3A_109 = arith.muli %mul3A_108, %while3A_78 : i32
        %add3A_110 = arith.constant 64 : i32
        %add3A_111 = arith.addi %mul3A_109, %add3A_110 : i32
        %sub3A_112 = arith.constant 16 : i32
        %sub3A_113 = arith.subi %mul3A_31, %sub3A_112 : i32
        %min3A_114 = arith.minsi %add3A_111, %sub3A_113 : i32
        %mul3A_115 = arith.constant 128 : i32
        %mul3A_116 = arith.muli %mul3A_115, %while3A_78 : i32
        %add3A_117 = arith.constant 80 : i32
        %add3A_118 = arith.addi %mul3A_116, %add3A_117 : i32
        %sub3A_119 = arith.constant 16 : i32
        %sub3A_120 = arith.subi %mul3A_31, %sub3A_119 : i32
        %min3A_121 = arith.minsi %add3A_118, %sub3A_120 : i32
        %mul3A_122 = arith.constant 128 : i32
        %mul3A_123 = arith.muli %mul3A_122, %while3A_78 : i32
        %add3A_124 = arith.constant 96 : i32
        %add3A_125 = arith.addi %mul3A_123, %add3A_124 : i32
        %sub3A_126 = arith.constant 16 : i32
        %sub3A_127 = arith.subi %mul3A_31, %sub3A_126 : i32
        %min3A_128 = arith.minsi %add3A_125, %sub3A_127 : i32
        %mul3A_129 = arith.constant 128 : i32
        %mul3A_130 = arith.muli %mul3A_129, %while3A_78 : i32
        %add3A_131 = arith.constant 112 : i32
        %add3A_132 = arith.addi %mul3A_130, %add3A_131 : i32
        %sub3A_133 = arith.constant 16 : i32
        %sub3A_134 = arith.subi %mul3A_31, %sub3A_133 : i32
        %min3A_135 = arith.minsi %add3A_132, %sub3A_134 : i32
        %get3A = arith.index_cast %min3A_86 : i32 to index
        %get3A_136 = tpu.vector_load %arg12[%get3A] {strides = array<i32>} : memref<16640xi32, #tpu.memory_space<vmem>>, vector<16xi32>,
        %dma_start3A = arith.constant 0 : i32
        %dma_start3A_137 = arith.constant 0 : i32
        %dma_start3A_138 = tpu.memref_slice %arg14[%dma_start3A, %dma_start3A_137] : memref<128x128xf32, #tpu.memory_space<vmem>> -> memref<16x128xf32, #tpu.memory_space<vmem>>
        %dma_start3A_139 = arith.constant 0 : i32
        %dma_start3A_140 = arith.constant 0 : i32
        %dma_start3A_141 = tpu.memref_slice %arg3[%dma_start3A_139, %dma_start3A_140] : memref<16384x128xf32, #tpu.memory_space<hbm>> -> memref<16384x128xf32, #tpu.memory_space<hbm>>
        tpu.enqueue_indirect_dma source(%dma_start3A_141 : memref<16384x128xf32, #tpu.memory_space<hbm>>) target(%dma_start3A_138 : memref<16x128xf32, #tpu.memory_space<vmem>>) offsets(%get3A_136 : vector<16xi32>) semaphore(%arg16 : memref<!tpu.dma_semaphore, #tpu.memory_space<semaphore_mem>>)
        %gather3A = tpu.vector_load_idx %arg10[%get3A_136] : memref<16384xf32, #tpu.memory_space<vmem>>[vector<16xi32>], vector<16xf32>,
        %swap3A = arith.constant 0 : index
        %swap3A_142 = tpu.vector_load %arg15[%swap3A] {strides = array<i32>} : memref<128xf32, #tpu.memory_space<vmem>>, vector<16xf32>,
        tpu.vector_store %arg15[%swap3A], %gather3A {strides = array<i32>} : memref<128xf32, #tpu.memory_space<vmem>>, vector<16xf32>,
        %get3A_143 = arith.index_cast %min3A_93 : i32 to index
        %get3A_144 = tpu.vector_load %arg12[%get3A_143] {strides = array<i32>} : memref<16640xi32, #tpu.memory_space<vmem>>, vector<16xi32>,
        %dma_start3A_145 = arith.constant 16 : i32
        %dma_start3A_146 = arith.constant 0 : i32
        %dma_start3A_147 = tpu.memref_slice %arg14[%dma_start3A_145, %dma_start3A_146] : memref<128x128xf32, #tpu.memory_space<vmem>> -> memref<16x128xf32, #tpu.memory_space<vmem>>
        %dma_start3A_148 = arith.constant 0 : i32
        %dma_start3A_149 = arith.constant 0 : i32
        %dma_start3A_150 = tpu.memref_slice %arg3[%dma_start3A_148, %dma_start3A_149] : memref<16384x128xf32, #tpu.memory_space<hbm>> -> memref<16384x128xf32, #tpu.memory_space<hbm>>
        tpu.enqueue_indirect_dma source(%dma_start3A_150 : memref<16384x128xf32, #tpu.memory_space<hbm>>) target(%dma_start3A_147 : memref<16x128xf32, #tpu.memory_space<vmem>>) offsets(%get3A_144 : vector<16xi32>) semaphore(%arg16 : memref<!tpu.dma_semaphore, #tpu.memory_space<semaphore_mem>>)
        %gather3A_151 = tpu.vector_load_idx %arg10[%get3A_144] : memref<16384xf32, #tpu.memory_space<vmem>>[vector<16xi32>], vector<16xf32>,
        %swap3A_152 = arith.constant 16 : index
        %swap3A_153 = tpu.vector_load %arg15[%swap3A_152] {strides = array<i32>} : memref<128xf32, #tpu.memory_space<vmem>>, vector<16xf32>,
        tpu.vector_store %arg15[%swap3A_152], %gather3A_151 {strides = array<i32>} : memref<128xf32, #tpu.memory_space<vmem>>, vector<16xf32>,
        %get3A_154 = arith.index_cast %min3A_100 : i32 to index
        %get3A_155 = tpu.vector_load %arg12[%get3A_154] {strides = array<i32>} : memref<16640xi32, #tpu.memory_space<vmem>>, vector<16xi32>,
        %dma_start3A_156 = arith.constant 32 : i32
        %dma_start3A_157 = arith.constant 0 : i32
        %dma_start3A_158 = tpu.memref_slice %arg14[%dma_start3A_156, %dma_start3A_157] : memref<128x128xf32, #tpu.memory_space<vmem>> -> memref<16x128xf32, #tpu.memory_space<vmem>>
        %dma_start3A_159 = arith.constant 0 : i32
        %dma_start3A_160 = arith.constant 0 : i32
        %dma_start3A_161 = tpu.memref_slice %arg3[%dma_start3A_159, %dma_start3A_160] : memref<16384x128xf32, #tpu.memory_space<hbm>> -> memref<16384x128xf32, #tpu.memory_space<hbm>>
        tpu.enqueue_indirect_dma source(%dma_start3A_161 : memref<16384x128xf32, #tpu.memory_space<hbm>>) target(%dma_start3A_158 : memref<16x128xf32, #tpu.memory_space<vmem>>) offsets(%get3A_155 : vector<16xi32>) semaphore(%arg16 : memref<!tpu.dma_semaphore, #tpu.memory_space<semaphore_mem>>)
        %gather3A_162 = tpu.vector_load_idx %arg10[%get3A_155] : memref<16384xf32, #tpu.memory_space<vmem>>[vector<16xi32>], vector<16xf32>,
        %swap3A_163 = arith.constant 32 : index
        %swap3A_164 = tpu.vector_load %arg15[%swap3A_163] {strides = array<i32>} : memref<128xf32, #tpu.memory_space<vmem>>, vector<16xf32>,
        tpu.vector_store %arg15[%swap3A_163], %gather3A_162 {strides = array<i32>} : memref<128xf32, #tpu.memory_space<vmem>>, vector<16xf32>,
        %get3A_165 = arith.index_cast %min3A_107 : i32 to index
        %get3A_166 = tpu.vector_load %arg12[%get3A_165] {strides = array<i32>} : memref<16640xi32, #tpu.memory_space<vmem>>, vector<16xi32>,
        %dma_start3A_167 = arith.constant 48 : i32
        %dma_start3A_168 = arith.constant 0 : i32
        %dma_start3A_169 = tpu.memref_slice %arg14[%dma_start3A_167, %dma_start3A_168] : memref<128x128xf32, #tpu.memory_space<vmem>> -> memref<16x128xf32, #tpu.memory_space<vmem>>
        %dma_start3A_170 = arith.constant 0 : i32
        %dma_start3A_171 = arith.constant 0 : i32
        %dma_start3A_172 = tpu.memref_slice %arg3[%dma_start3A_170, %dma_start3A_171] : memref<16384x128xf32, #tpu.memory_space<hbm>> -> memref<16384x128xf32, #tpu.memory_space<hbm>>
        tpu.enqueue_indirect_dma source(%dma_start3A_172 : memref<16384x128xf32, #tpu.memory_space<hbm>>) target(%dma_start3A_169 : memref<16x128xf32, #tpu.memory_space<vmem>>) offsets(%get3A_166 : vector<16xi32>) semaphore(%arg16 : memref<!tpu.dma_semaphore, #tpu.memory_space<semaphore_mem>>)
        %gather3A_173 = tpu.vector_load_idx %arg10[%get3A_166] : memref<16384xf32, #tpu.memory_space<vmem>>[vector<16xi32>], vector<16xf32>,
        %swap3A_174 = arith.constant 48 : index
        %swap3A_175 = tpu.vector_load %arg15[%swap3A_174] {strides = array<i32>} : memref<128xf32, #tpu.memory_space<vmem>>, vector<16xf32>,
        tpu.vector_store %arg15[%swap3A_174], %gather3A_173 {strides = array<i32>} : memref<128xf32, #tpu.memory_space<vmem>>, vector<16xf32>,
        %get3A_176 = arith.index_cast %min3A_114 : i32 to index
        %get3A_177 = tpu.vector_load %arg12[%get3A_176] {strides = array<i32>} : memref<16640xi32, #tpu.memory_space<vmem>>, vector<16xi32>,
        %dma_start3A_178 = arith.constant 64 : i32
        %dma_start3A_179 = arith.constant 0 : i32
        %dma_start3A_180 = tpu.memref_slice %arg14[%dma_start3A_178, %dma_start3A_179] : memref<128x128xf32, #tpu.memory_space<vmem>> -> memref<16x128xf32, #tpu.memory_space<vmem>>
        %dma_start3A_181 = arith.constant 0 : i32
        %dma_start3A_182 = arith.constant 0 : i32
        %dma_start3A_183 = tpu.memref_slice %arg3[%dma_start3A_181, %dma_start3A_182] : memref<16384x128xf32, #tpu.memory_space<hbm>> -> memref<16384x128xf32, #tpu.memory_space<hbm>>
        tpu.enqueue_indirect_dma source(%dma_start3A_183 : memref<16384x128xf32, #tpu.memory_space<hbm>>) target(%dma_start3A_180 : memref<16x128xf32, #tpu.memory_space<vmem>>) offsets(%get3A_177 : vector<16xi32>) semaphore(%arg16 : memref<!tpu.dma_semaphore, #tpu.memory_space<semaphore_mem>>)
        %gather3A_184 = tpu.vector_load_idx %arg10[%get3A_177] : memref<16384xf32, #tpu.memory_space<vmem>>[vector<16xi32>], vector<16xf32>,
        %swap3A_185 = arith.constant 64 : index
        %swap3A_186 = tpu.vector_load %arg15[%swap3A_185] {strides = array<i32>} : memref<128xf32, #tpu.memory_space<vmem>>, vector<16xf32>,
        tpu.vector_store %arg15[%swap3A_185], %gather3A_184 {strides = array<i32>} : memref<128xf32, #tpu.memory_space<vmem>>, vector<16xf32>,
        %get3A_187 = arith.index_cast %min3A_121 : i32 to index
        %get3A_188 = tpu.vector_load %arg12[%get3A_187] {strides = array<i32>} : memref<16640xi32, #tpu.memory_space<vmem>>, vector<16xi32>,
        %dma_start3A_189 = arith.constant 80 : i32
        %dma_start3A_190 = arith.constant 0 : i32
        %dma_start3A_191 = tpu.memref_slice %arg14[%dma_start3A_189, %dma_start3A_190] : memref<128x128xf32, #tpu.memory_space<vmem>> -> memref<16x128xf32, #tpu.memory_space<vmem>>
        %dma_start3A_192 = arith.constant 0 : i32
        %dma_start3A_193 = arith.constant 0 : i32
        %dma_start3A_194 = tpu.memref_slice %arg3[%dma_start3A_192, %dma_start3A_193] : memref<16384x128xf32, #tpu.memory_space<hbm>> -> memref<16384x128xf32, #tpu.memory_space<hbm>>
        tpu.enqueue_indirect_dma source(%dma_start3A_194 : memref<16384x128xf32, #tpu.memory_space<hbm>>) target(%dma_start3A_191 : memref<16x128xf32, #tpu.memory_space<vmem>>) offsets(%get3A_188 : vector<16xi32>) semaphore(%arg16 : memref<!tpu.dma_semaphore, #tpu.memory_space<semaphore_mem>>)
        %gather3A_195 = tpu.vector_load_idx %arg10[%get3A_188] : memref<16384xf32, #tpu.memory_space<vmem>>[vector<16xi32>], vector<16xf32>,
        %swap3A_196 = arith.constant 80 : index
        %swap3A_197 = tpu.vector_load %arg15[%swap3A_196] {strides = array<i32>} : memref<128xf32, #tpu.memory_space<vmem>>, vector<16xf32>,
        tpu.vector_store %arg15[%swap3A_196], %gather3A_195 {strides = array<i32>} : memref<128xf32, #tpu.memory_space<vmem>>, vector<16xf32>,
        %get3A_198 = arith.index_cast %min3A_128 : i32 to index
        %get3A_199 = tpu.vector_load %arg12[%get3A_198] {strides = array<i32>} : memref<16640xi32, #tpu.memory_space<vmem>>, vector<16xi32>,
        %dma_start3A_200 = arith.constant 96 : i32
        %dma_start3A_201 = arith.constant 0 : i32
        %dma_start3A_202 = tpu.memref_slice %arg14[%dma_start3A_200, %dma_start3A_201] : memref<128x128xf32, #tpu.memory_space<vmem>> -> memref<16x128xf32, #tpu.memory_space<vmem>>
        %dma_start3A_203 = arith.constant 0 : i32
        %dma_start3A_204 = arith.constant 0 : i32
        %dma_start3A_205 = tpu.memref_slice %arg3[%dma_start3A_203, %dma_start3A_204] : memref<16384x128xf32, #tpu.memory_space<hbm>> -> memref<16384x128xf32, #tpu.memory_space<hbm>>
        tpu.enqueue_indirect_dma source(%dma_start3A_205 : memref<16384x128xf32, #tpu.memory_space<hbm>>) target(%dma_start3A_202 : memref<16x128xf32, #tpu.memory_space<vmem>>) offsets(%get3A_199 : vector<16xi32>) semaphore(%arg16 : memref<!tpu.dma_semaphore, #tpu.memory_space<semaphore_mem>>)
        %gather3A_206 = tpu.vector_load_idx %arg10[%get3A_199] : memref<16384xf32, #tpu.memory_space<vmem>>[vector<16xi32>], vector<16xf32>,
        %swap3A_207 = arith.constant 96 : index
        %swap3A_208 = tpu.vector_load %arg15[%swap3A_207] {strides = array<i32>} : memref<128xf32, #tpu.memory_space<vmem>>, vector<16xf32>,
        tpu.vector_store %arg15[%swap3A_207], %gather3A_206 {strides = array<i32>} : memref<128xf32, #tpu.memory_space<vmem>>, vector<16xf32>,
        %get3A_209 = arith.index_cast %min3A_135 : i32 to index
        %get3A_210 = tpu.vector_load %arg12[%get3A_209] {strides = array<i32>} : memref<16640xi32, #tpu.memory_space<vmem>>, vector<16xi32>,
        %dma_start3A_211 = arith.constant 112 : i32
        %dma_start3A_212 = arith.constant 0 : i32
        %dma_start3A_213 = tpu.memref_slice %arg14[%dma_start3A_211, %dma_start3A_212] : memref<128x128xf32, #tpu.memory_space<vmem>> -> memref<16x128xf32, #tpu.memory_space<vmem>>
        %dma_start3A_214 = arith.constant 0 : i32
        %dma_start3A_215 = arith.constant 0 : i32
        %dma_start3A_216 = tpu.memref_slice %arg3[%dma_start3A_214, %dma_start3A_215] : memref<16384x128xf32, #tpu.memory_space<hbm>> -> memref<16384x128xf32, #tpu.memory_space<hbm>>
        tpu.enqueue_indirect_dma source(%dma_start3A_216 : memref<16384x128xf32, #tpu.memory_space<hbm>>) target(%dma_start3A_213 : memref<16x128xf32, #tpu.memory_space<vmem>>) offsets(%get3A_210 : vector<16xi32>) semaphore(%arg16 : memref<!tpu.dma_semaphore, #tpu.memory_space<semaphore_mem>>)
        %gather3A_217 = tpu.vector_load_idx %arg10[%get3A_210] : memref<16384xf32, #tpu.memory_space<vmem>>[vector<16xi32>], vector<16xf32>,
        %swap3A_218 = arith.constant 112 : index
        %swap3A_219 = tpu.vector_load %arg15[%swap3A_218] {strides = array<i32>} : memref<128xf32, #tpu.memory_space<vmem>>, vector<16xf32>,
        tpu.vector_store %arg15[%swap3A_218], %gather3A_217 {strides = array<i32>} : memref<128xf32, #tpu.memory_space<vmem>>, vector<16xf32>,
        %dma_wait3A = arith.constant 0 : i32
        %dma_wait3A_220 = arith.constant 0 : i32
        %dma_wait3A_221 = tpu.memref_slice %arg14[%dma_wait3A, %dma_wait3A_220] : memref<128x128xf32, #tpu.memory_space<vmem>> -> memref<16x128xf32, #tpu.memory_space<vmem>>
        %dma_wait3A_222 = arith.constant 0 : i32
        %dma_wait3A_223 = arith.constant 0 : i32
        %dma_wait3A_224 = tpu.memref_slice %arg3[%dma_wait3A_222, %dma_wait3A_223] : memref<16384x128xf32, #tpu.memory_space<hbm>> -> memref<16384x128xf32, #tpu.memory_space<hbm>>
        tpu.wait_indirect_dma semaphore(%arg16 : memref<!tpu.dma_semaphore, #tpu.memory_space<semaphore_mem>>) src(%dma_wait3A_224 : memref<16384x128xf32, #tpu.memory_space<hbm>>) dst(%dma_wait3A_221 : memref<16x128xf32, #tpu.memory_space<vmem>>)
        %dma_wait3A_225 = arith.constant 16 : i32
        %dma_wait3A_226 = arith.constant 0 : i32
        %dma_wait3A_227 = tpu.memref_slice %arg14[%dma_wait3A_225, %dma_wait3A_226] : memref<128x128xf32, #tpu.memory_space<vmem>> -> memref<16x128xf32, #tpu.memory_space<vmem>>
        %dma_wait3A_228 = arith.constant 0 : i32
        %dma_wait3A_229 = arith.constant 0 : i32
        %dma_wait3A_230 = tpu.memref_slice %arg3[%dma_wait3A_228, %dma_wait3A_229] : memref<16384x128xf32, #tpu.memory_space<hbm>> -> memref<16384x128xf32, #tpu.memory_space<hbm>>
        tpu.wait_indirect_dma semaphore(%arg16 : memref<!tpu.dma_semaphore, #tpu.memory_space<semaphore_mem>>) src(%dma_wait3A_230 : memref<16384x128xf32, #tpu.memory_space<hbm>>) dst(%dma_wait3A_227 : memref<16x128xf32, #tpu.memory_space<vmem>>)
        %dma_wait3A_231 = arith.constant 32 : i32
        %dma_wait3A_232 = arith.constant 0 : i32
        %dma_wait3A_233 = tpu.memref_slice %arg14[%dma_wait3A_231, %dma_wait3A_232] : memref<128x128xf32, #tpu.memory_space<vmem>> -> memref<16x128xf32, #tpu.memory_space<vmem>>
        %dma_wait3A_234 = arith.constant 0 : i32
        %dma_wait3A_235 = arith.constant 0 : i32
        %dma_wait3A_236 = tpu.memref_slice %arg3[%dma_wait3A_234, %dma_wait3A_235] : memref<16384x128xf32, #tpu.memory_space<hbm>> -> memref<16384x128xf32, #tpu.memory_space<hbm>>
        tpu.wait_indirect_dma semaphore(%arg16 : memref<!tpu.dma_semaphore, #tpu.memory_space<semaphore_mem>>) src(%dma_wait3A_236 : memref<16384x128xf32, #tpu.memory_space<hbm>>) dst(%dma_wait3A_233 : memref<16x128xf32, #tpu.memory_space<vmem>>)
        %dma_wait3A_237 = arith.constant 48 : i32
        %dma_wait3A_238 = arith.constant 0 : i32
        %dma_wait3A_239 = tpu.memref_slice %arg14[%dma_wait3A_237, %dma_wait3A_238] : memref<128x128xf32, #tpu.memory_space<vmem>> -> memref<16x128xf32, #tpu.memory_space<vmem>>
        %dma_wait3A_240 = arith.constant 0 : i32
        %dma_wait3A_241 = arith.constant 0 : i32
        %dma_wait3A_242 = tpu.memref_slice %arg3[%dma_wait3A_240, %dma_wait3A_241] : memref<16384x128xf32, #tpu.memory_space<hbm>> -> memref<16384x128xf32, #tpu.memory_space<hbm>>
        tpu.wait_indirect_dma semaphore(%arg16 : memref<!tpu.dma_semaphore, #tpu.memory_space<semaphore_mem>>) src(%dma_wait3A_242 : memref<16384x128xf32, #tpu.memory_space<hbm>>) dst(%dma_wait3A_239 : memref<16x128xf32, #tpu.memory_space<vmem>>)
        %dma_wait3A_243 = arith.constant 64 : i32
        %dma_wait3A_244 = arith.constant 0 : i32
        %dma_wait3A_245 = tpu.memref_slice %arg14[%dma_wait3A_243, %dma_wait3A_244] : memref<128x128xf32, #tpu.memory_space<vmem>> -> memref<16x128xf32, #tpu.memory_space<vmem>>
        %dma_wait3A_246 = arith.constant 0 : i32
        %dma_wait3A_247 = arith.constant 0 : i32
        %dma_wait3A_248 = tpu.memref_slice %arg3[%dma_wait3A_246, %dma_wait3A_247] : memref<16384x128xf32, #tpu.memory_space<hbm>> -> memref<16384x128xf32, #tpu.memory_space<hbm>>
        tpu.wait_indirect_dma semaphore(%arg16 : memref<!tpu.dma_semaphore, #tpu.memory_space<semaphore_mem>>) src(%dma_wait3A_248 : memref<16384x128xf32, #tpu.memory_space<hbm>>) dst(%dma_wait3A_245 : memref<16x128xf32, #tpu.memory_space<vmem>>)
        %dma_wait3A_249 = arith.constant 80 : i32
        %dma_wait3A_250 = arith.constant 0 : i32
        %dma_wait3A_251 = tpu.memref_slice %arg14[%dma_wait3A_249, %dma_wait3A_250] : memref<128x128xf32, #tpu.memory_space<vmem>> -> memref<16x128xf32, #tpu.memory_space<vmem>>
        %dma_wait3A_252 = arith.constant 0 : i32
        %dma_wait3A_253 = arith.constant 0 : i32
        %dma_wait3A_254 = tpu.memref_slice %arg3[%dma_wait3A_252, %dma_wait3A_253] : memref<16384x128xf32, #tpu.memory_space<hbm>> -> memref<16384x128xf32, #tpu.memory_space<hbm>>
        tpu.wait_indirect_dma semaphore(%arg16 : memref<!tpu.dma_semaphore, #tpu.memory_space<semaphore_mem>>) src(%dma_wait3A_254 : memref<16384x128xf32, #tpu.memory_space<hbm>>) dst(%dma_wait3A_251 : memref<16x128xf32, #tpu.memory_space<vmem>>)
        %dma_wait3A_255 = arith.constant 96 : i32
        %dma_wait3A_256 = arith.constant 0 : i32
        %dma_wait3A_257 = tpu.memref_slice %arg14[%dma_wait3A_255, %dma_wait3A_256] : memref<128x128xf32, #tpu.memory_space<vmem>> -> memref<16x128xf32, #tpu.memory_space<vmem>>
        %dma_wait3A_258 = arith.constant 0 : i32
        %dma_wait3A_259 = arith.constant 0 : i32
        %dma_wait3A_260 = tpu.memref_slice %arg3[%dma_wait3A_258, %dma_wait3A_259] : memref<16384x128xf32, #tpu.memory_space<hbm>> -> memref<16384x128xf32, #tpu.memory_space<hbm>>
        tpu.wait_indirect_dma semaphore(%arg16 : memref<!tpu.dma_semaphore, #tpu.memory_space<semaphore_mem>>) src(%dma_wait3A_260 : memref<16384x128xf32, #tpu.memory_space<hbm>>) dst(%dma_wait3A_257 : memref<16x128xf32, #tpu.memory_space<vmem>>)
        %dma_wait3A_261 = arith.constant 112 : i32
        %dma_wait3A_262 = arith.constant 0 : i32
        %dma_wait3A_263 = tpu.memref_slice %arg14[%dma_wait3A_261, %dma_wait3A_262] : memref<128x128xf32, #tpu.memory_space<vmem>> -> memref<16x128xf32, #tpu.memory_space<vmem>>
        %dma_wait3A_264 = arith.constant 0 : i32
        %dma_wait3A_265 = arith.constant 0 : i32
        %dma_wait3A_266 = tpu.memref_slice %arg3[%dma_wait3A_264, %dma_wait3A_265] : memref<16384x128xf32, #tpu.memory_space<hbm>> -> memref<16384x128xf32, #tpu.memory_space<hbm>>
        tpu.wait_indirect_dma semaphore(%arg16 : memref<!tpu.dma_semaphore, #tpu.memory_space<semaphore_mem>>) src(%dma_wait3A_266 : memref<16384x128xf32, #tpu.memory_space<hbm>>) dst(%dma_wait3A_263 : memref<16x128xf32, #tpu.memory_space<vmem>>)
        %get3A_267 = arith.index_cast %min3A_86 : i32 to index
        %get3A_268 = tpu.vector_load %arg11[%get3A_267] {strides = array<i32>} : memref<16640xi32, #tpu.memory_space<vmem>>, vector<16xi32>,
        %dma_start3A_269 = arith.constant 0 : i32
        %dma_start3A_270 = arith.constant 0 : i32
        %dma_start3A_271 = tpu.memref_slice %arg14[%dma_start3A_269, %dma_start3A_270] : memref<128x128xf32, #tpu.memory_space<vmem>> -> memref<16x128xf32, #tpu.memory_space<vmem>>
        %dma_start3A_272 = arith.constant 0 : i32
        %dma_start3A_273 = arith.constant 0 : i32
        %dma_start3A_274 = tpu.memref_slice %arg5[%dma_start3A_272, %dma_start3A_273] : memref<100000x128xf32, #tpu.memory_space<hbm>> -> memref<100000x128xf32, #tpu.memory_space<hbm>>
        tpu.enqueue_indirect_dma source(%dma_start3A_271 : memref<16x128xf32, #tpu.memory_space<vmem>>) target(%dma_start3A_274 : memref<100000x128xf32, #tpu.memory_space<hbm>>) offsets(%get3A_268 : vector<16xi32>) semaphore(%arg17 : memref<!tpu.dma_semaphore, #tpu.memory_space<semaphore_mem>>)
        %dma_start3A_275 = arith.constant 0 : i32
        %dma_start3A_276 = tpu.memref_slice %arg15[%dma_start3A_275] : memref<128xf32, #tpu.memory_space<vmem>> -> memref<16xf32, #tpu.memory_space<vmem>>
        %dma_start3A_277 = arith.constant 0 : i32
        %dma_start3A_278 = tpu.memref_slice %arg6[%dma_start3A_277] : memref<100000xf32, #tpu.memory_space<hbm>> -> memref<100000xf32, #tpu.memory_space<hbm>>
        tpu.enqueue_indirect_dma source(%dma_start3A_276 : memref<16xf32, #tpu.memory_space<vmem>>) target(%dma_start3A_278 : memref<100000xf32, #tpu.memory_space<hbm>>) offsets(%get3A_268 : vector<16xi32>) semaphore(%arg17 : memref<!tpu.dma_semaphore, #tpu.memory_space<semaphore_mem>>)
        %get3A_279 = arith.index_cast %min3A_93 : i32 to index
        %get3A_280 = tpu.vector_load %arg11[%get3A_279] {strides = array<i32>} : memref<16640xi32, #tpu.memory_space<vmem>>, vector<16xi32>,
        %dma_start3A_281 = arith.constant 16 : i32
        %dma_start3A_282 = arith.constant 0 : i32
        %dma_start3A_283 = tpu.memref_slice %arg14[%dma_start3A_281, %dma_start3A_282] : memref<128x128xf32, #tpu.memory_space<vmem>> -> memref<16x128xf32, #tpu.memory_space<vmem>>
        %dma_start3A_284 = arith.constant 0 : i32
        %dma_start3A_285 = arith.constant 0 : i32
        %dma_start3A_286 = tpu.memref_slice %arg5[%dma_start3A_284, %dma_start3A_285] : memref<100000x128xf32, #tpu.memory_space<hbm>> -> memref<100000x128xf32, #tpu.memory_space<hbm>>
        tpu.enqueue_indirect_dma source(%dma_start3A_283 : memref<16x128xf32, #tpu.memory_space<vmem>>) target(%dma_start3A_286 : memref<100000x128xf32, #tpu.memory_space<hbm>>) offsets(%get3A_280 : vector<16xi32>) semaphore(%arg17 : memref<!tpu.dma_semaphore, #tpu.memory_space<semaphore_mem>>)
        %dma_start3A_287 = arith.constant 16 : i32
        %dma_start3A_288 = tpu.memref_slice %arg15[%dma_start3A_287] : memref<128xf32, #tpu.memory_space<vmem>> -> memref<16xf32, #tpu.memory_space<vmem>>
        %dma_start3A_289 = arith.constant 0 : i32
        %dma_start3A_290 = tpu.memref_slice %arg6[%dma_start3A_289] : memref<100000xf32, #tpu.memory_space<hbm>> -> memref<100000xf32, #tpu.memory_space<hbm>>
        tpu.enqueue_indirect_dma source(%dma_start3A_288 : memref<16xf32, #tpu.memory_space<vmem>>) target(%dma_start3A_290 : memref<100000xf32, #tpu.memory_space<hbm>>) offsets(%get3A_280 : vector<16xi32>) semaphore(%arg17 : memref<!tpu.dma_semaphore, #tpu.memory_space<semaphore_mem>>)
        %get3A_291 = arith.index_cast %min3A_100 : i32 to index
        %get3A_292 = tpu.vector_load %arg11[%get3A_291] {strides = array<i32>} : memref<16640xi32, #tpu.memory_space<vmem>>, vector<16xi32>,
        %dma_start3A_293 = arith.constant 32 : i32
        %dma_start3A_294 = arith.constant 0 : i32
        %dma_start3A_295 = tpu.memref_slice %arg14[%dma_start3A_293, %dma_start3A_294] : memref<128x128xf32, #tpu.memory_space<vmem>> -> memref<16x128xf32, #tpu.memory_space<vmem>>
        %dma_start3A_296 = arith.constant 0 : i32
        %dma_start3A_297 = arith.constant 0 : i32
        %dma_start3A_298 = tpu.memref_slice %arg5[%dma_start3A_296, %dma_start3A_297] : memref<100000x128xf32, #tpu.memory_space<hbm>> -> memref<100000x128xf32, #tpu.memory_space<hbm>>
        tpu.enqueue_indirect_dma source(%dma_start3A_295 : memref<16x128xf32, #tpu.memory_space<vmem>>) target(%dma_start3A_298 : memref<100000x128xf32, #tpu.memory_space<hbm>>) offsets(%get3A_292 : vector<16xi32>) semaphore(%arg17 : memref<!tpu.dma_semaphore, #tpu.memory_space<semaphore_mem>>)
        %dma_start3A_299 = arith.constant 32 : i32
        %dma_start3A_300 = tpu.memref_slice %arg15[%dma_start3A_299] : memref<128xf32, #tpu.memory_space<vmem>> -> memref<16xf32, #tpu.memory_space<vmem>>
        %dma_start3A_301 = arith.constant 0 : i32
        %dma_start3A_302 = tpu.memref_slice %arg6[%dma_start3A_301] : memref<100000xf32, #tpu.memory_space<hbm>> -> memref<100000xf32, #tpu.memory_space<hbm>>
        tpu.enqueue_indirect_dma source(%dma_start3A_300 : memref<16xf32, #tpu.memory_space<vmem>>) target(%dma_start3A_302 : memref<100000xf32, #tpu.memory_space<hbm>>) offsets(%get3A_292 : vector<16xi32>) semaphore(%arg17 : memref<!tpu.dma_semaphore, #tpu.memory_space<semaphore_mem>>)
        %get3A_303 = arith.index_cast %min3A_107 : i32 to index
        %get3A_304 = tpu.vector_load %arg11[%get3A_303] {strides = array<i32>} : memref<16640xi32, #tpu.memory_space<vmem>>, vector<16xi32>,
        %dma_start3A_305 = arith.constant 48 : i32
        %dma_start3A_306 = arith.constant 0 : i32
        %dma_start3A_307 = tpu.memref_slice %arg14[%dma_start3A_305, %dma_start3A_306] : memref<128x128xf32, #tpu.memory_space<vmem>> -> memref<16x128xf32, #tpu.memory_space<vmem>>
        %dma_start3A_308 = arith.constant 0 : i32
        %dma_start3A_309 = arith.constant 0 : i32
        %dma_start3A_310 = tpu.memref_slice %arg5[%dma_start3A_308, %dma_start3A_309] : memref<100000x128xf32, #tpu.memory_space<hbm>> -> memref<100000x128xf32, #tpu.memory_space<hbm>>
        tpu.enqueue_indirect_dma source(%dma_start3A_307 : memref<16x128xf32, #tpu.memory_space<vmem>>) target(%dma_start3A_310 : memref<100000x128xf32, #tpu.memory_space<hbm>>) offsets(%get3A_304 : vector<16xi32>) semaphore(%arg17 : memref<!tpu.dma_semaphore, #tpu.memory_space<semaphore_mem>>)
        %dma_start3A_311 = arith.constant 48 : i32
        %dma_start3A_312 = tpu.memref_slice %arg15[%dma_start3A_311] : memref<128xf32, #tpu.memory_space<vmem>> -> memref<16xf32, #tpu.memory_space<vmem>>
        %dma_start3A_313 = arith.constant 0 : i32
        %dma_start3A_314 = tpu.memref_slice %arg6[%dma_start3A_313] : memref<100000xf32, #tpu.memory_space<hbm>> -> memref<100000xf32, #tpu.memory_space<hbm>>
        tpu.enqueue_indirect_dma source(%dma_start3A_312 : memref<16xf32, #tpu.memory_space<vmem>>) target(%dma_start3A_314 : memref<100000xf32, #tpu.memory_space<hbm>>) offsets(%get3A_304 : vector<16xi32>) semaphore(%arg17 : memref<!tpu.dma_semaphore, #tpu.memory_space<semaphore_mem>>)
        %get3A_315 = arith.index_cast %min3A_114 : i32 to index
        %get3A_316 = tpu.vector_load %arg11[%get3A_315] {strides = array<i32>} : memref<16640xi32, #tpu.memory_space<vmem>>, vector<16xi32>,
        %dma_start3A_317 = arith.constant 64 : i32
        %dma_start3A_318 = arith.constant 0 : i32
        %dma_start3A_319 = tpu.memref_slice %arg14[%dma_start3A_317, %dma_start3A_318] : memref<128x128xf32, #tpu.memory_space<vmem>> -> memref<16x128xf32, #tpu.memory_space<vmem>>
        %dma_start3A_320 = arith.constant 0 : i32
        %dma_start3A_321 = arith.constant 0 : i32
        %dma_start3A_322 = tpu.memref_slice %arg5[%dma_start3A_320, %dma_start3A_321] : memref<100000x128xf32, #tpu.memory_space<hbm>> -> memref<100000x128xf32, #tpu.memory_space<hbm>>
        tpu.enqueue_indirect_dma source(%dma_start3A_319 : memref<16x128xf32, #tpu.memory_space<vmem>>) target(%dma_start3A_322 : memref<100000x128xf32, #tpu.memory_space<hbm>>) offsets(%get3A_316 : vector<16xi32>) semaphore(%arg17 : memref<!tpu.dma_semaphore, #tpu.memory_space<semaphore_mem>>)
        %dma_start3A_323 = arith.constant 64 : i32
        %dma_start3A_324 = tpu.memref_slice %arg15[%dma_start3A_323] : memref<128xf32, #tpu.memory_space<vmem>> -> memref<16xf32, #tpu.memory_space<vmem>>
        %dma_start3A_325 = arith.constant 0 : i32
        %dma_start3A_326 = tpu.memref_slice %arg6[%dma_start3A_325] : memref<100000xf32, #tpu.memory_space<hbm>> -> memref<100000xf32, #tpu.memory_space<hbm>>
        tpu.enqueue_indirect_dma source(%dma_start3A_324 : memref<16xf32, #tpu.memory_space<vmem>>) target(%dma_start3A_326 : memref<100000xf32, #tpu.memory_space<hbm>>) offsets(%get3A_316 : vector<16xi32>) semaphore(%arg17 : memref<!tpu.dma_semaphore, #tpu.memory_space<semaphore_mem>>)
        %get3A_327 = arith.index_cast %min3A_121 : i32 to index
        %get3A_328 = tpu.vector_load %arg11[%get3A_327] {strides = array<i32>} : memref<16640xi32, #tpu.memory_space<vmem>>, vector<16xi32>,
        %dma_start3A_329 = arith.constant 80 : i32
        %dma_start3A_330 = arith.constant 0 : i32
        %dma_start3A_331 = tpu.memref_slice %arg14[%dma_start3A_329, %dma_start3A_330] : memref<128x128xf32, #tpu.memory_space<vmem>> -> memref<16x128xf32, #tpu.memory_space<vmem>>
        %dma_start3A_332 = arith.constant 0 : i32
        %dma_start3A_333 = arith.constant 0 : i32
        %dma_start3A_334 = tpu.memref_slice %arg5[%dma_start3A_332, %dma_start3A_333] : memref<100000x128xf32, #tpu.memory_space<hbm>> -> memref<100000x128xf32, #tpu.memory_space<hbm>>
        tpu.enqueue_indirect_dma source(%dma_start3A_331 : memref<16x128xf32, #tpu.memory_space<vmem>>) target(%dma_start3A_334 : memref<100000x128xf32, #tpu.memory_space<hbm>>) offsets(%get3A_328 : vector<16xi32>) semaphore(%arg17 : memref<!tpu.dma_semaphore, #tpu.memory_space<semaphore_mem>>)
        %dma_start3A_335 = arith.constant 80 : i32
        %dma_start3A_336 = tpu.memref_slice %arg15[%dma_start3A_335] : memref<128xf32, #tpu.memory_space<vmem>> -> memref<16xf32, #tpu.memory_space<vmem>>
        %dma_start3A_337 = arith.constant 0 : i32
        %dma_start3A_338 = tpu.memref_slice %arg6[%dma_start3A_337] : memref<100000xf32, #tpu.memory_space<hbm>> -> memref<100000xf32, #tpu.memory_space<hbm>>
        tpu.enqueue_indirect_dma source(%dma_start3A_336 : memref<16xf32, #tpu.memory_space<vmem>>) target(%dma_start3A_338 : memref<100000xf32, #tpu.memory_space<hbm>>) offsets(%get3A_328 : vector<16xi32>) semaphore(%arg17 : memref<!tpu.dma_semaphore, #tpu.memory_space<semaphore_mem>>)
        %get3A_339 = arith.index_cast %min3A_128 : i32 to index
        %get3A_340 = tpu.vector_load %arg11[%get3A_339] {strides = array<i32>} : memref<16640xi32, #tpu.memory_space<vmem>>, vector<16xi32>,
        %dma_start3A_341 = arith.constant 96 : i32
        %dma_start3A_342 = arith.constant 0 : i32
        %dma_start3A_343 = tpu.memref_slice %arg14[%dma_start3A_341, %dma_start3A_342] : memref<128x128xf32, #tpu.memory_space<vmem>> -> memref<16x128xf32, #tpu.memory_space<vmem>>
        %dma_start3A_344 = arith.constant 0 : i32
        %dma_start3A_345 = arith.constant 0 : i32
        %dma_start3A_346 = tpu.memref_slice %arg5[%dma_start3A_344, %dma_start3A_345] : memref<100000x128xf32, #tpu.memory_space<hbm>> -> memref<100000x128xf32, #tpu.memory_space<hbm>>
        tpu.enqueue_indirect_dma source(%dma_start3A_343 : memref<16x128xf32, #tpu.memory_space<vmem>>) target(%dma_start3A_346 : memref<100000x128xf32, #tpu.memory_space<hbm>>) offsets(%get3A_340 : vector<16xi32>) semaphore(%arg17 : memref<!tpu.dma_semaphore, #tpu.memory_space<semaphore_mem>>)
        %dma_start3A_347 = arith.constant 96 : i32
        %dma_start3A_348 = tpu.memref_slice %arg15[%dma_start3A_347] : memref<128xf32, #tpu.memory_space<vmem>> -> memref<16xf32, #tpu.memory_space<vmem>>
        %dma_start3A_349 = arith.constant 0 : i32
        %dma_start3A_350 = tpu.memref_slice %arg6[%dma_start3A_349] : memref<100000xf32, #tpu.memory_space<hbm>> -> memref<100000xf32, #tpu.memory_space<hbm>>
        tpu.enqueue_indirect_dma source(%dma_start3A_348 : memref<16xf32, #tpu.memory_space<vmem>>) target(%dma_start3A_350 : memref<100000xf32, #tpu.memory_space<hbm>>) offsets(%get3A_340 : vector<16xi32>) semaphore(%arg17 : memref<!tpu.dma_semaphore, #tpu.memory_space<semaphore_mem>>)
        %get3A_351 = arith.index_cast %min3A_135 : i32 to index
        %get3A_352 = tpu.vector_load %arg11[%get3A_351] {strides = array<i32>} : memref<16640xi32, #tpu.memory_space<vmem>>, vector<16xi32>,
        %dma_start3A_353 = arith.constant 112 : i32
        %dma_start3A_354 = arith.constant 0 : i32
        %dma_start3A_355 = tpu.memref_slice %arg14[%dma_start3A_353, %dma_start3A_354] : memref<128x128xf32, #tpu.memory_space<vmem>> -> memref<16x128xf32, #tpu.memory_space<vmem>>
        %dma_start3A_356 = arith.constant 0 : i32
        %dma_start3A_357 = arith.constant 0 : i32
        %dma_start3A_358 = tpu.memref_slice %arg5[%dma_start3A_356, %dma_start3A_357] : memref<100000x128xf32, #tpu.memory_space<hbm>> -> memref<100000x128xf32, #tpu.memory_space<hbm>>
        tpu.enqueue_indirect_dma source(%dma_start3A_355 : memref<16x128xf32, #tpu.memory_space<vmem>>) target(%dma_start3A_358 : memref<100000x128xf32, #tpu.memory_space<hbm>>) offsets(%get3A_352 : vector<16xi32>) semaphore(%arg17 : memref<!tpu.dma_semaphore, #tpu.memory_space<semaphore_mem>>)
        %dma_start3A_359 = arith.constant 112 : i32
        %dma_start3A_360 = tpu.memref_slice %arg15[%dma_start3A_359] : memref<128xf32, #tpu.memory_space<vmem>> -> memref<16xf32, #tpu.memory_space<vmem>>
        %dma_start3A_361 = arith.constant 0 : i32
        %dma_start3A_362 = tpu.memref_slice %arg6[%dma_start3A_361] : memref<100000xf32, #tpu.memory_space<hbm>> -> memref<100000xf32, #tpu.memory_space<hbm>>
        tpu.enqueue_indirect_dma source(%dma_start3A_360 : memref<16xf32, #tpu.memory_space<vmem>>) target(%dma_start3A_362 : memref<100000xf32, #tpu.memory_space<hbm>>) offsets(%get3A_352 : vector<16xi32>) semaphore(%arg17 : memref<!tpu.dma_semaphore, #tpu.memory_space<semaphore_mem>>)
        %dma_wait3A_363 = arith.constant 0 : i32
        %dma_wait3A_364 = arith.constant 0 : i32
        %dma_wait3A_365 = tpu.memref_slice %arg14[%dma_wait3A_363, %dma_wait3A_364] : memref<128x128xf32, #tpu.memory_space<vmem>> -> memref<16x128xf32, #tpu.memory_space<vmem>>
        %dma_wait3A_366 = arith.constant 0 : i32
        %dma_wait3A_367 = arith.constant 0 : i32
        %dma_wait3A_368 = tpu.memref_slice %arg5[%dma_wait3A_366, %dma_wait3A_367] : memref<100000x128xf32, #tpu.memory_space<hbm>> -> memref<100000x128xf32, #tpu.memory_space<hbm>>
        tpu.wait_indirect_dma semaphore(%arg17 : memref<!tpu.dma_semaphore, #tpu.memory_space<semaphore_mem>>) src(%dma_wait3A_365 : memref<16x128xf32, #tpu.memory_space<vmem>>) dst(%dma_wait3A_368 : memref<100000x128xf32, #tpu.memory_space<hbm>>)
        %dma_wait3A_369 = arith.constant 0 : i32
        %dma_wait3A_370 = tpu.memref_slice %arg15[%dma_wait3A_369] : memref<128xf32, #tpu.memory_space<vmem>> -> memref<16xf32, #tpu.memory_space<vmem>>
        %dma_wait3A_371 = arith.constant 0 : i32
        %dma_wait3A_372 = tpu.memref_slice %arg6[%dma_wait3A_371] : memref<100000xf32, #tpu.memory_space<hbm>> -> memref<100000xf32, #tpu.memory_space<hbm>>
        tpu.wait_indirect_dma semaphore(%arg17 : memref<!tpu.dma_semaphore, #tpu.memory_space<semaphore_mem>>) src(%dma_wait3A_370 : memref<16xf32, #tpu.memory_space<vmem>>) dst(%dma_wait3A_372 : memref<100000xf32, #tpu.memory_space<hbm>>)
        %dma_wait3A_373 = arith.constant 16 : i32
        %dma_wait3A_374 = arith.constant 0 : i32
        %dma_wait3A_375 = tpu.memref_slice %arg14[%dma_wait3A_373, %dma_wait3A_374] : memref<128x128xf32, #tpu.memory_space<vmem>> -> memref<16x128xf32, #tpu.memory_space<vmem>>
        %dma_wait3A_376 = arith.constant 0 : i32
        %dma_wait3A_377 = arith.constant 0 : i32
        %dma_wait3A_378 = tpu.memref_slice %arg5[%dma_wait3A_376, %dma_wait3A_377] : memref<100000x128xf32, #tpu.memory_space<hbm>> -> memref<100000x128xf32, #tpu.memory_space<hbm>>
        tpu.wait_indirect_dma semaphore(%arg17 : memref<!tpu.dma_semaphore, #tpu.memory_space<semaphore_mem>>) src(%dma_wait3A_375 : memref<16x128xf32, #tpu.memory_space<vmem>>) dst(%dma_wait3A_378 : memref<100000x128xf32, #tpu.memory_space<hbm>>)
        %dma_wait3A_379 = arith.constant 16 : i32
        %dma_wait3A_380 = tpu.memref_slice %arg15[%dma_wait3A_379] : memref<128xf32, #tpu.memory_space<vmem>> -> memref<16xf32, #tpu.memory_space<vmem>>
        %dma_wait3A_381 = arith.constant 0 : i32
        %dma_wait3A_382 = tpu.memref_slice %arg6[%dma_wait3A_381] : memref<100000xf32, #tpu.memory_space<hbm>> -> memref<100000xf32, #tpu.memory_space<hbm>>
        tpu.wait_indirect_dma semaphore(%arg17 : memref<!tpu.dma_semaphore, #tpu.memory_space<semaphore_mem>>) src(%dma_wait3A_380 : memref<16xf32, #tpu.memory_space<vmem>>) dst(%dma_wait3A_382 : memref<100000xf32, #tpu.memory_space<hbm>>)
        %dma_wait3A_383 = arith.constant 32 : i32
        %dma_wait3A_384 = arith.constant 0 : i32
        %dma_wait3A_385 = tpu.memref_slice %arg14[%dma_wait3A_383, %dma_wait3A_384] : memref<128x128xf32, #tpu.memory_space<vmem>> -> memref<16x128xf32, #tpu.memory_space<vmem>>
        %dma_wait3A_386 = arith.constant 0 : i32
        %dma_wait3A_387 = arith.constant 0 : i32
        %dma_wait3A_388 = tpu.memref_slice %arg5[%dma_wait3A_386, %dma_wait3A_387] : memref<100000x128xf32, #tpu.memory_space<hbm>> -> memref<100000x128xf32, #tpu.memory_space<hbm>>
        tpu.wait_indirect_dma semaphore(%arg17 : memref<!tpu.dma_semaphore, #tpu.memory_space<semaphore_mem>>) src(%dma_wait3A_385 : memref<16x128xf32, #tpu.memory_space<vmem>>) dst(%dma_wait3A_388 : memref<100000x128xf32, #tpu.memory_space<hbm>>)
        %dma_wait3A_389 = arith.constant 32 : i32
        %dma_wait3A_390 = tpu.memref_slice %arg15[%dma_wait3A_389] : memref<128xf32, #tpu.memory_space<vmem>> -> memref<16xf32, #tpu.memory_space<vmem>>
        %dma_wait3A_391 = arith.constant 0 : i32
        %dma_wait3A_392 = tpu.memref_slice %arg6[%dma_wait3A_391] : memref<100000xf32, #tpu.memory_space<hbm>> -> memref<100000xf32, #tpu.memory_space<hbm>>
        tpu.wait_indirect_dma semaphore(%arg17 : memref<!tpu.dma_semaphore, #tpu.memory_space<semaphore_mem>>) src(%dma_wait3A_390 : memref<16xf32, #tpu.memory_space<vmem>>) dst(%dma_wait3A_392 : memref<100000xf32, #tpu.memory_space<hbm>>)
        %dma_wait3A_393 = arith.constant 48 : i32
        %dma_wait3A_394 = arith.constant 0 : i32
        %dma_wait3A_395 = tpu.memref_slice %arg14[%dma_wait3A_393, %dma_wait3A_394] : memref<128x128xf32, #tpu.memory_space<vmem>> -> memref<16x128xf32, #tpu.memory_space<vmem>>
        %dma_wait3A_396 = arith.constant 0 : i32
        %dma_wait3A_397 = arith.constant 0 : i32
        %dma_wait3A_398 = tpu.memref_slice %arg5[%dma_wait3A_396, %dma_wait3A_397] : memref<100000x128xf32, #tpu.memory_space<hbm>> -> memref<100000x128xf32, #tpu.memory_space<hbm>>
        tpu.wait_indirect_dma semaphore(%arg17 : memref<!tpu.dma_semaphore, #tpu.memory_space<semaphore_mem>>) src(%dma_wait3A_395 : memref<16x128xf32, #tpu.memory_space<vmem>>) dst(%dma_wait3A_398 : memref<100000x128xf32, #tpu.memory_space<hbm>>)
        %dma_wait3A_399 = arith.constant 48 : i32
        %dma_wait3A_400 = tpu.memref_slice %arg15[%dma_wait3A_399] : memref<128xf32, #tpu.memory_space<vmem>> -> memref<16xf32, #tpu.memory_space<vmem>>
        %dma_wait3A_401 = arith.constant 0 : i32
        %dma_wait3A_402 = tpu.memref_slice %arg6[%dma_wait3A_401] : memref<100000xf32, #tpu.memory_space<hbm>> -> memref<100000xf32, #tpu.memory_space<hbm>>
        tpu.wait_indirect_dma semaphore(%arg17 : memref<!tpu.dma_semaphore, #tpu.memory_space<semaphore_mem>>) src(%dma_wait3A_400 : memref<16xf32, #tpu.memory_space<vmem>>) dst(%dma_wait3A_402 : memref<100000xf32, #tpu.memory_space<hbm>>)
        %dma_wait3A_403 = arith.constant 64 : i32
        %dma_wait3A_404 = arith.constant 0 : i32
        %dma_wait3A_405 = tpu.memref_slice %arg14[%dma_wait3A_403, %dma_wait3A_404] : memref<128x128xf32, #tpu.memory_space<vmem>> -> memref<16x128xf32, #tpu.memory_space<vmem>>
        %dma_wait3A_406 = arith.constant 0 : i32
        %dma_wait3A_407 = arith.constant 0 : i32
        %dma_wait3A_408 = tpu.memref_slice %arg5[%dma_wait3A_406, %dma_wait3A_407] : memref<100000x128xf32, #tpu.memory_space<hbm>> -> memref<100000x128xf32, #tpu.memory_space<hbm>>
        tpu.wait_indirect_dma semaphore(%arg17 : memref<!tpu.dma_semaphore, #tpu.memory_space<semaphore_mem>>) src(%dma_wait3A_405 : memref<16x128xf32, #tpu.memory_space<vmem>>) dst(%dma_wait3A_408 : memref<100000x128xf32, #tpu.memory_space<hbm>>)
        %dma_wait3A_409 = arith.constant 64 : i32
        %dma_wait3A_410 = tpu.memref_slice %arg15[%dma_wait3A_409] : memref<128xf32, #tpu.memory_space<vmem>> -> memref<16xf32, #tpu.memory_space<vmem>>
        %dma_wait3A_411 = arith.constant 0 : i32
        %dma_wait3A_412 = tpu.memref_slice %arg6[%dma_wait3A_411] : memref<100000xf32, #tpu.memory_space<hbm>> -> memref<100000xf32, #tpu.memory_space<hbm>>
        tpu.wait_indirect_dma semaphore(%arg17 : memref<!tpu.dma_semaphore, #tpu.memory_space<semaphore_mem>>) src(%dma_wait3A_410 : memref<16xf32, #tpu.memory_space<vmem>>) dst(%dma_wait3A_412 : memref<100000xf32, #tpu.memory_space<hbm>>)
        %dma_wait3A_413 = arith.constant 80 : i32
        %dma_wait3A_414 = arith.constant 0 : i32
        %dma_wait3A_415 = tpu.memref_slice %arg14[%dma_wait3A_413, %dma_wait3A_414] : memref<128x128xf32, #tpu.memory_space<vmem>> -> memref<16x128xf32, #tpu.memory_space<vmem>>
        %dma_wait3A_416 = arith.constant 0 : i32
        %dma_wait3A_417 = arith.constant 0 : i32
        %dma_wait3A_418 = tpu.memref_slice %arg5[%dma_wait3A_416, %dma_wait3A_417] : memref<100000x128xf32, #tpu.memory_space<hbm>> -> memref<100000x128xf32, #tpu.memory_space<hbm>>
        tpu.wait_indirect_dma semaphore(%arg17 : memref<!tpu.dma_semaphore, #tpu.memory_space<semaphore_mem>>) src(%dma_wait3A_415 : memref<16x128xf32, #tpu.memory_space<vmem>>) dst(%dma_wait3A_418 : memref<100000x128xf32, #tpu.memory_space<hbm>>)
        %dma_wait3A_419 = arith.constant 80 : i32
        %dma_wait3A_420 = tpu.memref_slice %arg15[%dma_wait3A_419] : memref<128xf32, #tpu.memory_space<vmem>> -> memref<16xf32, #tpu.memory_space<vmem>>
        %dma_wait3A_421 = arith.constant 0 : i32
        %dma_wait3A_422 = tpu.memref_slice %arg6[%dma_wait3A_421] : memref<100000xf32, #tpu.memory_space<hbm>> -> memref<100000xf32, #tpu.memory_space<hbm>>
        tpu.wait_indirect_dma semaphore(%arg17 : memref<!tpu.dma_semaphore, #tpu.memory_space<semaphore_mem>>) src(%dma_wait3A_420 : memref<16xf32, #tpu.memory_space<vmem>>) dst(%dma_wait3A_422 : memref<100000xf32, #tpu.memory_space<hbm>>)
        %dma_wait3A_423 = arith.constant 96 : i32
        %dma_wait3A_424 = arith.constant 0 : i32
        %dma_wait3A_425 = tpu.memref_slice %arg14[%dma_wait3A_423, %dma_wait3A_424] : memref<128x128xf32, #tpu.memory_space<vmem>> -> memref<16x128xf32, #tpu.memory_space<vmem>>
        %dma_wait3A_426 = arith.constant 0 : i32
        %dma_wait3A_427 = arith.constant 0 : i32
        %dma_wait3A_428 = tpu.memref_slice %arg5[%dma_wait3A_426, %dma_wait3A_427] : memref<100000x128xf32, #tpu.memory_space<hbm>> -> memref<100000x128xf32, #tpu.memory_space<hbm>>
        tpu.wait_indirect_dma semaphore(%arg17 : memref<!tpu.dma_semaphore, #tpu.memory_space<semaphore_mem>>) src(%dma_wait3A_425 : memref<16x128xf32, #tpu.memory_space<vmem>>) dst(%dma_wait3A_428 : memref<100000x128xf32, #tpu.memory_space<hbm>>)
        %dma_wait3A_429 = arith.constant 96 : i32
        %dma_wait3A_430 = tpu.memref_slice %arg15[%dma_wait3A_429] : memref<128xf32, #tpu.memory_space<vmem>> -> memref<16xf32, #tpu.memory_space<vmem>>
        %dma_wait3A_431 = arith.constant 0 : i32
        %dma_wait3A_432 = tpu.memref_slice %arg6[%dma_wait3A_431] : memref<100000xf32, #tpu.memory_space<hbm>> -> memref<100000xf32, #tpu.memory_space<hbm>>
        tpu.wait_indirect_dma semaphore(%arg17 : memref<!tpu.dma_semaphore, #tpu.memory_space<semaphore_mem>>) src(%dma_wait3A_430 : memref<16xf32, #tpu.memory_space<vmem>>) dst(%dma_wait3A_432 : memref<100000xf32, #tpu.memory_space<hbm>>)
        %dma_wait3A_433 = arith.constant 112 : i32
        %dma_wait3A_434 = arith.constant 0 : i32
        %dma_wait3A_435 = tpu.memref_slice %arg14[%dma_wait3A_433, %dma_wait3A_434] : memref<128x128xf32, #tpu.memory_space<vmem>> -> memref<16x128xf32, #tpu.memory_space<vmem>>
        %dma_wait3A_436 = arith.constant 0 : i32
        %dma_wait3A_437 = arith.constant 0 : i32
        %dma_wait3A_438 = tpu.memref_slice %arg5[%dma_wait3A_436, %dma_wait3A_437] : memref<100000x128xf32, #tpu.memory_space<hbm>> -> memref<100000x128xf32, #tpu.memory_space<hbm>>
        tpu.wait_indirect_dma semaphore(%arg17 : memref<!tpu.dma_semaphore, #tpu.memory_space<semaphore_mem>>) src(%dma_wait3A_435 : memref<16x128xf32, #tpu.memory_space<vmem>>) dst(%dma_wait3A_438 : memref<100000x128xf32, #tpu.memory_space<hbm>>)
        %dma_wait3A_439 = arith.constant 112 : i32
        %dma_wait3A_440 = tpu.memref_slice %arg15[%dma_wait3A_439] : memref<128xf32, #tpu.memory_space<vmem>> -> memref<16xf32, #tpu.memory_space<vmem>>
        %dma_wait3A_441 = arith.constant 0 : i32
        %dma_wait3A_442 = tpu.memref_slice %arg6[%dma_wait3A_441] : memref<100000xf32, #tpu.memory_space<hbm>> -> memref<100000xf32, #tpu.memory_space<hbm>>
        tpu.wait_indirect_dma semaphore(%arg17 : memref<!tpu.dma_semaphore, #tpu.memory_space<semaphore_mem>>) src(%dma_wait3A_440 : memref<16xf32, #tpu.memory_space<vmem>>) dst(%dma_wait3A_442 : memref<100000xf32, #tpu.memory_space<hbm>>)
        %while3A_443 = arith.constant 0 : i32
        scf.yield %while3A_443 : i32
      }
    } else {
    }
    return
  }
}

#map = affine_map<(d0, d1) -> (0)>
#map1 = affine_map<(d0, d1) -> (0, 0)>
module attributes {stable_mosaic.version = 14 : i64} {
  func.func @_sc_gather(%arg0: i32, %arg1: i32, %arg2: memref<16384xi32, #tpu.memory_space<hbm>>, %arg3: memref<100000x128xf32, #tpu.memory_space<hbm>>, %arg4: memref<16384x128xf32, #tpu.memory_space<hbm>>, %arg5: memref<512xi32, #tpu.memory_space<vmem>>, %arg6: memref<512x128xf32, #tpu.memory_space<vmem>>, %arg7: memref<!tpu.dma_semaphore, #tpu.memory_space<semaphore_mem>>) attributes {dimension_semantics = [#tpu.dimension_semantics<core_parallel>, #tpu.dimension_semantics<subcore_parallel>], iteration_bounds = array<i64: 2, 16>, scalar_prefetch = 0 : i64, scratch_operands = 3 : i64, tpu.core_type = #tpu.core_type<sc_vector_subcore>, window_params = [{transform_indices = #map}, {transform_indices = #map1}, {transform_indices = #map1}]} {
    %mul3A = arith.constant 2 : i32
    %mul3A_0 = arith.muli %arg1, %mul3A : i32
    %add3A = arith.addi %mul3A_0, %arg0 : i32
    %mul3A_1 = arith.constant 512 : i32
    %mul3A_2 = arith.muli %add3A, %mul3A_1 : i32
    "tpu.region"() ({
      %run_scoped3A = tpu.sem_alloc : memref<!tpu.dma_semaphore, #tpu.memory_space<semaphore_mem>>
      %dma_start3A_448 = tpu.memref_slice %arg2[%mul3A_2] : memref<16384xi32, #tpu.memory_space<hbm>> -> memref<512xi32, #tpu.memory_space<hbm>>
      %dma_start3A_449 = tpu.memref_slice %arg2[%mul3A_2] : memref<16384xi32, #tpu.memory_space<hbm>> -> memref<512xi32, #tpu.memory_space<hbm>>
      tpu.enqueue_dma source(%dma_start3A_449 : memref<512xi32, #tpu.memory_space<hbm>>) target(%arg5 : memref<512xi32, #tpu.memory_space<vmem>>) target_semaphore(%run_scoped3A : memref<!tpu.dma_semaphore, #tpu.memory_space<semaphore_mem>>)
      %dma_wait3A_450 = tpu.memref_slice %arg2[%mul3A_2] : memref<16384xi32, #tpu.memory_space<hbm>> -> memref<512xi32, #tpu.memory_space<hbm>>
      %dma_wait3A_451 = tpu.memref_slice %arg2[%mul3A_2] : memref<16384xi32, #tpu.memory_space<hbm>> -> memref<512xi32, #tpu.memory_space<hbm>>
      tpu.wait_dma2 semaphore(%run_scoped3A : memref<!tpu.dma_semaphore, #tpu.memory_space<semaphore_mem>>) src(%dma_wait3A_451 : memref<512xi32, #tpu.memory_space<hbm>>) dst(%arg5 : memref<512xi32, #tpu.memory_space<vmem>>)
      tpu.yield
    }) : () -> ()
    %get3A = arith.constant 0 : index
    %get3A_3 = tpu.vector_load %arg5[%get3A] {strides = array<i32>} : memref<512xi32, #tpu.memory_space<vmem>>, vector<16xi32>,
    %dma_start3A = arith.constant 0 : i32
    %dma_start3A_4 = arith.constant 0 : i32
    %dma_start3A_5 = tpu.memref_slice %arg6[%dma_start3A, %dma_start3A_4] : memref<512x128xf32, #tpu.memory_space<vmem>> -> memref<16x128xf32, #tpu.memory_space<vmem>>
    %dma_start3A_6 = arith.constant 0 : i32
    %dma_start3A_7 = arith.constant 0 : i32
    %dma_start3A_8 = tpu.memref_slice %arg3[%dma_start3A_6, %dma_start3A_7] : memref<100000x128xf32, #tpu.memory_space<hbm>> -> memref<100000x128xf32, #tpu.memory_space<hbm>>
    tpu.enqueue_indirect_dma source(%dma_start3A_8 : memref<100000x128xf32, #tpu.memory_space<hbm>>) target(%dma_start3A_5 : memref<16x128xf32, #tpu.memory_space<vmem>>) offsets(%get3A_3 : vector<16xi32>) semaphore(%arg7 : memref<!tpu.dma_semaphore, #tpu.memory_space<semaphore_mem>>)
    %get3A_9 = arith.constant 16 : index
    %get3A_10 = tpu.vector_load %arg5[%get3A_9] {strides = array<i32>} : memref<512xi32, #tpu.memory_space<vmem>>, vector<16xi32>,
    %dma_start3A_11 = arith.constant 16 : i32
    %dma_start3A_12 = arith.constant 0 : i32
    %dma_start3A_13 = tpu.memref_slice %arg6[%dma_start3A_11, %dma_start3A_12] : memref<512x128xf32, #tpu.memory_space<vmem>> -> memref<16x128xf32, #tpu.memory_space<vmem>>
    %dma_start3A_14 = arith.constant 0 : i32
    %dma_start3A_15 = arith.constant 0 : i32
    %dma_start3A_16 = tpu.memref_slice %arg3[%dma_start3A_14, %dma_start3A_15] : memref<100000x128xf32, #tpu.memory_space<hbm>> -> memref<100000x128xf32, #tpu.memory_space<hbm>>
    tpu.enqueue_indirect_dma source(%dma_start3A_16 : memref<100000x128xf32, #tpu.memory_space<hbm>>) target(%dma_start3A_13 : memref<16x128xf32, #tpu.memory_space<vmem>>) offsets(%get3A_10 : vector<16xi32>) semaphore(%arg7 : memref<!tpu.dma_semaphore, #tpu.memory_space<semaphore_mem>>)
    %get3A_17 = arith.constant 32 : index
    %get3A_18 = tpu.vector_load %arg5[%get3A_17] {strides = array<i32>} : memref<512xi32, #tpu.memory_space<vmem>>, vector<16xi32>,
    %dma_start3A_19 = arith.constant 32 : i32
    %dma_start3A_20 = arith.constant 0 : i32
    %dma_start3A_21 = tpu.memref_slice %arg6[%dma_start3A_19, %dma_start3A_20] : memref<512x128xf32, #tpu.memory_space<vmem>> -> memref<16x128xf32, #tpu.memory_space<vmem>>
    %dma_start3A_22 = arith.constant 0 : i32
    %dma_start3A_23 = arith.constant 0 : i32
    %dma_start3A_24 = tpu.memref_slice %arg3[%dma_start3A_22, %dma_start3A_23] : memref<100000x128xf32, #tpu.memory_space<hbm>> -> memref<100000x128xf32, #tpu.memory_space<hbm>>
    tpu.enqueue_indirect_dma source(%dma_start3A_24 : memref<100000x128xf32, #tpu.memory_space<hbm>>) target(%dma_start3A_21 : memref<16x128xf32, #tpu.memory_space<vmem>>) offsets(%get3A_18 : vector<16xi32>) semaphore(%arg7 : memref<!tpu.dma_semaphore, #tpu.memory_space<semaphore_mem>>)
    %get3A_25 = arith.constant 48 : index
    %get3A_26 = tpu.vector_load %arg5[%get3A_25] {strides = array<i32>} : memref<512xi32, #tpu.memory_space<vmem>>, vector<16xi32>,
    %dma_start3A_27 = arith.constant 48 : i32
    %dma_start3A_28 = arith.constant 0 : i32
    %dma_start3A_29 = tpu.memref_slice %arg6[%dma_start3A_27, %dma_start3A_28] : memref<512x128xf32, #tpu.memory_space<vmem>> -> memref<16x128xf32, #tpu.memory_space<vmem>>
    %dma_start3A_30 = arith.constant 0 : i32
    %dma_start3A_31 = arith.constant 0 : i32
    %dma_start3A_32 = tpu.memref_slice %arg3[%dma_start3A_30, %dma_start3A_31] : memref<100000x128xf32, #tpu.memory_space<hbm>> -> memref<100000x128xf32, #tpu.memory_space<hbm>>
    tpu.enqueue_indirect_dma source(%dma_start3A_32 : memref<100000x128xf32, #tpu.memory_space<hbm>>) target(%dma_start3A_29 : memref<16x128xf32, #tpu.memory_space<vmem>>) offsets(%get3A_26 : vector<16xi32>) semaphore(%arg7 : memref<!tpu.dma_semaphore, #tpu.memory_space<semaphore_mem>>)
    %get3A_33 = arith.constant 64 : index
    %get3A_34 = tpu.vector_load %arg5[%get3A_33] {strides = array<i32>} : memref<512xi32, #tpu.memory_space<vmem>>, vector<16xi32>,
    %dma_start3A_35 = arith.constant 64 : i32
    %dma_start3A_36 = arith.constant 0 : i32
    %dma_start3A_37 = tpu.memref_slice %arg6[%dma_start3A_35, %dma_start3A_36] : memref<512x128xf32, #tpu.memory_space<vmem>> -> memref<16x128xf32, #tpu.memory_space<vmem>>
    %dma_start3A_38 = arith.constant 0 : i32
    %dma_start3A_39 = arith.constant 0 : i32
    %dma_start3A_40 = tpu.memref_slice %arg3[%dma_start3A_38, %dma_start3A_39] : memref<100000x128xf32, #tpu.memory_space<hbm>> -> memref<100000x128xf32, #tpu.memory_space<hbm>>
    tpu.enqueue_indirect_dma source(%dma_start3A_40 : memref<100000x128xf32, #tpu.memory_space<hbm>>) target(%dma_start3A_37 : memref<16x128xf32, #tpu.memory_space<vmem>>) offsets(%get3A_34 : vector<16xi32>) semaphore(%arg7 : memref<!tpu.dma_semaphore, #tpu.memory_space<semaphore_mem>>)
    %get3A_41 = arith.constant 80 : index
    %get3A_42 = tpu.vector_load %arg5[%get3A_41] {strides = array<i32>} : memref<512xi32, #tpu.memory_space<vmem>>, vector<16xi32>,
    %dma_start3A_43 = arith.constant 80 : i32
    %dma_start3A_44 = arith.constant 0 : i32
    %dma_start3A_45 = tpu.memref_slice %arg6[%dma_start3A_43, %dma_start3A_44] : memref<512x128xf32, #tpu.memory_space<vmem>> -> memref<16x128xf32, #tpu.memory_space<vmem>>
    %dma_start3A_46 = arith.constant 0 : i32
    %dma_start3A_47 = arith.constant 0 : i32
    %dma_start3A_48 = tpu.memref_slice %arg3[%dma_start3A_46, %dma_start3A_47] : memref<100000x128xf32, #tpu.memory_space<hbm>> -> memref<100000x128xf32, #tpu.memory_space<hbm>>
    tpu.enqueue_indirect_dma source(%dma_start3A_48 : memref<100000x128xf32, #tpu.memory_space<hbm>>) target(%dma_start3A_45 : memref<16x128xf32, #tpu.memory_space<vmem>>) offsets(%get3A_42 : vector<16xi32>) semaphore(%arg7 : memref<!tpu.dma_semaphore, #tpu.memory_space<semaphore_mem>>)
    %get3A_49 = arith.constant 96 : index
    %get3A_50 = tpu.vector_load %arg5[%get3A_49] {strides = array<i32>} : memref<512xi32, #tpu.memory_space<vmem>>, vector<16xi32>,
    %dma_start3A_51 = arith.constant 96 : i32
    %dma_start3A_52 = arith.constant 0 : i32
    %dma_start3A_53 = tpu.memref_slice %arg6[%dma_start3A_51, %dma_start3A_52] : memref<512x128xf32, #tpu.memory_space<vmem>> -> memref<16x128xf32, #tpu.memory_space<vmem>>
    %dma_start3A_54 = arith.constant 0 : i32
    %dma_start3A_55 = arith.constant 0 : i32
    %dma_start3A_56 = tpu.memref_slice %arg3[%dma_start3A_54, %dma_start3A_55] : memref<100000x128xf32, #tpu.memory_space<hbm>> -> memref<100000x128xf32, #tpu.memory_space<hbm>>
    tpu.enqueue_indirect_dma source(%dma_start3A_56 : memref<100000x128xf32, #tpu.memory_space<hbm>>) target(%dma_start3A_53 : memref<16x128xf32, #tpu.memory_space<vmem>>) offsets(%get3A_50 : vector<16xi32>) semaphore(%arg7 : memref<!tpu.dma_semaphore, #tpu.memory_space<semaphore_mem>>)
    %get3A_57 = arith.constant 112 : index
    %get3A_58 = tpu.vector_load %arg5[%get3A_57] {strides = array<i32>} : memref<512xi32, #tpu.memory_space<vmem>>, vector<16xi32>,
    %dma_start3A_59 = arith.constant 112 : i32
    %dma_start3A_60 = arith.constant 0 : i32
    %dma_start3A_61 = tpu.memref_slice %arg6[%dma_start3A_59, %dma_start3A_60] : memref<512x128xf32, #tpu.memory_space<vmem>> -> memref<16x128xf32, #tpu.memory_space<vmem>>
    %dma_start3A_62 = arith.constant 0 : i32
    %dma_start3A_63 = arith.constant 0 : i32
    %dma_start3A_64 = tpu.memref_slice %arg3[%dma_start3A_62, %dma_start3A_63] : memref<100000x128xf32, #tpu.memory_space<hbm>> -> memref<100000x128xf32, #tpu.memory_space<hbm>>
    tpu.enqueue_indirect_dma source(%dma_start3A_64 : memref<100000x128xf32, #tpu.memory_space<hbm>>) target(%dma_start3A_61 : memref<16x128xf32, #tpu.memory_space<vmem>>) offsets(%get3A_58 : vector<16xi32>) semaphore(%arg7 : memref<!tpu.dma_semaphore, #tpu.memory_space<semaphore_mem>>)
    %get3A_65 = arith.constant 128 : index
    %get3A_66 = tpu.vector_load %arg5[%get3A_65] {strides = array<i32>} : memref<512xi32, #tpu.memory_space<vmem>>, vector<16xi32>,
    %dma_start3A_67 = arith.constant 128 : i32
    %dma_start3A_68 = arith.constant 0 : i32
    %dma_start3A_69 = tpu.memref_slice %arg6[%dma_start3A_67, %dma_start3A_68] : memref<512x128xf32, #tpu.memory_space<vmem>> -> memref<16x128xf32, #tpu.memory_space<vmem>>
    %dma_start3A_70 = arith.constant 0 : i32
    %dma_start3A_71 = arith.constant 0 : i32
    %dma_start3A_72 = tpu.memref_slice %arg3[%dma_start3A_70, %dma_start3A_71] : memref<100000x128xf32, #tpu.memory_space<hbm>> -> memref<100000x128xf32, #tpu.memory_space<hbm>>
    tpu.enqueue_indirect_dma source(%dma_start3A_72 : memref<100000x128xf32, #tpu.memory_space<hbm>>) target(%dma_start3A_69 : memref<16x128xf32, #tpu.memory_space<vmem>>) offsets(%get3A_66 : vector<16xi32>) semaphore(%arg7 : memref<!tpu.dma_semaphore, #tpu.memory_space<semaphore_mem>>)
    %get3A_73 = arith.constant 144 : index
    %get3A_74 = tpu.vector_load %arg5[%get3A_73] {strides = array<i32>} : memref<512xi32, #tpu.memory_space<vmem>>, vector<16xi32>,
    %dma_start3A_75 = arith.constant 144 : i32
    %dma_start3A_76 = arith.constant 0 : i32
    %dma_start3A_77 = tpu.memref_slice %arg6[%dma_start3A_75, %dma_start3A_76] : memref<512x128xf32, #tpu.memory_space<vmem>> -> memref<16x128xf32, #tpu.memory_space<vmem>>
    %dma_start3A_78 = arith.constant 0 : i32
    %dma_start3A_79 = arith.constant 0 : i32
    %dma_start3A_80 = tpu.memref_slice %arg3[%dma_start3A_78, %dma_start3A_79] : memref<100000x128xf32, #tpu.memory_space<hbm>> -> memref<100000x128xf32, #tpu.memory_space<hbm>>
    tpu.enqueue_indirect_dma source(%dma_start3A_80 : memref<100000x128xf32, #tpu.memory_space<hbm>>) target(%dma_start3A_77 : memref<16x128xf32, #tpu.memory_space<vmem>>) offsets(%get3A_74 : vector<16xi32>) semaphore(%arg7 : memref<!tpu.dma_semaphore, #tpu.memory_space<semaphore_mem>>)
    %get3A_81 = arith.constant 160 : index
    %get3A_82 = tpu.vector_load %arg5[%get3A_81] {strides = array<i32>} : memref<512xi32, #tpu.memory_space<vmem>>, vector<16xi32>,
    %dma_start3A_83 = arith.constant 160 : i32
    %dma_start3A_84 = arith.constant 0 : i32
    %dma_start3A_85 = tpu.memref_slice %arg6[%dma_start3A_83, %dma_start3A_84] : memref<512x128xf32, #tpu.memory_space<vmem>> -> memref<16x128xf32, #tpu.memory_space<vmem>>
    %dma_start3A_86 = arith.constant 0 : i32
    %dma_start3A_87 = arith.constant 0 : i32
    %dma_start3A_88 = tpu.memref_slice %arg3[%dma_start3A_86, %dma_start3A_87] : memref<100000x128xf32, #tpu.memory_space<hbm>> -> memref<100000x128xf32, #tpu.memory_space<hbm>>
    tpu.enqueue_indirect_dma source(%dma_start3A_88 : memref<100000x128xf32, #tpu.memory_space<hbm>>) target(%dma_start3A_85 : memref<16x128xf32, #tpu.memory_space<vmem>>) offsets(%get3A_82 : vector<16xi32>) semaphore(%arg7 : memref<!tpu.dma_semaphore, #tpu.memory_space<semaphore_mem>>)
    %get3A_89 = arith.constant 176 : index
    %get3A_90 = tpu.vector_load %arg5[%get3A_89] {strides = array<i32>} : memref<512xi32, #tpu.memory_space<vmem>>, vector<16xi32>,
    %dma_start3A_91 = arith.constant 176 : i32
    %dma_start3A_92 = arith.constant 0 : i32
    %dma_start3A_93 = tpu.memref_slice %arg6[%dma_start3A_91, %dma_start3A_92] : memref<512x128xf32, #tpu.memory_space<vmem>> -> memref<16x128xf32, #tpu.memory_space<vmem>>
    %dma_start3A_94 = arith.constant 0 : i32
    %dma_start3A_95 = arith.constant 0 : i32
    %dma_start3A_96 = tpu.memref_slice %arg3[%dma_start3A_94, %dma_start3A_95] : memref<100000x128xf32, #tpu.memory_space<hbm>> -> memref<100000x128xf32, #tpu.memory_space<hbm>>
    tpu.enqueue_indirect_dma source(%dma_start3A_96 : memref<100000x128xf32, #tpu.memory_space<hbm>>) target(%dma_start3A_93 : memref<16x128xf32, #tpu.memory_space<vmem>>) offsets(%get3A_90 : vector<16xi32>) semaphore(%arg7 : memref<!tpu.dma_semaphore, #tpu.memory_space<semaphore_mem>>)
    %get3A_97 = arith.constant 192 : index
    %get3A_98 = tpu.vector_load %arg5[%get3A_97] {strides = array<i32>} : memref<512xi32, #tpu.memory_space<vmem>>, vector<16xi32>,
    %dma_start3A_99 = arith.constant 192 : i32
    %dma_start3A_100 = arith.constant 0 : i32
    %dma_start3A_101 = tpu.memref_slice %arg6[%dma_start3A_99, %dma_start3A_100] : memref<512x128xf32, #tpu.memory_space<vmem>> -> memref<16x128xf32, #tpu.memory_space<vmem>>
    %dma_start3A_102 = arith.constant 0 : i32
    %dma_start3A_103 = arith.constant 0 : i32
    %dma_start3A_104 = tpu.memref_slice %arg3[%dma_start3A_102, %dma_start3A_103] : memref<100000x128xf32, #tpu.memory_space<hbm>> -> memref<100000x128xf32, #tpu.memory_space<hbm>>
    tpu.enqueue_indirect_dma source(%dma_start3A_104 : memref<100000x128xf32, #tpu.memory_space<hbm>>) target(%dma_start3A_101 : memref<16x128xf32, #tpu.memory_space<vmem>>) offsets(%get3A_98 : vector<16xi32>) semaphore(%arg7 : memref<!tpu.dma_semaphore, #tpu.memory_space<semaphore_mem>>)
    %get3A_105 = arith.constant 208 : index
    %get3A_106 = tpu.vector_load %arg5[%get3A_105] {strides = array<i32>} : memref<512xi32, #tpu.memory_space<vmem>>, vector<16xi32>,
    %dma_start3A_107 = arith.constant 208 : i32
    %dma_start3A_108 = arith.constant 0 : i32
    %dma_start3A_109 = tpu.memref_slice %arg6[%dma_start3A_107, %dma_start3A_108] : memref<512x128xf32, #tpu.memory_space<vmem>> -> memref<16x128xf32, #tpu.memory_space<vmem>>
    %dma_start3A_110 = arith.constant 0 : i32
    %dma_start3A_111 = arith.constant 0 : i32
    %dma_start3A_112 = tpu.memref_slice %arg3[%dma_start3A_110, %dma_start3A_111] : memref<100000x128xf32, #tpu.memory_space<hbm>> -> memref<100000x128xf32, #tpu.memory_space<hbm>>
    tpu.enqueue_indirect_dma source(%dma_start3A_112 : memref<100000x128xf32, #tpu.memory_space<hbm>>) target(%dma_start3A_109 : memref<16x128xf32, #tpu.memory_space<vmem>>) offsets(%get3A_106 : vector<16xi32>) semaphore(%arg7 : memref<!tpu.dma_semaphore, #tpu.memory_space<semaphore_mem>>)
    %get3A_113 = arith.constant 224 : index
    %get3A_114 = tpu.vector_load %arg5[%get3A_113] {strides = array<i32>} : memref<512xi32, #tpu.memory_space<vmem>>, vector<16xi32>,
    %dma_start3A_115 = arith.constant 224 : i32
    %dma_start3A_116 = arith.constant 0 : i32
    %dma_start3A_117 = tpu.memref_slice %arg6[%dma_start3A_115, %dma_start3A_116] : memref<512x128xf32, #tpu.memory_space<vmem>> -> memref<16x128xf32, #tpu.memory_space<vmem>>
    %dma_start3A_118 = arith.constant 0 : i32
    %dma_start3A_119 = arith.constant 0 : i32
    %dma_start3A_120 = tpu.memref_slice %arg3[%dma_start3A_118, %dma_start3A_119] : memref<100000x128xf32, #tpu.memory_space<hbm>> -> memref<100000x128xf32, #tpu.memory_space<hbm>>
    tpu.enqueue_indirect_dma source(%dma_start3A_120 : memref<100000x128xf32, #tpu.memory_space<hbm>>) target(%dma_start3A_117 : memref<16x128xf32, #tpu.memory_space<vmem>>) offsets(%get3A_114 : vector<16xi32>) semaphore(%arg7 : memref<!tpu.dma_semaphore, #tpu.memory_space<semaphore_mem>>)
    %get3A_121 = arith.constant 240 : index
    %get3A_122 = tpu.vector_load %arg5[%get3A_121] {strides = array<i32>} : memref<512xi32, #tpu.memory_space<vmem>>, vector<16xi32>,
    %dma_start3A_123 = arith.constant 240 : i32
    %dma_start3A_124 = arith.constant 0 : i32
    %dma_start3A_125 = tpu.memref_slice %arg6[%dma_start3A_123, %dma_start3A_124] : memref<512x128xf32, #tpu.memory_space<vmem>> -> memref<16x128xf32, #tpu.memory_space<vmem>>
    %dma_start3A_126 = arith.constant 0 : i32
    %dma_start3A_127 = arith.constant 0 : i32
    %dma_start3A_128 = tpu.memref_slice %arg3[%dma_start3A_126, %dma_start3A_127] : memref<100000x128xf32, #tpu.memory_space<hbm>> -> memref<100000x128xf32, #tpu.memory_space<hbm>>
    tpu.enqueue_indirect_dma source(%dma_start3A_128 : memref<100000x128xf32, #tpu.memory_space<hbm>>) target(%dma_start3A_125 : memref<16x128xf32, #tpu.memory_space<vmem>>) offsets(%get3A_122 : vector<16xi32>) semaphore(%arg7 : memref<!tpu.dma_semaphore, #tpu.memory_space<semaphore_mem>>)
    %get3A_129 = arith.constant 256 : index
    %get3A_130 = tpu.vector_load %arg5[%get3A_129] {strides = array<i32>} : memref<512xi32, #tpu.memory_space<vmem>>, vector<16xi32>,
    %dma_start3A_131 = arith.constant 256 : i32
    %dma_start3A_132 = arith.constant 0 : i32
    %dma_start3A_133 = tpu.memref_slice %arg6[%dma_start3A_131, %dma_start3A_132] : memref<512x128xf32, #tpu.memory_space<vmem>> -> memref<16x128xf32, #tpu.memory_space<vmem>>
    %dma_start3A_134 = arith.constant 0 : i32
    %dma_start3A_135 = arith.constant 0 : i32
    %dma_start3A_136 = tpu.memref_slice %arg3[%dma_start3A_134, %dma_start3A_135] : memref<100000x128xf32, #tpu.memory_space<hbm>> -> memref<100000x128xf32, #tpu.memory_space<hbm>>
    tpu.enqueue_indirect_dma source(%dma_start3A_136 : memref<100000x128xf32, #tpu.memory_space<hbm>>) target(%dma_start3A_133 : memref<16x128xf32, #tpu.memory_space<vmem>>) offsets(%get3A_130 : vector<16xi32>) semaphore(%arg7 : memref<!tpu.dma_semaphore, #tpu.memory_space<semaphore_mem>>)
    %get3A_137 = arith.constant 272 : index
    %get3A_138 = tpu.vector_load %arg5[%get3A_137] {strides = array<i32>} : memref<512xi32, #tpu.memory_space<vmem>>, vector<16xi32>,
    %dma_start3A_139 = arith.constant 272 : i32
    %dma_start3A_140 = arith.constant 0 : i32
    %dma_start3A_141 = tpu.memref_slice %arg6[%dma_start3A_139, %dma_start3A_140] : memref<512x128xf32, #tpu.memory_space<vmem>> -> memref<16x128xf32, #tpu.memory_space<vmem>>
    %dma_start3A_142 = arith.constant 0 : i32
    %dma_start3A_143 = arith.constant 0 : i32
    %dma_start3A_144 = tpu.memref_slice %arg3[%dma_start3A_142, %dma_start3A_143] : memref<100000x128xf32, #tpu.memory_space<hbm>> -> memref<100000x128xf32, #tpu.memory_space<hbm>>
    tpu.enqueue_indirect_dma source(%dma_start3A_144 : memref<100000x128xf32, #tpu.memory_space<hbm>>) target(%dma_start3A_141 : memref<16x128xf32, #tpu.memory_space<vmem>>) offsets(%get3A_138 : vector<16xi32>) semaphore(%arg7 : memref<!tpu.dma_semaphore, #tpu.memory_space<semaphore_mem>>)
    %get3A_145 = arith.constant 288 : index
    %get3A_146 = tpu.vector_load %arg5[%get3A_145] {strides = array<i32>} : memref<512xi32, #tpu.memory_space<vmem>>, vector<16xi32>,
    %dma_start3A_147 = arith.constant 288 : i32
    %dma_start3A_148 = arith.constant 0 : i32
    %dma_start3A_149 = tpu.memref_slice %arg6[%dma_start3A_147, %dma_start3A_148] : memref<512x128xf32, #tpu.memory_space<vmem>> -> memref<16x128xf32, #tpu.memory_space<vmem>>
    %dma_start3A_150 = arith.constant 0 : i32
    %dma_start3A_151 = arith.constant 0 : i32
    %dma_start3A_152 = tpu.memref_slice %arg3[%dma_start3A_150, %dma_start3A_151] : memref<100000x128xf32, #tpu.memory_space<hbm>> -> memref<100000x128xf32, #tpu.memory_space<hbm>>
    tpu.enqueue_indirect_dma source(%dma_start3A_152 : memref<100000x128xf32, #tpu.memory_space<hbm>>) target(%dma_start3A_149 : memref<16x128xf32, #tpu.memory_space<vmem>>) offsets(%get3A_146 : vector<16xi32>) semaphore(%arg7 : memref<!tpu.dma_semaphore, #tpu.memory_space<semaphore_mem>>)
    %get3A_153 = arith.constant 304 : index
    %get3A_154 = tpu.vector_load %arg5[%get3A_153] {strides = array<i32>} : memref<512xi32, #tpu.memory_space<vmem>>, vector<16xi32>,
    %dma_start3A_155 = arith.constant 304 : i32
    %dma_start3A_156 = arith.constant 0 : i32
    %dma_start3A_157 = tpu.memref_slice %arg6[%dma_start3A_155, %dma_start3A_156] : memref<512x128xf32, #tpu.memory_space<vmem>> -> memref<16x128xf32, #tpu.memory_space<vmem>>
    %dma_start3A_158 = arith.constant 0 : i32
    %dma_start3A_159 = arith.constant 0 : i32
    %dma_start3A_160 = tpu.memref_slice %arg3[%dma_start3A_158, %dma_start3A_159] : memref<100000x128xf32, #tpu.memory_space<hbm>> -> memref<100000x128xf32, #tpu.memory_space<hbm>>
    tpu.enqueue_indirect_dma source(%dma_start3A_160 : memref<100000x128xf32, #tpu.memory_space<hbm>>) target(%dma_start3A_157 : memref<16x128xf32, #tpu.memory_space<vmem>>) offsets(%get3A_154 : vector<16xi32>) semaphore(%arg7 : memref<!tpu.dma_semaphore, #tpu.memory_space<semaphore_mem>>)
    %get3A_161 = arith.constant 320 : index
    %get3A_162 = tpu.vector_load %arg5[%get3A_161] {strides = array<i32>} : memref<512xi32, #tpu.memory_space<vmem>>, vector<16xi32>,
    %dma_start3A_163 = arith.constant 320 : i32
    %dma_start3A_164 = arith.constant 0 : i32
    %dma_start3A_165 = tpu.memref_slice %arg6[%dma_start3A_163, %dma_start3A_164] : memref<512x128xf32, #tpu.memory_space<vmem>> -> memref<16x128xf32, #tpu.memory_space<vmem>>
    %dma_start3A_166 = arith.constant 0 : i32
    %dma_start3A_167 = arith.constant 0 : i32
    %dma_start3A_168 = tpu.memref_slice %arg3[%dma_start3A_166, %dma_start3A_167] : memref<100000x128xf32, #tpu.memory_space<hbm>> -> memref<100000x128xf32, #tpu.memory_space<hbm>>
    tpu.enqueue_indirect_dma source(%dma_start3A_168 : memref<100000x128xf32, #tpu.memory_space<hbm>>) target(%dma_start3A_165 : memref<16x128xf32, #tpu.memory_space<vmem>>) offsets(%get3A_162 : vector<16xi32>) semaphore(%arg7 : memref<!tpu.dma_semaphore, #tpu.memory_space<semaphore_mem>>)
    %get3A_169 = arith.constant 336 : index
    %get3A_170 = tpu.vector_load %arg5[%get3A_169] {strides = array<i32>} : memref<512xi32, #tpu.memory_space<vmem>>, vector<16xi32>,
    %dma_start3A_171 = arith.constant 336 : i32
    %dma_start3A_172 = arith.constant 0 : i32
    %dma_start3A_173 = tpu.memref_slice %arg6[%dma_start3A_171, %dma_start3A_172] : memref<512x128xf32, #tpu.memory_space<vmem>> -> memref<16x128xf32, #tpu.memory_space<vmem>>
    %dma_start3A_174 = arith.constant 0 : i32
    %dma_start3A_175 = arith.constant 0 : i32
    %dma_start3A_176 = tpu.memref_slice %arg3[%dma_start3A_174, %dma_start3A_175] : memref<100000x128xf32, #tpu.memory_space<hbm>> -> memref<100000x128xf32, #tpu.memory_space<hbm>>
    tpu.enqueue_indirect_dma source(%dma_start3A_176 : memref<100000x128xf32, #tpu.memory_space<hbm>>) target(%dma_start3A_173 : memref<16x128xf32, #tpu.memory_space<vmem>>) offsets(%get3A_170 : vector<16xi32>) semaphore(%arg7 : memref<!tpu.dma_semaphore, #tpu.memory_space<semaphore_mem>>)
    %get3A_177 = arith.constant 352 : index
    %get3A_178 = tpu.vector_load %arg5[%get3A_177] {strides = array<i32>} : memref<512xi32, #tpu.memory_space<vmem>>, vector<16xi32>,
    %dma_start3A_179 = arith.constant 352 : i32
    %dma_start3A_180 = arith.constant 0 : i32
    %dma_start3A_181 = tpu.memref_slice %arg6[%dma_start3A_179, %dma_start3A_180] : memref<512x128xf32, #tpu.memory_space<vmem>> -> memref<16x128xf32, #tpu.memory_space<vmem>>
    %dma_start3A_182 = arith.constant 0 : i32
    %dma_start3A_183 = arith.constant 0 : i32
    %dma_start3A_184 = tpu.memref_slice %arg3[%dma_start3A_182, %dma_start3A_183] : memref<100000x128xf32, #tpu.memory_space<hbm>> -> memref<100000x128xf32, #tpu.memory_space<hbm>>
    tpu.enqueue_indirect_dma source(%dma_start3A_184 : memref<100000x128xf32, #tpu.memory_space<hbm>>) target(%dma_start3A_181 : memref<16x128xf32, #tpu.memory_space<vmem>>) offsets(%get3A_178 : vector<16xi32>) semaphore(%arg7 : memref<!tpu.dma_semaphore, #tpu.memory_space<semaphore_mem>>)
    %get3A_185 = arith.constant 368 : index
    %get3A_186 = tpu.vector_load %arg5[%get3A_185] {strides = array<i32>} : memref<512xi32, #tpu.memory_space<vmem>>, vector<16xi32>,
    %dma_start3A_187 = arith.constant 368 : i32
    %dma_start3A_188 = arith.constant 0 : i32
    %dma_start3A_189 = tpu.memref_slice %arg6[%dma_start3A_187, %dma_start3A_188] : memref<512x128xf32, #tpu.memory_space<vmem>> -> memref<16x128xf32, #tpu.memory_space<vmem>>
    %dma_start3A_190 = arith.constant 0 : i32
    %dma_start3A_191 = arith.constant 0 : i32
    %dma_start3A_192 = tpu.memref_slice %arg3[%dma_start3A_190, %dma_start3A_191] : memref<100000x128xf32, #tpu.memory_space<hbm>> -> memref<100000x128xf32, #tpu.memory_space<hbm>>
    tpu.enqueue_indirect_dma source(%dma_start3A_192 : memref<100000x128xf32, #tpu.memory_space<hbm>>) target(%dma_start3A_189 : memref<16x128xf32, #tpu.memory_space<vmem>>) offsets(%get3A_186 : vector<16xi32>) semaphore(%arg7 : memref<!tpu.dma_semaphore, #tpu.memory_space<semaphore_mem>>)
    %get3A_193 = arith.constant 384 : index
    %get3A_194 = tpu.vector_load %arg5[%get3A_193] {strides = array<i32>} : memref<512xi32, #tpu.memory_space<vmem>>, vector<16xi32>,
    %dma_start3A_195 = arith.constant 384 : i32
    %dma_start3A_196 = arith.constant 0 : i32
    %dma_start3A_197 = tpu.memref_slice %arg6[%dma_start3A_195, %dma_start3A_196] : memref<512x128xf32, #tpu.memory_space<vmem>> -> memref<16x128xf32, #tpu.memory_space<vmem>>
    %dma_start3A_198 = arith.constant 0 : i32
    %dma_start3A_199 = arith.constant 0 : i32
    %dma_start3A_200 = tpu.memref_slice %arg3[%dma_start3A_198, %dma_start3A_199] : memref<100000x128xf32, #tpu.memory_space<hbm>> -> memref<100000x128xf32, #tpu.memory_space<hbm>>
    tpu.enqueue_indirect_dma source(%dma_start3A_200 : memref<100000x128xf32, #tpu.memory_space<hbm>>) target(%dma_start3A_197 : memref<16x128xf32, #tpu.memory_space<vmem>>) offsets(%get3A_194 : vector<16xi32>) semaphore(%arg7 : memref<!tpu.dma_semaphore, #tpu.memory_space<semaphore_mem>>)
    %get3A_201 = arith.constant 400 : index
    %get3A_202 = tpu.vector_load %arg5[%get3A_201] {strides = array<i32>} : memref<512xi32, #tpu.memory_space<vmem>>, vector<16xi32>,
    %dma_start3A_203 = arith.constant 400 : i32
    %dma_start3A_204 = arith.constant 0 : i32
    %dma_start3A_205 = tpu.memref_slice %arg6[%dma_start3A_203, %dma_start3A_204] : memref<512x128xf32, #tpu.memory_space<vmem>> -> memref<16x128xf32, #tpu.memory_space<vmem>>
    %dma_start3A_206 = arith.constant 0 : i32
    %dma_start3A_207 = arith.constant 0 : i32
    %dma_start3A_208 = tpu.memref_slice %arg3[%dma_start3A_206, %dma_start3A_207] : memref<100000x128xf32, #tpu.memory_space<hbm>> -> memref<100000x128xf32, #tpu.memory_space<hbm>>
    tpu.enqueue_indirect_dma source(%dma_start3A_208 : memref<100000x128xf32, #tpu.memory_space<hbm>>) target(%dma_start3A_205 : memref<16x128xf32, #tpu.memory_space<vmem>>) offsets(%get3A_202 : vector<16xi32>) semaphore(%arg7 : memref<!tpu.dma_semaphore, #tpu.memory_space<semaphore_mem>>)
    %get3A_209 = arith.constant 416 : index
    %get3A_210 = tpu.vector_load %arg5[%get3A_209] {strides = array<i32>} : memref<512xi32, #tpu.memory_space<vmem>>, vector<16xi32>,
    %dma_start3A_211 = arith.constant 416 : i32
    %dma_start3A_212 = arith.constant 0 : i32
    %dma_start3A_213 = tpu.memref_slice %arg6[%dma_start3A_211, %dma_start3A_212] : memref<512x128xf32, #tpu.memory_space<vmem>> -> memref<16x128xf32, #tpu.memory_space<vmem>>
    %dma_start3A_214 = arith.constant 0 : i32
    %dma_start3A_215 = arith.constant 0 : i32
    %dma_start3A_216 = tpu.memref_slice %arg3[%dma_start3A_214, %dma_start3A_215] : memref<100000x128xf32, #tpu.memory_space<hbm>> -> memref<100000x128xf32, #tpu.memory_space<hbm>>
    tpu.enqueue_indirect_dma source(%dma_start3A_216 : memref<100000x128xf32, #tpu.memory_space<hbm>>) target(%dma_start3A_213 : memref<16x128xf32, #tpu.memory_space<vmem>>) offsets(%get3A_210 : vector<16xi32>) semaphore(%arg7 : memref<!tpu.dma_semaphore, #tpu.memory_space<semaphore_mem>>)
    %get3A_217 = arith.constant 432 : index
    %get3A_218 = tpu.vector_load %arg5[%get3A_217] {strides = array<i32>} : memref<512xi32, #tpu.memory_space<vmem>>, vector<16xi32>,
    %dma_start3A_219 = arith.constant 432 : i32
    %dma_start3A_220 = arith.constant 0 : i32
    %dma_start3A_221 = tpu.memref_slice %arg6[%dma_start3A_219, %dma_start3A_220] : memref<512x128xf32, #tpu.memory_space<vmem>> -> memref<16x128xf32, #tpu.memory_space<vmem>>
    %dma_start3A_222 = arith.constant 0 : i32
    %dma_start3A_223 = arith.constant 0 : i32
    %dma_start3A_224 = tpu.memref_slice %arg3[%dma_start3A_222, %dma_start3A_223] : memref<100000x128xf32, #tpu.memory_space<hbm>> -> memref<100000x128xf32, #tpu.memory_space<hbm>>
    tpu.enqueue_indirect_dma source(%dma_start3A_224 : memref<100000x128xf32, #tpu.memory_space<hbm>>) target(%dma_start3A_221 : memref<16x128xf32, #tpu.memory_space<vmem>>) offsets(%get3A_218 : vector<16xi32>) semaphore(%arg7 : memref<!tpu.dma_semaphore, #tpu.memory_space<semaphore_mem>>)
    %get3A_225 = arith.constant 448 : index
    %get3A_226 = tpu.vector_load %arg5[%get3A_225] {strides = array<i32>} : memref<512xi32, #tpu.memory_space<vmem>>, vector<16xi32>,
    %dma_start3A_227 = arith.constant 448 : i32
    %dma_start3A_228 = arith.constant 0 : i32
    %dma_start3A_229 = tpu.memref_slice %arg6[%dma_start3A_227, %dma_start3A_228] : memref<512x128xf32, #tpu.memory_space<vmem>> -> memref<16x128xf32, #tpu.memory_space<vmem>>
    %dma_start3A_230 = arith.constant 0 : i32
    %dma_start3A_231 = arith.constant 0 : i32
    %dma_start3A_232 = tpu.memref_slice %arg3[%dma_start3A_230, %dma_start3A_231] : memref<100000x128xf32, #tpu.memory_space<hbm>> -> memref<100000x128xf32, #tpu.memory_space<hbm>>
    tpu.enqueue_indirect_dma source(%dma_start3A_232 : memref<100000x128xf32, #tpu.memory_space<hbm>>) target(%dma_start3A_229 : memref<16x128xf32, #tpu.memory_space<vmem>>) offsets(%get3A_226 : vector<16xi32>) semaphore(%arg7 : memref<!tpu.dma_semaphore, #tpu.memory_space<semaphore_mem>>)
    %get3A_233 = arith.constant 464 : index
    %get3A_234 = tpu.vector_load %arg5[%get3A_233] {strides = array<i32>} : memref<512xi32, #tpu.memory_space<vmem>>, vector<16xi32>,
    %dma_start3A_235 = arith.constant 464 : i32
    %dma_start3A_236 = arith.constant 0 : i32
    %dma_start3A_237 = tpu.memref_slice %arg6[%dma_start3A_235, %dma_start3A_236] : memref<512x128xf32, #tpu.memory_space<vmem>> -> memref<16x128xf32, #tpu.memory_space<vmem>>
    %dma_start3A_238 = arith.constant 0 : i32
    %dma_start3A_239 = arith.constant 0 : i32
    %dma_start3A_240 = tpu.memref_slice %arg3[%dma_start3A_238, %dma_start3A_239] : memref<100000x128xf32, #tpu.memory_space<hbm>> -> memref<100000x128xf32, #tpu.memory_space<hbm>>
    tpu.enqueue_indirect_dma source(%dma_start3A_240 : memref<100000x128xf32, #tpu.memory_space<hbm>>) target(%dma_start3A_237 : memref<16x128xf32, #tpu.memory_space<vmem>>) offsets(%get3A_234 : vector<16xi32>) semaphore(%arg7 : memref<!tpu.dma_semaphore, #tpu.memory_space<semaphore_mem>>)
    %get3A_241 = arith.constant 480 : index
    %get3A_242 = tpu.vector_load %arg5[%get3A_241] {strides = array<i32>} : memref<512xi32, #tpu.memory_space<vmem>>, vector<16xi32>,
    %dma_start3A_243 = arith.constant 480 : i32
    %dma_start3A_244 = arith.constant 0 : i32
    %dma_start3A_245 = tpu.memref_slice %arg6[%dma_start3A_243, %dma_start3A_244] : memref<512x128xf32, #tpu.memory_space<vmem>> -> memref<16x128xf32, #tpu.memory_space<vmem>>
    %dma_start3A_246 = arith.constant 0 : i32
    %dma_start3A_247 = arith.constant 0 : i32
    %dma_start3A_248 = tpu.memref_slice %arg3[%dma_start3A_246, %dma_start3A_247] : memref<100000x128xf32, #tpu.memory_space<hbm>> -> memref<100000x128xf32, #tpu.memory_space<hbm>>
    tpu.enqueue_indirect_dma source(%dma_start3A_248 : memref<100000x128xf32, #tpu.memory_space<hbm>>) target(%dma_start3A_245 : memref<16x128xf32, #tpu.memory_space<vmem>>) offsets(%get3A_242 : vector<16xi32>) semaphore(%arg7 : memref<!tpu.dma_semaphore, #tpu.memory_space<semaphore_mem>>)
    %get3A_249 = arith.constant 496 : index
    %get3A_250 = tpu.vector_load %arg5[%get3A_249] {strides = array<i32>} : memref<512xi32, #tpu.memory_space<vmem>>, vector<16xi32>,
    %dma_start3A_251 = arith.constant 496 : i32
    %dma_start3A_252 = arith.constant 0 : i32
    %dma_start3A_253 = tpu.memref_slice %arg6[%dma_start3A_251, %dma_start3A_252] : memref<512x128xf32, #tpu.memory_space<vmem>> -> memref<16x128xf32, #tpu.memory_space<vmem>>
    %dma_start3A_254 = arith.constant 0 : i32
    %dma_start3A_255 = arith.constant 0 : i32
    %dma_start3A_256 = tpu.memref_slice %arg3[%dma_start3A_254, %dma_start3A_255] : memref<100000x128xf32, #tpu.memory_space<hbm>> -> memref<100000x128xf32, #tpu.memory_space<hbm>>
    tpu.enqueue_indirect_dma source(%dma_start3A_256 : memref<100000x128xf32, #tpu.memory_space<hbm>>) target(%dma_start3A_253 : memref<16x128xf32, #tpu.memory_space<vmem>>) offsets(%get3A_250 : vector<16xi32>) semaphore(%arg7 : memref<!tpu.dma_semaphore, #tpu.memory_space<semaphore_mem>>)
    %dma_wait3A = arith.constant 0 : i32
    %dma_wait3A_257 = arith.constant 0 : i32
    %dma_wait3A_258 = tpu.memref_slice %arg6[%dma_wait3A, %dma_wait3A_257] : memref<512x128xf32, #tpu.memory_space<vmem>> -> memref<16x128xf32, #tpu.memory_space<vmem>>
    %dma_wait3A_259 = arith.constant 0 : i32
    %dma_wait3A_260 = arith.constant 0 : i32
    %dma_wait3A_261 = tpu.memref_slice %arg3[%dma_wait3A_259, %dma_wait3A_260] : memref<100000x128xf32, #tpu.memory_space<hbm>> -> memref<100000x128xf32, #tpu.memory_space<hbm>>
    tpu.wait_indirect_dma semaphore(%arg7 : memref<!tpu.dma_semaphore, #tpu.memory_space<semaphore_mem>>) src(%dma_wait3A_261 : memref<100000x128xf32, #tpu.memory_space<hbm>>) dst(%dma_wait3A_258 : memref<16x128xf32, #tpu.memory_space<vmem>>)
    %dma_wait3A_262 = arith.constant 16 : i32
    %dma_wait3A_263 = arith.constant 0 : i32
    %dma_wait3A_264 = tpu.memref_slice %arg6[%dma_wait3A_262, %dma_wait3A_263] : memref<512x128xf32, #tpu.memory_space<vmem>> -> memref<16x128xf32, #tpu.memory_space<vmem>>
    %dma_wait3A_265 = arith.constant 0 : i32
    %dma_wait3A_266 = arith.constant 0 : i32
    %dma_wait3A_267 = tpu.memref_slice %arg3[%dma_wait3A_265, %dma_wait3A_266] : memref<100000x128xf32, #tpu.memory_space<hbm>> -> memref<100000x128xf32, #tpu.memory_space<hbm>>
    tpu.wait_indirect_dma semaphore(%arg7 : memref<!tpu.dma_semaphore, #tpu.memory_space<semaphore_mem>>) src(%dma_wait3A_267 : memref<100000x128xf32, #tpu.memory_space<hbm>>) dst(%dma_wait3A_264 : memref<16x128xf32, #tpu.memory_space<vmem>>)
    %dma_wait3A_268 = arith.constant 32 : i32
    %dma_wait3A_269 = arith.constant 0 : i32
    %dma_wait3A_270 = tpu.memref_slice %arg6[%dma_wait3A_268, %dma_wait3A_269] : memref<512x128xf32, #tpu.memory_space<vmem>> -> memref<16x128xf32, #tpu.memory_space<vmem>>
    %dma_wait3A_271 = arith.constant 0 : i32
    %dma_wait3A_272 = arith.constant 0 : i32
    %dma_wait3A_273 = tpu.memref_slice %arg3[%dma_wait3A_271, %dma_wait3A_272] : memref<100000x128xf32, #tpu.memory_space<hbm>> -> memref<100000x128xf32, #tpu.memory_space<hbm>>
    tpu.wait_indirect_dma semaphore(%arg7 : memref<!tpu.dma_semaphore, #tpu.memory_space<semaphore_mem>>) src(%dma_wait3A_273 : memref<100000x128xf32, #tpu.memory_space<hbm>>) dst(%dma_wait3A_270 : memref<16x128xf32, #tpu.memory_space<vmem>>)
    %dma_wait3A_274 = arith.constant 48 : i32
    %dma_wait3A_275 = arith.constant 0 : i32
    %dma_wait3A_276 = tpu.memref_slice %arg6[%dma_wait3A_274, %dma_wait3A_275] : memref<512x128xf32, #tpu.memory_space<vmem>> -> memref<16x128xf32, #tpu.memory_space<vmem>>
    %dma_wait3A_277 = arith.constant 0 : i32
    %dma_wait3A_278 = arith.constant 0 : i32
    %dma_wait3A_279 = tpu.memref_slice %arg3[%dma_wait3A_277, %dma_wait3A_278] : memref<100000x128xf32, #tpu.memory_space<hbm>> -> memref<100000x128xf32, #tpu.memory_space<hbm>>
    tpu.wait_indirect_dma semaphore(%arg7 : memref<!tpu.dma_semaphore, #tpu.memory_space<semaphore_mem>>) src(%dma_wait3A_279 : memref<100000x128xf32, #tpu.memory_space<hbm>>) dst(%dma_wait3A_276 : memref<16x128xf32, #tpu.memory_space<vmem>>)
    %dma_wait3A_280 = arith.constant 64 : i32
    %dma_wait3A_281 = arith.constant 0 : i32
    %dma_wait3A_282 = tpu.memref_slice %arg6[%dma_wait3A_280, %dma_wait3A_281] : memref<512x128xf32, #tpu.memory_space<vmem>> -> memref<16x128xf32, #tpu.memory_space<vmem>>
    %dma_wait3A_283 = arith.constant 0 : i32
    %dma_wait3A_284 = arith.constant 0 : i32
    %dma_wait3A_285 = tpu.memref_slice %arg3[%dma_wait3A_283, %dma_wait3A_284] : memref<100000x128xf32, #tpu.memory_space<hbm>> -> memref<100000x128xf32, #tpu.memory_space<hbm>>
    tpu.wait_indirect_dma semaphore(%arg7 : memref<!tpu.dma_semaphore, #tpu.memory_space<semaphore_mem>>) src(%dma_wait3A_285 : memref<100000x128xf32, #tpu.memory_space<hbm>>) dst(%dma_wait3A_282 : memref<16x128xf32, #tpu.memory_space<vmem>>)
    %dma_wait3A_286 = arith.constant 80 : i32
    %dma_wait3A_287 = arith.constant 0 : i32
    %dma_wait3A_288 = tpu.memref_slice %arg6[%dma_wait3A_286, %dma_wait3A_287] : memref<512x128xf32, #tpu.memory_space<vmem>> -> memref<16x128xf32, #tpu.memory_space<vmem>>
    %dma_wait3A_289 = arith.constant 0 : i32
    %dma_wait3A_290 = arith.constant 0 : i32
    %dma_wait3A_291 = tpu.memref_slice %arg3[%dma_wait3A_289, %dma_wait3A_290] : memref<100000x128xf32, #tpu.memory_space<hbm>> -> memref<100000x128xf32, #tpu.memory_space<hbm>>
    tpu.wait_indirect_dma semaphore(%arg7 : memref<!tpu.dma_semaphore, #tpu.memory_space<semaphore_mem>>) src(%dma_wait3A_291 : memref<100000x128xf32, #tpu.memory_space<hbm>>) dst(%dma_wait3A_288 : memref<16x128xf32, #tpu.memory_space<vmem>>)
    %dma_wait3A_292 = arith.constant 96 : i32
    %dma_wait3A_293 = arith.constant 0 : i32
    %dma_wait3A_294 = tpu.memref_slice %arg6[%dma_wait3A_292, %dma_wait3A_293] : memref<512x128xf32, #tpu.memory_space<vmem>> -> memref<16x128xf32, #tpu.memory_space<vmem>>
    %dma_wait3A_295 = arith.constant 0 : i32
    %dma_wait3A_296 = arith.constant 0 : i32
    %dma_wait3A_297 = tpu.memref_slice %arg3[%dma_wait3A_295, %dma_wait3A_296] : memref<100000x128xf32, #tpu.memory_space<hbm>> -> memref<100000x128xf32, #tpu.memory_space<hbm>>
    tpu.wait_indirect_dma semaphore(%arg7 : memref<!tpu.dma_semaphore, #tpu.memory_space<semaphore_mem>>) src(%dma_wait3A_297 : memref<100000x128xf32, #tpu.memory_space<hbm>>) dst(%dma_wait3A_294 : memref<16x128xf32, #tpu.memory_space<vmem>>)
    %dma_wait3A_298 = arith.constant 112 : i32
    %dma_wait3A_299 = arith.constant 0 : i32
    %dma_wait3A_300 = tpu.memref_slice %arg6[%dma_wait3A_298, %dma_wait3A_299] : memref<512x128xf32, #tpu.memory_space<vmem>> -> memref<16x128xf32, #tpu.memory_space<vmem>>
    %dma_wait3A_301 = arith.constant 0 : i32
    %dma_wait3A_302 = arith.constant 0 : i32
    %dma_wait3A_303 = tpu.memref_slice %arg3[%dma_wait3A_301, %dma_wait3A_302] : memref<100000x128xf32, #tpu.memory_space<hbm>> -> memref<100000x128xf32, #tpu.memory_space<hbm>>
    tpu.wait_indirect_dma semaphore(%arg7 : memref<!tpu.dma_semaphore, #tpu.memory_space<semaphore_mem>>) src(%dma_wait3A_303 : memref<100000x128xf32, #tpu.memory_space<hbm>>) dst(%dma_wait3A_300 : memref<16x128xf32, #tpu.memory_space<vmem>>)
    %dma_wait3A_304 = arith.constant 128 : i32
    %dma_wait3A_305 = arith.constant 0 : i32
    %dma_wait3A_306 = tpu.memref_slice %arg6[%dma_wait3A_304, %dma_wait3A_305] : memref<512x128xf32, #tpu.memory_space<vmem>> -> memref<16x128xf32, #tpu.memory_space<vmem>>
    %dma_wait3A_307 = arith.constant 0 : i32
    %dma_wait3A_308 = arith.constant 0 : i32
    %dma_wait3A_309 = tpu.memref_slice %arg3[%dma_wait3A_307, %dma_wait3A_308] : memref<100000x128xf32, #tpu.memory_space<hbm>> -> memref<100000x128xf32, #tpu.memory_space<hbm>>
    tpu.wait_indirect_dma semaphore(%arg7 : memref<!tpu.dma_semaphore, #tpu.memory_space<semaphore_mem>>) src(%dma_wait3A_309 : memref<100000x128xf32, #tpu.memory_space<hbm>>) dst(%dma_wait3A_306 : memref<16x128xf32, #tpu.memory_space<vmem>>)
    %dma_wait3A_310 = arith.constant 144 : i32
    %dma_wait3A_311 = arith.constant 0 : i32
    %dma_wait3A_312 = tpu.memref_slice %arg6[%dma_wait3A_310, %dma_wait3A_311] : memref<512x128xf32, #tpu.memory_space<vmem>> -> memref<16x128xf32, #tpu.memory_space<vmem>>
    %dma_wait3A_313 = arith.constant 0 : i32
    %dma_wait3A_314 = arith.constant 0 : i32
    %dma_wait3A_315 = tpu.memref_slice %arg3[%dma_wait3A_313, %dma_wait3A_314] : memref<100000x128xf32, #tpu.memory_space<hbm>> -> memref<100000x128xf32, #tpu.memory_space<hbm>>
    tpu.wait_indirect_dma semaphore(%arg7 : memref<!tpu.dma_semaphore, #tpu.memory_space<semaphore_mem>>) src(%dma_wait3A_315 : memref<100000x128xf32, #tpu.memory_space<hbm>>) dst(%dma_wait3A_312 : memref<16x128xf32, #tpu.memory_space<vmem>>)
    %dma_wait3A_316 = arith.constant 160 : i32
    %dma_wait3A_317 = arith.constant 0 : i32
    %dma_wait3A_318 = tpu.memref_slice %arg6[%dma_wait3A_316, %dma_wait3A_317] : memref<512x128xf32, #tpu.memory_space<vmem>> -> memref<16x128xf32, #tpu.memory_space<vmem>>
    %dma_wait3A_319 = arith.constant 0 : i32
    %dma_wait3A_320 = arith.constant 0 : i32
    %dma_wait3A_321 = tpu.memref_slice %arg3[%dma_wait3A_319, %dma_wait3A_320] : memref<100000x128xf32, #tpu.memory_space<hbm>> -> memref<100000x128xf32, #tpu.memory_space<hbm>>
    tpu.wait_indirect_dma semaphore(%arg7 : memref<!tpu.dma_semaphore, #tpu.memory_space<semaphore_mem>>) src(%dma_wait3A_321 : memref<100000x128xf32, #tpu.memory_space<hbm>>) dst(%dma_wait3A_318 : memref<16x128xf32, #tpu.memory_space<vmem>>)
    %dma_wait3A_322 = arith.constant 176 : i32
    %dma_wait3A_323 = arith.constant 0 : i32
    %dma_wait3A_324 = tpu.memref_slice %arg6[%dma_wait3A_322, %dma_wait3A_323] : memref<512x128xf32, #tpu.memory_space<vmem>> -> memref<16x128xf32, #tpu.memory_space<vmem>>
    %dma_wait3A_325 = arith.constant 0 : i32
    %dma_wait3A_326 = arith.constant 0 : i32
    %dma_wait3A_327 = tpu.memref_slice %arg3[%dma_wait3A_325, %dma_wait3A_326] : memref<100000x128xf32, #tpu.memory_space<hbm>> -> memref<100000x128xf32, #tpu.memory_space<hbm>>
    tpu.wait_indirect_dma semaphore(%arg7 : memref<!tpu.dma_semaphore, #tpu.memory_space<semaphore_mem>>) src(%dma_wait3A_327 : memref<100000x128xf32, #tpu.memory_space<hbm>>) dst(%dma_wait3A_324 : memref<16x128xf32, #tpu.memory_space<vmem>>)
    %dma_wait3A_328 = arith.constant 192 : i32
    %dma_wait3A_329 = arith.constant 0 : i32
    %dma_wait3A_330 = tpu.memref_slice %arg6[%dma_wait3A_328, %dma_wait3A_329] : memref<512x128xf32, #tpu.memory_space<vmem>> -> memref<16x128xf32, #tpu.memory_space<vmem>>
    %dma_wait3A_331 = arith.constant 0 : i32
    %dma_wait3A_332 = arith.constant 0 : i32
    %dma_wait3A_333 = tpu.memref_slice %arg3[%dma_wait3A_331, %dma_wait3A_332] : memref<100000x128xf32, #tpu.memory_space<hbm>> -> memref<100000x128xf32, #tpu.memory_space<hbm>>
    tpu.wait_indirect_dma semaphore(%arg7 : memref<!tpu.dma_semaphore, #tpu.memory_space<semaphore_mem>>) src(%dma_wait3A_333 : memref<100000x128xf32, #tpu.memory_space<hbm>>) dst(%dma_wait3A_330 : memref<16x128xf32, #tpu.memory_space<vmem>>)
    %dma_wait3A_334 = arith.constant 208 : i32
    %dma_wait3A_335 = arith.constant 0 : i32
    %dma_wait3A_336 = tpu.memref_slice %arg6[%dma_wait3A_334, %dma_wait3A_335] : memref<512x128xf32, #tpu.memory_space<vmem>> -> memref<16x128xf32, #tpu.memory_space<vmem>>
    %dma_wait3A_337 = arith.constant 0 : i32
    %dma_wait3A_338 = arith.constant 0 : i32
    %dma_wait3A_339 = tpu.memref_slice %arg3[%dma_wait3A_337, %dma_wait3A_338] : memref<100000x128xf32, #tpu.memory_space<hbm>> -> memref<100000x128xf32, #tpu.memory_space<hbm>>
    tpu.wait_indirect_dma semaphore(%arg7 : memref<!tpu.dma_semaphore, #tpu.memory_space<semaphore_mem>>) src(%dma_wait3A_339 : memref<100000x128xf32, #tpu.memory_space<hbm>>) dst(%dma_wait3A_336 : memref<16x128xf32, #tpu.memory_space<vmem>>)
    %dma_wait3A_340 = arith.constant 224 : i32
    %dma_wait3A_341 = arith.constant 0 : i32
    %dma_wait3A_342 = tpu.memref_slice %arg6[%dma_wait3A_340, %dma_wait3A_341] : memref<512x128xf32, #tpu.memory_space<vmem>> -> memref<16x128xf32, #tpu.memory_space<vmem>>
    %dma_wait3A_343 = arith.constant 0 : i32
    %dma_wait3A_344 = arith.constant 0 : i32
    %dma_wait3A_345 = tpu.memref_slice %arg3[%dma_wait3A_343, %dma_wait3A_344] : memref<100000x128xf32, #tpu.memory_space<hbm>> -> memref<100000x128xf32, #tpu.memory_space<hbm>>
    tpu.wait_indirect_dma semaphore(%arg7 : memref<!tpu.dma_semaphore, #tpu.memory_space<semaphore_mem>>) src(%dma_wait3A_345 : memref<100000x128xf32, #tpu.memory_space<hbm>>) dst(%dma_wait3A_342 : memref<16x128xf32, #tpu.memory_space<vmem>>)
    %dma_wait3A_346 = arith.constant 240 : i32
    %dma_wait3A_347 = arith.constant 0 : i32
    %dma_wait3A_348 = tpu.memref_slice %arg6[%dma_wait3A_346, %dma_wait3A_347] : memref<512x128xf32, #tpu.memory_space<vmem>> -> memref<16x128xf32, #tpu.memory_space<vmem>>
    %dma_wait3A_349 = arith.constant 0 : i32
    %dma_wait3A_350 = arith.constant 0 : i32
    %dma_wait3A_351 = tpu.memref_slice %arg3[%dma_wait3A_349, %dma_wait3A_350] : memref<100000x128xf32, #tpu.memory_space<hbm>> -> memref<100000x128xf32, #tpu.memory_space<hbm>>
    tpu.wait_indirect_dma semaphore(%arg7 : memref<!tpu.dma_semaphore, #tpu.memory_space<semaphore_mem>>) src(%dma_wait3A_351 : memref<100000x128xf32, #tpu.memory_space<hbm>>) dst(%dma_wait3A_348 : memref<16x128xf32, #tpu.memory_space<vmem>>)
    %dma_wait3A_352 = arith.constant 256 : i32
    %dma_wait3A_353 = arith.constant 0 : i32
    %dma_wait3A_354 = tpu.memref_slice %arg6[%dma_wait3A_352, %dma_wait3A_353] : memref<512x128xf32, #tpu.memory_space<vmem>> -> memref<16x128xf32, #tpu.memory_space<vmem>>
    %dma_wait3A_355 = arith.constant 0 : i32
    %dma_wait3A_356 = arith.constant 0 : i32
    %dma_wait3A_357 = tpu.memref_slice %arg3[%dma_wait3A_355, %dma_wait3A_356] : memref<100000x128xf32, #tpu.memory_space<hbm>> -> memref<100000x128xf32, #tpu.memory_space<hbm>>
    tpu.wait_indirect_dma semaphore(%arg7 : memref<!tpu.dma_semaphore, #tpu.memory_space<semaphore_mem>>) src(%dma_wait3A_357 : memref<100000x128xf32, #tpu.memory_space<hbm>>) dst(%dma_wait3A_354 : memref<16x128xf32, #tpu.memory_space<vmem>>)
    %dma_wait3A_358 = arith.constant 272 : i32
    %dma_wait3A_359 = arith.constant 0 : i32
    %dma_wait3A_360 = tpu.memref_slice %arg6[%dma_wait3A_358, %dma_wait3A_359] : memref<512x128xf32, #tpu.memory_space<vmem>> -> memref<16x128xf32, #tpu.memory_space<vmem>>
    %dma_wait3A_361 = arith.constant 0 : i32
    %dma_wait3A_362 = arith.constant 0 : i32
    %dma_wait3A_363 = tpu.memref_slice %arg3[%dma_wait3A_361, %dma_wait3A_362] : memref<100000x128xf32, #tpu.memory_space<hbm>> -> memref<100000x128xf32, #tpu.memory_space<hbm>>
    tpu.wait_indirect_dma semaphore(%arg7 : memref<!tpu.dma_semaphore, #tpu.memory_space<semaphore_mem>>) src(%dma_wait3A_363 : memref<100000x128xf32, #tpu.memory_space<hbm>>) dst(%dma_wait3A_360 : memref<16x128xf32, #tpu.memory_space<vmem>>)
    %dma_wait3A_364 = arith.constant 288 : i32
    %dma_wait3A_365 = arith.constant 0 : i32
    %dma_wait3A_366 = tpu.memref_slice %arg6[%dma_wait3A_364, %dma_wait3A_365] : memref<512x128xf32, #tpu.memory_space<vmem>> -> memref<16x128xf32, #tpu.memory_space<vmem>>
    %dma_wait3A_367 = arith.constant 0 : i32
    %dma_wait3A_368 = arith.constant 0 : i32
    %dma_wait3A_369 = tpu.memref_slice %arg3[%dma_wait3A_367, %dma_wait3A_368] : memref<100000x128xf32, #tpu.memory_space<hbm>> -> memref<100000x128xf32, #tpu.memory_space<hbm>>
    tpu.wait_indirect_dma semaphore(%arg7 : memref<!tpu.dma_semaphore, #tpu.memory_space<semaphore_mem>>) src(%dma_wait3A_369 : memref<100000x128xf32, #tpu.memory_space<hbm>>) dst(%dma_wait3A_366 : memref<16x128xf32, #tpu.memory_space<vmem>>)
    %dma_wait3A_370 = arith.constant 304 : i32
    %dma_wait3A_371 = arith.constant 0 : i32
    %dma_wait3A_372 = tpu.memref_slice %arg6[%dma_wait3A_370, %dma_wait3A_371] : memref<512x128xf32, #tpu.memory_space<vmem>> -> memref<16x128xf32, #tpu.memory_space<vmem>>
    %dma_wait3A_373 = arith.constant 0 : i32
    %dma_wait3A_374 = arith.constant 0 : i32
    %dma_wait3A_375 = tpu.memref_slice %arg3[%dma_wait3A_373, %dma_wait3A_374] : memref<100000x128xf32, #tpu.memory_space<hbm>> -> memref<100000x128xf32, #tpu.memory_space<hbm>>
    tpu.wait_indirect_dma semaphore(%arg7 : memref<!tpu.dma_semaphore, #tpu.memory_space<semaphore_mem>>) src(%dma_wait3A_375 : memref<100000x128xf32, #tpu.memory_space<hbm>>) dst(%dma_wait3A_372 : memref<16x128xf32, #tpu.memory_space<vmem>>)
    %dma_wait3A_376 = arith.constant 320 : i32
    %dma_wait3A_377 = arith.constant 0 : i32
    %dma_wait3A_378 = tpu.memref_slice %arg6[%dma_wait3A_376, %dma_wait3A_377] : memref<512x128xf32, #tpu.memory_space<vmem>> -> memref<16x128xf32, #tpu.memory_space<vmem>>
    %dma_wait3A_379 = arith.constant 0 : i32
    %dma_wait3A_380 = arith.constant 0 : i32
    %dma_wait3A_381 = tpu.memref_slice %arg3[%dma_wait3A_379, %dma_wait3A_380] : memref<100000x128xf32, #tpu.memory_space<hbm>> -> memref<100000x128xf32, #tpu.memory_space<hbm>>
    tpu.wait_indirect_dma semaphore(%arg7 : memref<!tpu.dma_semaphore, #tpu.memory_space<semaphore_mem>>) src(%dma_wait3A_381 : memref<100000x128xf32, #tpu.memory_space<hbm>>) dst(%dma_wait3A_378 : memref<16x128xf32, #tpu.memory_space<vmem>>)
    %dma_wait3A_382 = arith.constant 336 : i32
    %dma_wait3A_383 = arith.constant 0 : i32
    %dma_wait3A_384 = tpu.memref_slice %arg6[%dma_wait3A_382, %dma_wait3A_383] : memref<512x128xf32, #tpu.memory_space<vmem>> -> memref<16x128xf32, #tpu.memory_space<vmem>>
    %dma_wait3A_385 = arith.constant 0 : i32
    %dma_wait3A_386 = arith.constant 0 : i32
    %dma_wait3A_387 = tpu.memref_slice %arg3[%dma_wait3A_385, %dma_wait3A_386] : memref<100000x128xf32, #tpu.memory_space<hbm>> -> memref<100000x128xf32, #tpu.memory_space<hbm>>
    tpu.wait_indirect_dma semaphore(%arg7 : memref<!tpu.dma_semaphore, #tpu.memory_space<semaphore_mem>>) src(%dma_wait3A_387 : memref<100000x128xf32, #tpu.memory_space<hbm>>) dst(%dma_wait3A_384 : memref<16x128xf32, #tpu.memory_space<vmem>>)
    %dma_wait3A_388 = arith.constant 352 : i32
    %dma_wait3A_389 = arith.constant 0 : i32
    %dma_wait3A_390 = tpu.memref_slice %arg6[%dma_wait3A_388, %dma_wait3A_389] : memref<512x128xf32, #tpu.memory_space<vmem>> -> memref<16x128xf32, #tpu.memory_space<vmem>>
    %dma_wait3A_391 = arith.constant 0 : i32
    %dma_wait3A_392 = arith.constant 0 : i32
    %dma_wait3A_393 = tpu.memref_slice %arg3[%dma_wait3A_391, %dma_wait3A_392] : memref<100000x128xf32, #tpu.memory_space<hbm>> -> memref<100000x128xf32, #tpu.memory_space<hbm>>
    tpu.wait_indirect_dma semaphore(%arg7 : memref<!tpu.dma_semaphore, #tpu.memory_space<semaphore_mem>>) src(%dma_wait3A_393 : memref<100000x128xf32, #tpu.memory_space<hbm>>) dst(%dma_wait3A_390 : memref<16x128xf32, #tpu.memory_space<vmem>>)
    %dma_wait3A_394 = arith.constant 368 : i32
    %dma_wait3A_395 = arith.constant 0 : i32
    %dma_wait3A_396 = tpu.memref_slice %arg6[%dma_wait3A_394, %dma_wait3A_395] : memref<512x128xf32, #tpu.memory_space<vmem>> -> memref<16x128xf32, #tpu.memory_space<vmem>>
    %dma_wait3A_397 = arith.constant 0 : i32
    %dma_wait3A_398 = arith.constant 0 : i32
    %dma_wait3A_399 = tpu.memref_slice %arg3[%dma_wait3A_397, %dma_wait3A_398] : memref<100000x128xf32, #tpu.memory_space<hbm>> -> memref<100000x128xf32, #tpu.memory_space<hbm>>
    tpu.wait_indirect_dma semaphore(%arg7 : memref<!tpu.dma_semaphore, #tpu.memory_space<semaphore_mem>>) src(%dma_wait3A_399 : memref<100000x128xf32, #tpu.memory_space<hbm>>) dst(%dma_wait3A_396 : memref<16x128xf32, #tpu.memory_space<vmem>>)
    %dma_wait3A_400 = arith.constant 384 : i32
    %dma_wait3A_401 = arith.constant 0 : i32
    %dma_wait3A_402 = tpu.memref_slice %arg6[%dma_wait3A_400, %dma_wait3A_401] : memref<512x128xf32, #tpu.memory_space<vmem>> -> memref<16x128xf32, #tpu.memory_space<vmem>>
    %dma_wait3A_403 = arith.constant 0 : i32
    %dma_wait3A_404 = arith.constant 0 : i32
    %dma_wait3A_405 = tpu.memref_slice %arg3[%dma_wait3A_403, %dma_wait3A_404] : memref<100000x128xf32, #tpu.memory_space<hbm>> -> memref<100000x128xf32, #tpu.memory_space<hbm>>
    tpu.wait_indirect_dma semaphore(%arg7 : memref<!tpu.dma_semaphore, #tpu.memory_space<semaphore_mem>>) src(%dma_wait3A_405 : memref<100000x128xf32, #tpu.memory_space<hbm>>) dst(%dma_wait3A_402 : memref<16x128xf32, #tpu.memory_space<vmem>>)
    %dma_wait3A_406 = arith.constant 400 : i32
    %dma_wait3A_407 = arith.constant 0 : i32
    %dma_wait3A_408 = tpu.memref_slice %arg6[%dma_wait3A_406, %dma_wait3A_407] : memref<512x128xf32, #tpu.memory_space<vmem>> -> memref<16x128xf32, #tpu.memory_space<vmem>>
    %dma_wait3A_409 = arith.constant 0 : i32
    %dma_wait3A_410 = arith.constant 0 : i32
    %dma_wait3A_411 = tpu.memref_slice %arg3[%dma_wait3A_409, %dma_wait3A_410] : memref<100000x128xf32, #tpu.memory_space<hbm>> -> memref<100000x128xf32, #tpu.memory_space<hbm>>
    tpu.wait_indirect_dma semaphore(%arg7 : memref<!tpu.dma_semaphore, #tpu.memory_space<semaphore_mem>>) src(%dma_wait3A_411 : memref<100000x128xf32, #tpu.memory_space<hbm>>) dst(%dma_wait3A_408 : memref<16x128xf32, #tpu.memory_space<vmem>>)
    %dma_wait3A_412 = arith.constant 416 : i32
    %dma_wait3A_413 = arith.constant 0 : i32
    %dma_wait3A_414 = tpu.memref_slice %arg6[%dma_wait3A_412, %dma_wait3A_413] : memref<512x128xf32, #tpu.memory_space<vmem>> -> memref<16x128xf32, #tpu.memory_space<vmem>>
    %dma_wait3A_415 = arith.constant 0 : i32
    %dma_wait3A_416 = arith.constant 0 : i32
    %dma_wait3A_417 = tpu.memref_slice %arg3[%dma_wait3A_415, %dma_wait3A_416] : memref<100000x128xf32, #tpu.memory_space<hbm>> -> memref<100000x128xf32, #tpu.memory_space<hbm>>
    tpu.wait_indirect_dma semaphore(%arg7 : memref<!tpu.dma_semaphore, #tpu.memory_space<semaphore_mem>>) src(%dma_wait3A_417 : memref<100000x128xf32, #tpu.memory_space<hbm>>) dst(%dma_wait3A_414 : memref<16x128xf32, #tpu.memory_space<vmem>>)
    %dma_wait3A_418 = arith.constant 432 : i32
    %dma_wait3A_419 = arith.constant 0 : i32
    %dma_wait3A_420 = tpu.memref_slice %arg6[%dma_wait3A_418, %dma_wait3A_419] : memref<512x128xf32, #tpu.memory_space<vmem>> -> memref<16x128xf32, #tpu.memory_space<vmem>>
    %dma_wait3A_421 = arith.constant 0 : i32
    %dma_wait3A_422 = arith.constant 0 : i32
    %dma_wait3A_423 = tpu.memref_slice %arg3[%dma_wait3A_421, %dma_wait3A_422] : memref<100000x128xf32, #tpu.memory_space<hbm>> -> memref<100000x128xf32, #tpu.memory_space<hbm>>
    tpu.wait_indirect_dma semaphore(%arg7 : memref<!tpu.dma_semaphore, #tpu.memory_space<semaphore_mem>>) src(%dma_wait3A_423 : memref<100000x128xf32, #tpu.memory_space<hbm>>) dst(%dma_wait3A_420 : memref<16x128xf32, #tpu.memory_space<vmem>>)
    %dma_wait3A_424 = arith.constant 448 : i32
    %dma_wait3A_425 = arith.constant 0 : i32
    %dma_wait3A_426 = tpu.memref_slice %arg6[%dma_wait3A_424, %dma_wait3A_425] : memref<512x128xf32, #tpu.memory_space<vmem>> -> memref<16x128xf32, #tpu.memory_space<vmem>>
    %dma_wait3A_427 = arith.constant 0 : i32
    %dma_wait3A_428 = arith.constant 0 : i32
    %dma_wait3A_429 = tpu.memref_slice %arg3[%dma_wait3A_427, %dma_wait3A_428] : memref<100000x128xf32, #tpu.memory_space<hbm>> -> memref<100000x128xf32, #tpu.memory_space<hbm>>
    tpu.wait_indirect_dma semaphore(%arg7 : memref<!tpu.dma_semaphore, #tpu.memory_space<semaphore_mem>>) src(%dma_wait3A_429 : memref<100000x128xf32, #tpu.memory_space<hbm>>) dst(%dma_wait3A_426 : memref<16x128xf32, #tpu.memory_space<vmem>>)
    %dma_wait3A_430 = arith.constant 464 : i32
    %dma_wait3A_431 = arith.constant 0 : i32
    %dma_wait3A_432 = tpu.memref_slice %arg6[%dma_wait3A_430, %dma_wait3A_431] : memref<512x128xf32, #tpu.memory_space<vmem>> -> memref<16x128xf32, #tpu.memory_space<vmem>>
    %dma_wait3A_433 = arith.constant 0 : i32
    %dma_wait3A_434 = arith.constant 0 : i32
    %dma_wait3A_435 = tpu.memref_slice %arg3[%dma_wait3A_433, %dma_wait3A_434] : memref<100000x128xf32, #tpu.memory_space<hbm>> -> memref<100000x128xf32, #tpu.memory_space<hbm>>
    tpu.wait_indirect_dma semaphore(%arg7 : memref<!tpu.dma_semaphore, #tpu.memory_space<semaphore_mem>>) src(%dma_wait3A_435 : memref<100000x128xf32, #tpu.memory_space<hbm>>) dst(%dma_wait3A_432 : memref<16x128xf32, #tpu.memory_space<vmem>>)
    %dma_wait3A_436 = arith.constant 480 : i32
    %dma_wait3A_437 = arith.constant 0 : i32
    %dma_wait3A_438 = tpu.memref_slice %arg6[%dma_wait3A_436, %dma_wait3A_437] : memref<512x128xf32, #tpu.memory_space<vmem>> -> memref<16x128xf32, #tpu.memory_space<vmem>>
    %dma_wait3A_439 = arith.constant 0 : i32
    %dma_wait3A_440 = arith.constant 0 : i32
    %dma_wait3A_441 = tpu.memref_slice %arg3[%dma_wait3A_439, %dma_wait3A_440] : memref<100000x128xf32, #tpu.memory_space<hbm>> -> memref<100000x128xf32, #tpu.memory_space<hbm>>
    tpu.wait_indirect_dma semaphore(%arg7 : memref<!tpu.dma_semaphore, #tpu.memory_space<semaphore_mem>>) src(%dma_wait3A_441 : memref<100000x128xf32, #tpu.memory_space<hbm>>) dst(%dma_wait3A_438 : memref<16x128xf32, #tpu.memory_space<vmem>>)
    %dma_wait3A_442 = arith.constant 496 : i32
    %dma_wait3A_443 = arith.constant 0 : i32
    %dma_wait3A_444 = tpu.memref_slice %arg6[%dma_wait3A_442, %dma_wait3A_443] : memref<512x128xf32, #tpu.memory_space<vmem>> -> memref<16x128xf32, #tpu.memory_space<vmem>>
    %dma_wait3A_445 = arith.constant 0 : i32
    %dma_wait3A_446 = arith.constant 0 : i32
    %dma_wait3A_447 = tpu.memref_slice %arg3[%dma_wait3A_445, %dma_wait3A_446] : memref<100000x128xf32, #tpu.memory_space<hbm>> -> memref<100000x128xf32, #tpu.memory_space<hbm>>
    tpu.wait_indirect_dma semaphore(%arg7 : memref<!tpu.dma_semaphore, #tpu.memory_space<semaphore_mem>>) src(%dma_wait3A_447 : memref<100000x128xf32, #tpu.memory_space<hbm>>) dst(%dma_wait3A_444 : memref<16x128xf32, #tpu.memory_space<vmem>>)
    "tpu.region"() ({
      %run_scoped3A = tpu.sem_alloc : memref<!tpu.dma_semaphore, #tpu.memory_space<semaphore_mem>>
      %dma_start3A_448 = arith.constant 0 : i32
      %dma_start3A_449 = tpu.memref_slice %arg4[%mul3A_2, %dma_start3A_448] : memref<16384x128xf32, #tpu.memory_space<hbm>> -> memref<512x128xf32, #tpu.memory_space<hbm>>
      %dma_start3A_450 = arith.constant 0 : i32
      %dma_start3A_451 = tpu.memref_slice %arg4[%mul3A_2, %dma_start3A_450] : memref<16384x128xf32, #tpu.memory_space<hbm>> -> memref<512x128xf32, #tpu.memory_space<hbm>>
      tpu.enqueue_dma source(%arg6 : memref<512x128xf32, #tpu.memory_space<vmem>>) target(%dma_start3A_451 : memref<512x128xf32, #tpu.memory_space<hbm>>) target_semaphore(%run_scoped3A : memref<!tpu.dma_semaphore, #tpu.memory_space<semaphore_mem>>)
      %dma_wait3A_452 = arith.constant 0 : i32
      %dma_wait3A_453 = tpu.memref_slice %arg4[%mul3A_2, %dma_wait3A_452] : memref<16384x128xf32, #tpu.memory_space<hbm>> -> memref<512x128xf32, #tpu.memory_space<hbm>>
      %dma_wait3A_454 = arith.constant 0 : i32
      %dma_wait3A_455 = tpu.memref_slice %arg4[%mul3A_2, %dma_wait3A_454] : memref<16384x128xf32, #tpu.memory_space<hbm>> -> memref<512x128xf32, #tpu.memory_space<hbm>>
      tpu.wait_dma2 semaphore(%run_scoped3A : memref<!tpu.dma_semaphore, #tpu.memory_space<semaphore_mem>>) src(%arg6 : memref<512x128xf32, #tpu.memory_space<vmem>>) dst(%dma_wait3A_455 : memref<512x128xf32, #tpu.memory_space<hbm>>)
      tpu.yield
    }) : () -> ()
    return
  }
}

module attributes {stable_mosaic.version = 14 : i64} {
  func.func @_gru_body(%arg0: i32, %arg1: memref<1024x128xf32, #tpu.memory_space<vmem>>, %arg2: memref<1024x1xf32, #tpu.memory_space<vmem>>, %arg3: memref<1024x128xf32, #tpu.memory_space<vmem>>, %arg4: memref<128x128xf32, #tpu.memory_space<vmem>>, %arg5: memref<1x128xf32, #tpu.memory_space<vmem>>, %arg6: memref<1x128xf32, #tpu.memory_space<vmem>>, %arg7: memref<128x384xf32, #tpu.memory_space<vmem>>, %arg8: memref<128x384xf32, #tpu.memory_space<vmem>>, %arg9: memref<1x384xf32, #tpu.memory_space<vmem>>, %arg10: memref<1x384xf32, #tpu.memory_space<vmem>>, %arg11: memref<1024x128xf32, #tpu.memory_space<vmem>>) attributes {dimension_semantics = [#tpu.dimension_semantics<arbitrary>], iteration_bounds = array<i64: 16>, scalar_prefetch = 0 : i64, scratch_operands = 0 : i64, tpu.core_type = #tpu.core_type<tc>, window_params = [{transform_indices = @transform_0, window_bounds = array<i64: 1024, 128>}, {transform_indices = @transform_1, window_bounds = array<i64: 1024, 1>}, {transform_indices = @transform_2, window_bounds = array<i64: 1024, 128>}, {pipeline_mode = #tpu.pipeline_mode<synchronous>, transform_indices = @transform_3, window_bounds = array<i64: 128, 128>}, {pipeline_mode = #tpu.pipeline_mode<synchronous>, transform_indices = @transform_4, window_bounds = array<i64: 1, 128>}, {pipeline_mode = #tpu.pipeline_mode<synchronous>, transform_indices = @transform_5, window_bounds = array<i64: 1, 128>}, {pipeline_mode = #tpu.pipeline_mode<synchronous>, transform_indices = @transform_6, window_bounds = array<i64: 128, 384>}, {pipeline_mode = #tpu.pipeline_mode<synchronous>, transform_indices = @transform_7, window_bounds = array<i64: 128, 384>}, {pipeline_mode = #tpu.pipeline_mode<synchronous>, transform_indices = @transform_8, window_bounds = array<i64: 1, 384>}, {pipeline_mode = #tpu.pipeline_mode<synchronous>, transform_indices = @transform_9, window_bounds = array<i64: 1, 384>}, {transform_indices = @transform_10, window_bounds = array<i64: 1024, 128>}]} {
    %get3A = arith.constant 0 : index
    %get3A_0 = arith.constant 0 : index
    %get3A_1 = vector.load %arg1[%get3A, %get3A_0] : memref<1024x128xf32, #tpu.memory_space<vmem>>, vector<1024x128xf32>
    %get3A_2 = arith.constant 0 : index
    %get3A_3 = arith.constant 0 : index
    %get3A_4 = vector.load %arg3[%get3A_2, %get3A_3] : memref<1024x128xf32, #tpu.memory_space<vmem>>, vector<1024x128xf32>
    %get3A_5 = arith.constant 0 : index
    %get3A_6 = arith.constant 0 : index
    %get3A_7 = vector.load %arg4[%get3A_5, %get3A_6] : memref<128x128xf32, #tpu.memory_space<vmem>>, vector<128x128xf32>
    %dot_general3A = arith.constant dense<0.000000e+00> : vector<1024x128xf32>
    %dot_general3A_8 = tpu.matmul %get3A_1, %get3A_7, %dot_general3A {dimension_numbers = #tpu.dot_dimension_numbers<[1], [0], [0], [1], [0, 0, 1, 1], [], []>, transpose_lhs_hint = false} : vector<1024x128xf32>, vector<128x128xf32>, vector<1024x128xf32> -> vector<1024x128xf32>
    %get3A_9 = arith.constant 0 : index
    %get3A_10 = arith.constant 0 : index
    %get3A_11 = vector.load %arg2[%get3A_9, %get3A_10] : memref<1024x1xf32, #tpu.memory_space<vmem>>, vector<1024x1xf32>
    %get3A_12 = arith.constant 0 : index
    %get3A_13 = arith.constant 0 : index
    %get3A_14 = vector.load %arg5[%get3A_12, %get3A_13] : memref<1x128xf32, #tpu.memory_space<vmem>>, vector<1x128xf32>
    %mul3A = vector.broadcast %get3A_11 : vector<1024x1xf32> to vector<1024x128xf32>
    %mul3A_15 = vector.broadcast %get3A_14 : vector<1x128xf32> to vector<1024x128xf32>
    %mul3A_16 = arith.mulf %mul3A, %mul3A_15 : vector<1024x128xf32>
    %add3A = arith.addf %dot_general3A_8, %mul3A_16 : vector<1024x128xf32>
    %get3A_17 = arith.constant 0 : index
    %get3A_18 = arith.constant 0 : index
    %get3A_19 = vector.load %arg6[%get3A_17, %get3A_18] : memref<1x128xf32, #tpu.memory_space<vmem>>, vector<1x128xf32>
    %add3A_20 = vector.broadcast %get3A_19 : vector<1x128xf32> to vector<1024x128xf32>
    %add3A_21 = arith.addf %add3A, %add3A_20 : vector<1024x128xf32>
    %get3A_22 = arith.constant 0 : index
    %get3A_23 = arith.constant 0 : index
    %get3A_24 = vector.load %arg7[%get3A_22, %get3A_23] : memref<128x384xf32, #tpu.memory_space<vmem>>, vector<128x384xf32>
    %dot_general3A_25 = arith.constant dense<0.000000e+00> : vector<1024x384xf32>
    %dot_general3A_26 = tpu.matmul %add3A_21, %get3A_24, %dot_general3A_25 {dimension_numbers = #tpu.dot_dimension_numbers<[1], [0], [0], [1], [0, 0, 1, 1], [], []>, transpose_lhs_hint = false} : vector<1024x128xf32>, vector<128x384xf32>, vector<1024x384xf32> -> vector<1024x384xf32>
    %get3A_27 = arith.constant 0 : index
    %get3A_28 = arith.constant 0 : index
    %get3A_29 = vector.load %arg9[%get3A_27, %get3A_28] : memref<1x384xf32, #tpu.memory_space<vmem>>, vector<1x384xf32>
    %add3A_30 = vector.broadcast %get3A_29 : vector<1x384xf32> to vector<1024x384xf32>
    %add3A_31 = arith.addf %dot_general3A_26, %add3A_30 : vector<1024x384xf32>
    %get3A_32 = arith.constant 0 : index
    %get3A_33 = arith.constant 0 : index
    %get3A_34 = vector.load %arg8[%get3A_32, %get3A_33] : memref<128x384xf32, #tpu.memory_space<vmem>>, vector<128x384xf32>
    %dot_general3A_35 = arith.constant dense<0.000000e+00> : vector<1024x384xf32>
    %dot_general3A_36 = tpu.matmul %get3A_4, %get3A_34, %dot_general3A_35 {dimension_numbers = #tpu.dot_dimension_numbers<[1], [0], [0], [1], [0, 0, 1, 1], [], []>, transpose_lhs_hint = false} : vector<1024x128xf32>, vector<128x384xf32>, vector<1024x384xf32> -> vector<1024x384xf32>
    %get3A_37 = arith.constant 0 : index
    %get3A_38 = arith.constant 0 : index
    %get3A_39 = vector.load %arg10[%get3A_37, %get3A_38] : memref<1x384xf32, #tpu.memory_space<vmem>>, vector<1x384xf32>
    %add3A_40 = vector.broadcast %get3A_39 : vector<1x384xf32> to vector<1024x384xf32>
    %add3A_41 = arith.addf %dot_general3A_36, %add3A_40 : vector<1024x384xf32>
    %slice3A = vector.extract_strided_slice %add3A_31 {offsets = [0, 0], sizes = [1024, 128], strides = [1, 1]} : vector<1024x384xf32> to vector<1024x128xf32>
    %slice3A_42 = vector.extract_strided_slice %add3A_41 {offsets = [0, 0], sizes = [1024, 128], strides = [1, 1]} : vector<1024x384xf32> to vector<1024x128xf32>
    %add3A_43 = arith.addf %slice3A, %slice3A_42 : vector<1024x128xf32>
    %logistic3A = arith.negf %add3A_43 : vector<1024x128xf32>
    %logistic3A_44 = math.exp %logistic3A : vector<1024x128xf32>
    %logistic3A_45 = arith.constant 1.000000e+00 : f32
    %logistic3A_46 = vector.broadcast %logistic3A_45 : f32 to vector<1024x128xf32>
    %logistic3A_47 = arith.addf %logistic3A_46, %logistic3A_44 : vector<1024x128xf32>
    %logistic3A_48 = arith.divf %logistic3A_46, %logistic3A_47 : vector<1024x128xf32>
    %slice3A_49 = vector.extract_strided_slice %add3A_31 {offsets = [0, 128], sizes = [1024, 128], strides = [1, 1]} : vector<1024x384xf32> to vector<1024x128xf32>
    %slice3A_50 = vector.extract_strided_slice %add3A_41 {offsets = [0, 128], sizes = [1024, 128], strides = [1, 1]} : vector<1024x384xf32> to vector<1024x128xf32>
    %add3A_51 = arith.addf %slice3A_49, %slice3A_50 : vector<1024x128xf32>
    %logistic3A_52 = arith.negf %add3A_51 : vector<1024x128xf32>
    %logistic3A_53 = math.exp %logistic3A_52 : vector<1024x128xf32>
    %logistic3A_54 = arith.constant 1.000000e+00 : f32
    %logistic3A_55 = vector.broadcast %logistic3A_54 : f32 to vector<1024x128xf32>
    %logistic3A_56 = arith.addf %logistic3A_55, %logistic3A_53 : vector<1024x128xf32>
    %logistic3A_57 = arith.divf %logistic3A_55, %logistic3A_56 : vector<1024x128xf32>
    %slice3A_58 = vector.extract_strided_slice %add3A_31 {offsets = [0, 256], sizes = [1024, 128], strides = [1, 1]} : vector<1024x384xf32> to vector<1024x128xf32>
    %slice3A_59 = vector.extract_strided_slice %add3A_41 {offsets = [0, 256], sizes = [1024, 128], strides = [1, 1]} : vector<1024x384xf32> to vector<1024x128xf32>
    %mul3A_60 = arith.mulf %logistic3A_48, %slice3A_59 : vector<1024x128xf32>
    %add3A_61 = arith.addf %slice3A_58, %mul3A_60 : vector<1024x128xf32>
    %tanh3A = math.tanh %add3A_61 : vector<1024x128xf32>
    %sub3A = arith.constant 1.000000e+00 : f32
    %sub3A_62 = vector.broadcast %sub3A : f32 to vector<1024x128xf32>
    %sub3A_63 = arith.subf %sub3A_62, %logistic3A_57 : vector<1024x128xf32>
    %mul3A_64 = arith.mulf %sub3A_63, %tanh3A : vector<1024x128xf32>
    %mul3A_65 = arith.mulf %logistic3A_57, %get3A_4 : vector<1024x128xf32>
    %add3A_66 = arith.addf %mul3A_64, %mul3A_65 : vector<1024x128xf32>
    %swap3A = arith.constant 0 : index
    %swap3A_67 = arith.constant 0 : index
    %swap3A_68 = vector.load %arg11[%swap3A, %swap3A_67] : memref<1024x128xf32, #tpu.memory_space<vmem>>, vector<1024x128xf32>
    tpu.vector_store %arg11[%swap3A, %swap3A_67], %add3A_66 {strides = array<i32>} : memref<1024x128xf32, #tpu.memory_space<vmem>>, vector<1024x128xf32>,
    return
  }
  func.func @transform_0(%arg0: i32) -> (i32, i32) {
    %c0_i32 = arith.constant 0 : i32
    %c0_i32_0 = arith.constant 0 : i32
    return %arg0, %c0_i32 : i32, i32
  }
  func.func @transform_1(%arg0: i32) -> (i32, i32) {
    %c0_i32 = arith.constant 0 : i32
    %c0_i32_0 = arith.constant 0 : i32
    return %arg0, %c0_i32 : i32, i32
  }
  func.func @transform_2(%arg0: i32) -> (i32, i32) {
    %c0_i32 = arith.constant 0 : i32
    %c0_i32_0 = arith.constant 0 : i32
    return %arg0, %c0_i32 : i32, i32
  }
  func.func @transform_3(%arg0: i32) -> (i32, i32) {
    %c0_i32 = arith.constant 0 : i32
    %c0_i32_0 = arith.constant 0 : i32
    %c0_i32_1 = arith.constant 0 : i32
    return %c0_i32, %c0_i32_0 : i32, i32
  }
  func.func @transform_4(%arg0: i32) -> (i32, i32) {
    %c0_i32 = arith.constant 0 : i32
    %c0_i32_0 = arith.constant 0 : i32
    %c0_i32_1 = arith.constant 0 : i32
    return %c0_i32, %c0_i32_0 : i32, i32
  }
  func.func @transform_5(%arg0: i32) -> (i32, i32) {
    %c0_i32 = arith.constant 0 : i32
    %c0_i32_0 = arith.constant 0 : i32
    %c0_i32_1 = arith.constant 0 : i32
    return %c0_i32, %c0_i32_0 : i32, i32
  }
  func.func @transform_6(%arg0: i32) -> (i32, i32) {
    %c0_i32 = arith.constant 0 : i32
    %c0_i32_0 = arith.constant 0 : i32
    %c0_i32_1 = arith.constant 0 : i32
    return %c0_i32, %c0_i32_0 : i32, i32
  }
  func.func @transform_7(%arg0: i32) -> (i32, i32) {
    %c0_i32 = arith.constant 0 : i32
    %c0_i32_0 = arith.constant 0 : i32
    %c0_i32_1 = arith.constant 0 : i32
    return %c0_i32, %c0_i32_0 : i32, i32
  }
  func.func @transform_8(%arg0: i32) -> (i32, i32) {
    %c0_i32 = arith.constant 0 : i32
    %c0_i32_0 = arith.constant 0 : i32
    %c0_i32_1 = arith.constant 0 : i32
    return %c0_i32, %c0_i32_0 : i32, i32
  }
  func.func @transform_9(%arg0: i32) -> (i32, i32) {
    %c0_i32 = arith.constant 0 : i32
    %c0_i32_0 = arith.constant 0 : i32
    %c0_i32_1 = arith.constant 0 : i32
    return %c0_i32, %c0_i32_0 : i32, i32
  }
  func.func @transform_10(%arg0: i32) -> (i32, i32) {
    %c0_i32 = arith.constant 0 : i32
    %c0_i32_0 = arith.constant 0 : i32
    return %arg0, %c0_i32 : i32, i32
  }
}

</mosaic_0001>

<sc_bundles>
// kernel: kernel.5.cloned.1.call-start
scs
__scs_entry_jumppad:
0x0: {  	(pc) =	sbr.rel $0x88, $3  }
0x1: {  	(tag) =	ssettag $0x0;
	lr =	simm.s32 $0x1  }
0x2: {  	[smem:$0x3F95] =	sst lr;
	_ =	strace $0xD0000000  }
0x3: {  	_ = 	snop  }
0x4: {  	_ = 	snop  }
0x5: {  	_ = 	snop  }
0x6: {  	_ = 	snop  }
0x7: {  	_ = 	snop  }
__scs_overlays_trampoline_lowered:
0x8: {  	[smem:$0x3FA4] =	sst s0  }
0x9: {  	[smem:$0x3FA5] =	sst s1  }
0xa: {  	[smem:$0x3FA6] =	sst s2  }
0xb: {  	[smem:$0x3FA7] =	sst s3  }
0xc: {  	[smem:$0x3FA8] =	sst s4  }
0xd: {  	[smem:$0x3FA9] =	sst s5  }
0xe: {  	[smem:$0x3FAA] =	sst s6  }
0xf: {  	[smem:$0x3FAB] =	sst s7  }
0x10: {  	[smem:$0x3FAC] =	sst s8  }
0x11: {  	[smem:$0x3FAD] =	sst s9;
	s0 =	simm.s32 @!p0 $0x0  }
0x12: {  	s1 =	sld [smem:$0x3F93];
	s0 =	simm.s32 @p0 $0x1  }
0x13: {  	[smem:$0x3FAE] =	sst s0;
	s0 =	simm.s32 @!p1 $0x0  }
0x14: {  	s2 =	sld [smem:$0x3F92];
	s0 =	simm.s32 @p1 $0x1  }
0x15: {  	[smem:$0x3FAF] =	sst s0;
	s0 =	simm.s32 @!p2 $0x0  }
0x16: {  	s3 =	sld [smem:$0x3FDB];
	s0 =	simm.s32 @p2 $0x1  }
0x17: {  	s4 =	simm.s32 $0x1BF5;
	[smem:$0x3FB1] =	sst s0  }
0x18: {  	s0 =	sld [smem:$0x3F94];
	_ =	swait.ge [sflag:s4], $0x0  }
0x19: {  	s7 =	sld [smem:$0x3F95]  }
0x1a: {  	s8 =	sadd.s32 $0xFFFFE003, lr  }
0x1b: {  	s9 =	sadd.s32 $0xFFFFFEF7, lr;
	s5 =	simm.s32 $0xFFFFFFFF;
	p2 =	slt.u32 s8, $0xFFFFF086  }
0x1c: {  	p1 =	slt.u32 s9, $0xF7A;
	s5 =	simm.s32 @!p2 $0x0  }
0x1d: {  	s5 =	simm.s32 @p1 $0x1;
	p0 =	seq.s32 s7, s2  }
0x1e: {  	s7 =	smul.u32 @!p0 $0xF7A, s2;
	p2 =	seq.s32 @!p0 s5, $0x0  }
0x1f: {  	s9 =	smul.u32 $0xF7A, s1;
	s8 =	simm.s32 @!p0 $0x1BF5;
	p2 =	por !p2, p0  }
0x20: {  	[sflag:s8] =	ssyncset.s32 @!p0 $0xFFFFF086;
	s6 =	sadd.s32 @!p0 s3, s7;
	s7 =	simm.s32 @!p0 $0x108  }
0x21: {  	s3 =	sadd.s32 s3, s9;
	s6 =	sadd.s32 @!p0 $0x88, s6;
	s7 =	simm.s32 @p2 $0x1082  }
0x22: {  	[simem:s7], [sflag:s8] =	dma.local @!p0 [hbm:s6], $0xF7A  }
0x23: {  	s9 =	sor.u32 $0xD0000000, s2;
	s6 =	simm.s32 $0x108;
	_ =	swait.ge @!p0 [sflag:s8], $0x0  }
0x24: {  	s3 =	sadd.s32 $0x88, s3;
	s6 =	simm.s32 @!p1 $0x1082;
	[sflag:s4] =	ssyncset.s32 $0xFFFFF086  }
0x25: {  	[simem:s6], [sflag:s4] =	dma.local [hbm:s3], $0xF7A  }
0x26: {  	[smem:$0x3F95] =	sst s1;
	(tag) =	ssettag s2;
	_ =	strace s9  }
0x27: {  	s1 =	sld [smem:$0x3FA5]  }
0x28: {  	s2 =	sld [smem:$0x3FA6]  }
0x29: {  	s4 =	sld [smem:$0x3FA8]  }
0x2a: {  	p0 =	seq.s32 s5, $0x0;
	s5 =	sld [smem:$0x3FA9]  }
0x2b: {  	s6 =	sld [smem:$0x3FAA]  }
0x2c: {  	s7 =	sld [smem:$0x3FAB]  }
0x2d: {  	s3 =	simm.s32 $0x108;
	s8 =	sld [smem:$0x3FAC]  }
0x2e: {  	s3 =	simm.s32 @!p0 $0x1082;
	s9 =	sld [smem:$0x3FAD]  }
0x2f: {  	lr =	sadd.s32 s0, s3;
	s0 =	sld [smem:$0x3FA4]  }
0x30: {  	s3 =	sld [smem:$0x3FA7]  }
0x31: {  	[smem:$0x3FB0] =	sst s10  }
0x32: {  	s10 =	sld [smem:$0x3FAE];
	_ =	sdelay $0x3  }
0x33: {  	p0 =	seq.s32 s10, $0x1;
	s10 =	sld [smem:$0x3FB0];
	_ =	sdelay $0x3  }
0x34: {  	[smem:$0x3FB0] =	sst s10  }
0x35: {  	s10 =	sld [smem:$0x3FAF];
	_ =	sdelay $0x3  }
0x36: {  	p1 =	seq.s32 s10, $0x1;
	s10 =	sld [smem:$0x3FB0];
	_ =	sdelay $0x3  }
0x37: {  	[smem:$0x3FB0] =	sst s10  }
0x38: {  	s10 =	sld [smem:$0x3FB1]  }
0x39: {  	_ = 	snop;
	(pc) =	sbr.ind lr, $3  }
0x3a: {  	_ = 	snop  }
0x3b: {  	_ = 	snop  }
0x3c: {  	p2 =	seq.s32 s10, $0x1;
	s10 =	sld [smem:$0x3FB0]  }
0x3d: {  	_ =	shalt  }
0x3e: {  	_ =	shalt  }
0x3f: {  	_ =	shalt  }
0x40: {  	_ =	shalt  }
0x41: {  	_ =	shalt  }
0x42: {  	_ =	shalt  }
0x43: {  	_ =	shalt  }
0x44: {  	_ =	shalt  }
0x45: {  	_ =	shalt  }
0x46: {  	_ =	shalt  }
0x47: {  	_ =	shalt  }
0x48: {  	_ =	shalt  }
0x49: {  	_ =	shalt  }
0x4a: {  	_ =	shalt  }
0x4b: {  	_ =	shalt  }
0x4c: {  	_ =	shalt  }
0x4d: {  	_ =	shalt  }
0x4e: {  	_ =	shalt  }
0x4f: {  	_ =	shalt  }
0x50: {  	_ =	shalt  }
0x51: {  	_ =	shalt  }
0x52: {  	_ =	shalt  }
0x53: {  	_ =	shalt  }
0x54: {  	_ =	shalt  }
0x55: {  	_ =	shalt  }
0x56: {  	_ =	shalt  }
0x57: {  	_ =	shalt  }
0x58: {  	_ =	shalt  }
0x59: {  	_ =	shalt  }
0x5a: {  	_ =	shalt  }
0x5b: {  	_ =	shalt  }
0x5c: {  	_ =	shalt  }
0x5d: {  	_ =	shalt  }
0x5e: {  	_ =	shalt  }
0x5f: {  	_ =	shalt  }
0x60: {  	_ =	shalt  }
0x61: {  	_ =	shalt  }
0x62: {  	_ =	shalt  }
0x63: {  	_ =	shalt  }
0x64: {  	_ =	shalt  }
0x65: {  	_ =	shalt  }
0x66: {  	_ =	shalt  }
0x67: {  	_ =	shalt  }
0x68: {  	_ =	shalt  }
0x69: {  	_ =	shalt  }
0x6a: {  	_ =	shalt  }
0x6b: {  	_ =	shalt  }
0x6c: {  	_ =	shalt  }
0x6d: {  	_ =	shalt  }
0x6e: {  	_ =	shalt  }
0x6f: {  	_ =	shalt  }
0x70: {  	_ =	shalt  }
0x71: {  	_ =	shalt  }
0x72: {  	_ =	shalt  }
0x73: {  	_ =	shalt  }
0x74: {  	_ =	shalt  }
0x75: {  	_ =	shalt  }
0x76: {  	_ =	shalt  }
0x77: {  	_ =	shalt  }
0x78: {  	_ =	shalt  }
0x79: {  	_ =	shalt  }
0x7a: {  	_ =	shalt  }
0x7b: {  	_ =	shalt  }
0x7c: {  	_ =	shalt  }
0x7d: {  	_ =	shalt  }
0x7e: {  	_ =	shalt  }
0x7f: {  	_ =	shalt  }
0x80: {  	_ =	shalt  }
0x81: {  	_ =	shalt  }
0x82: {  	_ =	shalt  }
0x83: {  	_ =	shalt  }
0x84: {  	_ =	shalt  }
0x85: {  	_ =	shalt  }
0x86: {  	_ =	shalt  }
0x87: {  	_ =	shalt  }
.Lfunc_end0:
.L_simem_size_0:
called_computation_lowered:
.L_overlay_start_0:
0x88: {  	s2 =	sld [smem:$0x3FD9]  }
0x89: {  	s3 =	sld [smem:$0x3FFE];
	_ =	sdelay $0x1  }
0x8a: {  	s1 =	srdreg.scid  }
0x8b: {  	s0 =	sand.u32 $0x1, s1  }
0x8c: {  	s14 =	sshll.u32 s0, $0xA;
	s2 =	sadd.s32 s3, s2  }
0x8d: {  	s2 =	sadd.s32 s2, s14  }
0x8e: {  	[smem:$0x3FBC] =	sst s2  }
0x8f: {  	_ = 	snop  }
0x90: {  	s2 =	sld [smem:$0x3FD0];
	_ =	sdelay $0x2  }
0x91: {  	s4 =	simm.s32 $0xA;
	s5 =	simm.s32 $0x10;
	s15 =	sld [smem:$0x3FC9]  }
0x92: {  	[smem:s5], [sflag:s4] =	dma.local [hbm:s2], $0x1  }
0x93: {  	_ =	swait.eq [sflag:s4], $0x1  }
0x94: {  	[sflag:s4] =	ssyncset.done $0x0  }
0x95: {  	[sflag:s4] =	ssyncadd.s32 $0xFFFFFFFF  }
0x96: {  	s16 =	sld [smem:$0x10];
	(tm) =	ssettm $0x1  }
0x97: {  	s17 =	sld [smem:$0x3FFB];
	_ =	sdelay $0x3  }
0x98: {  	_ =	strace s17  }
0x99: {  	s4 =	sld [smem:$0x3FFC];
	_ =	sdelay $0x3  }
0x9a: {  	_ =	strace s4  }
0x9b: {  	s4 =	sld [smem:$0x3FFD];
	_ =	sdelay $0x3  }
0x9c: {  	_ =	strace s4  }
0x9d: {  	_ =	strace $0x8FFFFFFF  }
0x9e: {  	s18 =	sld [smem:$0x3FDB];
	_ =	sdelay $0x1  }
0x9f: {  	s19 =	simm.s32 $_scs_section_size  }
0xa0: {  	s6 =	simm.s32 $_size__tile_overlayer_lowered;
	s7 =	simm.s32 $_tile_overlayer_lowered  }
0xa1: {  	s22 =	simm.s32 $0x1BFF;
	s21 =	sshll.u32 s7, $0x1;
	s4 =	sadd.s32 s19, s18  }
0xa2: {  	s8 =	simm.s32 $0x0;
	s20 =	sshll.u32 s6, $0x1;
	s6 =	sadd.s32 s21, s4  }
0xa3: {  	[timem:s8], [sflag:s22] =	dma.local [hbm:s6], s20  }
0xa4: {  	_ =	swait.ge [sflag:s22], s20  }
0xa5: {  	s5 =	ssub.s32 $0x0, s20;
	[sflag:s22] =	ssyncset.done $0x0  }
0xa6: {  	[sflag:s22] =	ssyncadd.s32 s5;
	_ =	sdelay $0x1  }
0xa7: {  	s23 =	simm.s32 $0x1B8B  }
0xa8: {  	_ =	swait.ge [sflag:s23], $0x1  }
0xa9: {  	[sflag:s23] =	ssyncset.done $0x0  }
0xaa: {  	s25 =	simm.s32 $0x1B8E;
	s24 =	sld [smem:$0x3FFE];
	[sflag:s23] =	ssyncadd.s32 $0xFFFFFFFF  }
0xab: {  	s26 =	simm.s32 $execute0_lowered;
	[smem:$0x3FD2] =	sst s25  }
0xac: {  	s6 =	sshll.u32 s26, $0x1;
	_ =	strace $0x80000046;
	[dreg:$0x1] =	wrdreg $0xFFFFFFFF  }
0xad: {  	s28 =	simm.s32 $_size_execute0_lowered;
	s4 =	sadd.s32 s4, s6;
	[dreg:$0x0] =	wrdreg $0x0  }
0xae: {  	s6 =	sshll.u32 s28, $0x1;
	[dreg:$0x2] =	wrdreg s4  }
0xaf: {  	[dreg:$0x3] =	wrdreg s6  }
0xb0: {  	[dreg:$0x4] =	wrdreg $0xC0  }
0xb1: {  	_ =	task [dreg:s8], $0x5FFFF  }
0xb2: {  	[dreg:$0x1] =	wrdreg $0xFFFFFFFF  }
0xb3: {  	[dreg:$0x0] =	wrdreg $0x60  }
0xb4: {  	[dreg:$0x2] =	wrdreg s15  }
0xb5: {  	[dreg:$0x3] =	wrdreg s16  }
0xb6: {  	[dreg:$0x4] =	wrdreg s24  }
0xb7: {  	[dreg:$0x5] =	wrdreg $0x9  }
0xb8: {  	_ =	task.clear_ibuf [dreg:s8], $0x6FFFF;
	_ =	strace $0x90000046  }
0xb9: {  	s29 =	simm.s32 $0x9;
	_ =	strace $0x80000048  }
0xba: {  	_ =	swait.ge [sflag:s29], $0x1  }
0xbb: {  	[sflag:s29] =	ssyncadd.s32 $0xFFFFFFFF  }
0xbc: {  	_ =	strace $0x90000048  }
0xbd: {  	_ =	sfence  }
0xbe: {  	s30 =	sld [smem:$0x0];
	_ =	sdelay $0x2  }
0xbf: {  	s31 =	sshll.u32 s1, $0xD;
	s1 =	sshrl.u32 s1, $0x2  }
0xc0: {  	s3 =	sand.u32 $0x4000, s31;
	s1 =	sadd.s32 s1, s30  }
0xc1: {  	s0 =	sor.u32 s3, s0;
	s1 =	sshll.u32 s1, $0x11  }
0xc2: {  	s0 =	sor.u32 s1, s0  }
0xc3: {  	s0 =	sadd.s32 $0x8F2B, s0  }
0xc4: {  	[sflag:s0] =	ssyncadd.remote.s32 $0x1  }
0xc5: {  	_ =	sfence.sel $0xFFFF  }
0xc6: {  	[dreg:$0x0] =	wrdreg $0xFFFFFFFF;
	(pc) =	sbr.abs _section_cstart, $3  }
0xc7: {  	[dreg:$0x1] =	wrdreg $0xFFFFFFFF  }
0xc8: {  	_ =	task.clear_ibuf [dreg:s8], $0x2FFFF;
	_ =	strace $0x9FFFFFFF  }
0xc9: {  	(tm) =	ssettm $0x7FFFFFFF  }
tec
execute0_lowered:
.L_overlay_start_1:
0x0: {  	(tag) =	ssettag $0x1  }
0x1: {  	s1 =	rddreg [dreg:$0x0];
	s3 =	srdreg.scid  }
0x2: {  	s2 =	rddreg [dreg:$0x1];
	s0 =	stileid.u32  }
0x3: {  	s5 =	rddreg [dreg:$0x2];
	s19 =	simm.s32 $0xA00;
	s20 =	simm.s32 $0x1200  }
0x4: {  	s21 =	simm.s32 $0x1A00;
	s23 =	simm.s32 $0x2200;
	s24 =	simm.s32 $0x2A00  }
0x5: {  	s25 =	simm.s32 $0x3200;
	s26 =	simm.s32 $0x3A00;
	s8 =	simm.s32 $0x4A00  }
0x6: {  	s9 =	simm.s32 $0x5200;
	s10 =	simm.s32 $0x5A00;
	s11 =	simm.s32 $0x6200  }
0x7: {  	s12 =	simm.s32 $0x6A00;
	s4 =	sand.u32 $0x1, s3;
	s3 =	simm.s32 $0x0  }
0x8: {  	s13 =	simm.s32 $0x7200;
	s14 =	simm.s32 $0x7A00;
	[smem:$0x7FF] =	sst s3  }
0x9: {  	s15 =	simm.s32 $0x8200;
	_ =	strace $0x80000047;
	[dreg:$0x6] =	wrdreg s19  }
0xa: {  	s16 =	simm.s32 $0x8A00;
	s17 =	simm.s32 $0x9200;
	[dreg:$0x7] =	wrdreg s20  }
0xb: {  	s28 =	simm.s32 $0xE200;
	s29 =	simm.s32 $0xEA00;
	[dreg:$0x8] =	wrdreg s21  }
0xc: {  	s30 =	simm.s32 $0xF200;
	s31 =	simm.s32 $0xFA00;
	[dreg:$0x9] =	wrdreg s23  }
0xd: {  	s6 =	sshll.u32 s0, $0xA;
	s7 =	sshll.u32 s4, $0x9;
	[dreg:$0xa] =	wrdreg s24  }
0xe: {  	s4 =	ssub.s32 $0x2, s4;
	s6 =	sor.u32 s7, s6;
	[dreg:$0xb] =	wrdreg s25  }
0xf: {  	s22 =	sshrl.u32 s4, $0x1;
	[dreg:$0xc] =	wrdreg s26;
	s19 =	simm.s32 $0xA200  }
0x10: {  	s20 =	simm.s32 $0xAA00;
	s21 =	simm.s32 $0xB200;
	s23 =	simm.s32 $0xC200  }
0x11: {  	s24 =	simm.s32 $0xCA00;
	s25 =	simm.s32 $0xD200;
	s26 =	simm.s32 $0xDA00  }
0x12: {  	s7 =	sshll.u32 s6, $0x4;
	s6 =	sshrl.u32 s6, $0x3;
	s4 =	ssub.s32 s4, s22  }
0x13: {  	s22 =	simm.s32 $0xBA00;
	s5 =	sadd.s32 s7, s5;
	s1 =	sadd.s32 s1, s6  }
0x14: {  	s4 =	smax.u32 s4, $0x1;
	s6 =	simm.s32 $0x200;
	s7 =	simm.s32 $0x4200  }
0x15: {  	[dreg:$0x4] =	wrdreg s1;
	s18 =	sadd.s32 $0x2400, s5;
	s5 =	simm.s32 $0x2  }
0x16: {  	vm0 =	vmmov $0xffff;
	s1 =	simm.s32 $0x1;
	[dreg:$0x5] =	wrdreg s18;
	s18 =	simm.s32 $0x9A00  }
.LBB2_1:
0x17: {  	s0 =	rddreg [dreg:$0x4]  }
0x18: {  	[tilespmem:s3], [sflag:$0x2] =	stream.linear.gather [hbm4b:s0+s3], $0x200, $0x38;
	[tilespmem:$0x10200] =	vst v63  }
0x19: {  	_ =	swait.ge [sflag:s5], $0x200  }
0x1a: {  	[sflag:s5] =	ssyncset.done $0x0  }
0x1b: {  	[sflag:s5] =	ssyncadd.s32 $0xFFFFFE00  }
0x1c: {  	v0 =	vld [tilespmem:$0x0];
	_ =	sdelay $0x7  }
0x1d: {  	[tilespmem:s6], [sflag:$0x1] =	stream.indirect_vreg.gather [hbm4b:s2+s3], $0x80, v0, vm0, $0xb8;
	[tilespmem:$0x10200] =	vst v63  }
0x1e: {  	v0 =	vld [tilespmem:$0x10];
	_ =	sdelay $0x6  }
0x1f: {  	s0 =	rddreg [dreg:$0x6]  }
0x20: {  	[tilespmem:s0], [sflag:$0x1] =	stream.indirect_vreg.gather [hbm4b:s2+s3], $0x80, v0, vm0, $0xb8;
	[tilespmem:$0x10200] =	vst v63  }
0x21: {  	v0 =	vld [tilespmem:$0x20];
	_ =	sdelay $0x6  }
0x22: {  	s0 =	rddreg [dreg:$0x7]  }
0x23: {  	[tilespmem:s0], [sflag:$0x1] =	stream.indirect_vreg.gather [hbm4b:s2+s3], $0x80, v0, vm0, $0xb8;
	[tilespmem:$0x10200] =	vst v63  }
0x24: {  	v0 =	vld [tilespmem:$0x30];
	_ =	sdelay $0x6  }
0x25: {  	s0 =	rddreg [dreg:$0x8]  }
0x26: {  	[tilespmem:s0], [sflag:$0x1] =	stream.indirect_vreg.gather [hbm4b:s2+s3], $0x80, v0, vm0, $0xb8;
	[tilespmem:$0x10200] =	vst v63  }
0x27: {  	v0 =	vld [tilespmem:$0x40];
	_ =	sdelay $0x6  }
0x28: {  	s0 =	rddreg [dreg:$0x9]  }
0x29: {  	[tilespmem:s0], [sflag:$0x1] =	stream.indirect_vreg.gather [hbm4b:s2+s3], $0x80, v0, vm0, $0xb8;
	[tilespmem:$0x10200] =	vst v63  }
0x2a: {  	v0 =	vld [tilespmem:$0x50];
	_ =	sdelay $0x6  }
0x2b: {  	s0 =	rddreg [dreg:$0xa]  }
0x2c: {  	[tilespmem:s0], [sflag:$0x1] =	stream.indirect_vreg.gather [hbm4b:s2+s3], $0x80, v0, vm0, $0xb8;
	[tilespmem:$0x10200] =	vst v63  }
0x2d: {  	v0 =	vld [tilespmem:$0x60];
	_ =	sdelay $0x6  }
0x2e: {  	s0 =	rddreg [dreg:$0xb]  }
0x2f: {  	[tilespmem:s0], [sflag:$0x1] =	stream.indirect_vreg.gather [hbm4b:s2+s3], $0x80, v0, vm0, $0xb8;
	[tilespmem:$0x10200] =	vst v63  }
0x30: {  	v0 =	vld [tilespmem:$0x70];
	_ =	sdelay $0x6  }
0x31: {  	s0 =	rddreg [dreg:$0xc]  }
0x32: {  	[tilespmem:s0], [sflag:$0x1] =	stream.indirect_vreg.gather [hbm4b:s2+s3], $0x80, v0, vm0, $0xb8;
	[tilespmem:$0x10200] =	vst v63  }
0x33: {  	v0 =	vld [tilespmem:$0x80];
	_ =	sdelay $0x7  }
0x34: {  	[tilespmem:s7], [sflag:$0x1] =	stream.indirect_vreg.gather [hbm4b:s2+s3], $0x80, v0, vm0, $0xb8;
	[tilespmem:$0x10200] =	vst v63  }
0x35: {  	v0 =	vld [tilespmem:$0x90];
	_ =	sdelay $0x7  }
0x36: {  	[tilespmem:s8], [sflag:$0x1] =	stream.indirect_vreg.gather [hbm4b:s2+s3], $0x80, v0, vm0, $0xb8;
	[tilespmem:$0x10200] =	vst v63  }
0x37: {  	v0 =	vld [tilespmem:$0xA0];
	_ =	sdelay $0x7  }
0x38: {  	[tilespmem:s9], [sflag:$0x1] =	stream.indirect_vreg.gather [hbm4b:s2+s3], $0x80, v0, vm0, $0xb8;
	[tilespmem:$0x10200] =	vst v63  }
0x39: {  	v0 =	vld [tilespmem:$0xB0];
	_ =	sdelay $0x7  }
0x3a: {  	[tilespmem:s10], [sflag:$0x1] =	stream.indirect_vreg.gather [hbm4b:s2+s3], $0x80, v0, vm0, $0xb8;
	[tilespmem:$0x10200] =	vst v63  }
0x3b: {  	v0 =	vld [tilespmem:$0xC0];
	_ =	sdelay $0x7  }
0x3c: {  	[tilespmem:s11], [sflag:$0x1] =	stream.indirect_vreg.gather [hbm4b:s2+s3], $0x80, v0, vm0, $0xb8;
	[tilespmem:$0x10200] =	vst v63  }
0x3d: {  	v0 =	vld [tilespmem:$0xD0];
	_ =	sdelay $0x7  }
0x3e: {  	[tilespmem:s12], [sflag:$0x1] =	stream.indirect_vreg.gather [hbm4b:s2+s3], $0x80, v0, vm0, $0xb8;
	[tilespmem:$0x10200] =	vst v63  }
0x3f: {  	v0 =	vld [tilespmem:$0xE0];
	_ =	sdelay $0x7  }
0x40: {  	[tilespmem:s13], [sflag:$0x1] =	stream.indirect_vreg.gather [hbm4b:s2+s3], $0x80, v0, vm0, $0xb8;
	[tilespmem:$0x10200] =	vst v63  }
0x41: {  	v0 =	vld [tilespmem:$0xF0];
	_ =	sdelay $0x7  }
0x42: {  	[tilespmem:s14], [sflag:$0x1] =	stream.indirect_vreg.gather [hbm4b:s2+s3], $0x80, v0, vm0, $0xb8;
	[tilespmem:$0x10200] =	vst v63  }
0x43: {  	v0 =	vld [tilespmem:$0x100];
	_ =	sdelay $0x7  }
0x44: {  	[tilespmem:s15], [sflag:$0x1] =	stream.indirect_vreg.gather [hbm4b:s2+s3], $0x80, v0, vm0, $0xb8;
	[tilespmem:$0x10200] =	vst v63  }
0x45: {  	v0 =	vld [tilespmem:$0x110];
	_ =	sdelay $0x7  }
0x46: {  	[tilespmem:s16], [sflag:$0x1] =	stream.indirect_vreg.gather [hbm4b:s2+s3], $0x80, v0, vm0, $0xb8;
	[tilespmem:$0x10200] =	vst v63  }
0x47: {  	v0 =	vld [tilespmem:$0x120];
	_ =	sdelay $0x7  }
0x48: {  	[tilespmem:s17], [sflag:$0x1] =	stream.indirect_vreg.gather [hbm4b:s2+s3], $0x80, v0, vm0, $0xb8;
	[tilespmem:$0x10200] =	vst v63  }
0x49: {  	v0 =	vld [tilespmem:$0x130];
	_ =	sdelay $0x7  }
0x4a: {  	[tilespmem:s18], [sflag:$0x1] =	stream.indirect_vreg.gather [hbm4b:s2+s3], $0x80, v0, vm0, $0xb8;
	[tilespmem:$0x10200] =	vst v63  }
0x4b: {  	v0 =	vld [tilespmem:$0x140];
	_ =	sdelay $0x7  }
0x4c: {  	[tilespmem:s19], [sflag:$0x1] =	stream.indirect_vreg.gather [hbm4b:s2+s3], $0x80, v0, vm0, $0xb8;
	[tilespmem:$0x10200] =	vst v63  }
0x4d: {  	v0 =	vld [tilespmem:$0x150];
	_ =	sdelay $0x7  }
0x4e: {  	[tilespmem:s20], [sflag:$0x1] =	stream.indirect_vreg.gather [hbm4b:s2+s3], $0x80, v0, vm0, $0xb8;
	[tilespmem:$0x10200] =	vst v63  }
0x4f: {  	v0 =	vld [tilespmem:$0x160];
	_ =	sdelay $0x7  }
0x50: {  	[tilespmem:s21], [sflag:$0x1] =	stream.indirect_vreg.gather [hbm4b:s2+s3], $0x80, v0, vm0, $0xb8;
	[tilespmem:$0x10200] =	vst v63  }
0x51: {  	v0 =	vld [tilespmem:$0x170];
	_ =	sdelay $0x7  }
0x52: {  	[tilespmem:s22], [sflag:$0x1] =	stream.indirect_vreg.gather [hbm4b:s2+s3], $0x80, v0, vm0, $0xb8;
	[tilespmem:$0x10200] =	vst v63  }
0x53: {  	v0 =	vld [tilespmem:$0x180];
	_ =	sdelay $0x7  }
0x54: {  	[tilespmem:s23], [sflag:$0x1] =	stream.indirect_vreg.gather [hbm4b:s2+s3], $0x80, v0, vm0, $0xb8;
	[tilespmem:$0x10200] =	vst v63  }
0x55: {  	v0 =	vld [tilespmem:$0x190];
	_ =	sdelay $0x7  }
0x56: {  	[tilespmem:s24], [sflag:$0x1] =	stream.indirect_vreg.gather [hbm4b:s2+s3], $0x80, v0, vm0, $0xb8;
	[tilespmem:$0x10200] =	vst v63  }
0x57: {  	v0 =	vld [tilespmem:$0x1A0];
	_ =	sdelay $0x7  }
0x58: {  	[tilespmem:s25], [sflag:$0x1] =	stream.indirect_vreg.gather [hbm4b:s2+s3], $0x80, v0, vm0, $0xb8;
	[tilespmem:$0x10200] =	vst v63  }
0x59: {  	v0 =	vld [tilespmem:$0x1B0];
	_ =	sdelay $0x7  }
0x5a: {  	[tilespmem:s26], [sflag:$0x1] =	stream.indirect_vreg.gather [hbm4b:s2+s3], $0x80, v0, vm0, $0xb8;
	[tilespmem:$0x10200] =	vst v63  }
0x5b: {  	v0 =	vld [tilespmem:$0x1C0];
	_ =	sdelay $0x7  }
0x5c: {  	[tilespmem:s28], [sflag:$0x1] =	stream.indirect_vreg.gather [hbm4b:s2+s3], $0x80, v0, vm0, $0xb8;
	[tilespmem:$0x10200] =	vst v63  }
0x5d: {  	v0 =	vld [tilespmem:$0x1D0];
	_ =	sdelay $0x7  }
0x5e: {  	[tilespmem:s29], [sflag:$0x1] =	stream.indirect_vreg.gather [hbm4b:s2+s3], $0x80, v0, vm0, $0xb8;
	[tilespmem:$0x10200] =	vst v63  }
0x5f: {  	v0 =	vld [tilespmem:$0x1E0];
	_ =	sdelay $0x7  }
0x60: {  	[tilespmem:s30], [sflag:$0x1] =	stream.indirect_vreg.gather [hbm4b:s2+s3], $0x80, v0, vm0, $0xb8;
	[tilespmem:$0x10200] =	vst v63  }
0x61: {  	v0 =	vld [tilespmem:$0x1F0];
	_ =	sdelay $0x7  }
0x62: {  	[tilespmem:s31], [sflag:$0x1] =	stream.indirect_vreg.gather [hbm4b:s2+s3], $0x80, v0, vm0, $0xb8;
	[tilespmem:$0x10200] =	vst v63  }
0x63: {  	_ =	swait.ge [sflag:s1], $0x800  }
0x64: {  	[sflag:s1] =	ssyncset.done $0x0  }
0x65: {  	[sflag:s1] =	ssyncadd.s32 $0xFFFFF800  }
0x66: {  	_ =	swait.ge [sflag:s1], $0x800  }
0x67: {  	[sflag:s1] =	ssyncset.done $0x0  }
0x68: {  	[sflag:s1] =	ssyncadd.s32 $0xFFFFF800  }
0x69: {  	_ =	swait.ge [sflag:s1], $0x800  }
0x6a: {  	[sflag:s1] =	ssyncset.done $0x0  }
0x6b: {  	[sflag:s1] =	ssyncadd.s32 $0xFFFFF800  }
0x6c: {  	_ =	swait.ge [sflag:s1], $0x800  }
0x6d: {  	[sflag:s1] =	ssyncset.done $0x0  }
0x6e: {  	[sflag:s1] =	ssyncadd.s32 $0xFFFFF800  }
0x6f: {  	_ =	swait.ge [sflag:s1], $0x800  }
0x70: {  	[sflag:s1] =	ssyncset.done $0x0  }
0x71: {  	[sflag:s1] =	ssyncadd.s32 $0xFFFFF800  }
0x72: {  	_ =	swait.ge [sflag:s1], $0x800  }
0x73: {  	[sflag:s1] =	ssyncset.done $0x0  }
0x74: {  	[sflag:s1] =	ssyncadd.s32 $0xFFFFF800  }
0x75: {  	_ =	swait.ge [sflag:s1], $0x800  }
0x76: {  	[sflag:s1] =	ssyncset.done $0x0  }
0x77: {  	[sflag:s1] =	ssyncadd.s32 $0xFFFFF800  }
0x78: {  	_ =	swait.ge [sflag:s1], $0x800  }
0x79: {  	[sflag:s1] =	ssyncset.done $0x0  }
0x7a: {  	[sflag:s1] =	ssyncadd.s32 $0xFFFFF800  }
0x7b: {  	_ =	swait.ge [sflag:s1], $0x800  }
0x7c: {  	[sflag:s1] =	ssyncset.done $0x0  }
0x7d: {  	[sflag:s1] =	ssyncadd.s32 $0xFFFFF800  }
0x7e: {  	_ =	swait.ge [sflag:s1], $0x800  }
0x7f: {  	[sflag:s1] =	ssyncset.done $0x0  }
0x80: {  	[sflag:s1] =	ssyncadd.s32 $0xFFFFF800  }
0x81: {  	_ =	swait.ge [sflag:s1], $0x800  }
0x82: {  	[sflag:s1] =	ssyncset.done $0x0  }
0x83: {  	[sflag:s1] =	ssyncadd.s32 $0xFFFFF800  }
0x84: {  	_ =	swait.ge [sflag:s1], $0x800  }
0x85: {  	[sflag:s1] =	ssyncset.done $0x0  }
0x86: {  	[sflag:s1] =	ssyncadd.s32 $0xFFFFF800  }
0x87: {  	_ =	swait.ge [sflag:s1], $0x800  }
0x88: {  	[sflag:s1] =	ssyncset.done $0x0  }
0x89: {  	[sflag:s1] =	ssyncadd.s32 $0xFFFFF800  }
0x8a: {  	_ =	swait.ge [sflag:s1], $0x800  }
0x8b: {  	[sflag:s1] =	ssyncset.done $0x0  }
0x8c: {  	[sflag:s1] =	ssyncadd.s32 $0xFFFFF800  }
0x8d: {  	_ =	swait.ge [sflag:s1], $0x800  }
0x8e: {  	[sflag:s1] =	ssyncset.done $0x0  }
0x8f: {  	[sflag:s1] =	ssyncadd.s32 $0xFFFFF800  }
0x90: {  	_ =	swait.ge [sflag:s1], $0x800  }
0x91: {  	[sflag:s1] =	ssyncset.done $0x0  }
0x92: {  	[sflag:s1] =	ssyncadd.s32 $0xFFFFF800  }
0x93: {  	_ =	swait.ge [sflag:s1], $0x800  }
0x94: {  	[sflag:s1] =	ssyncset.done $0x0  }
0x95: {  	[sflag:s1] =	ssyncadd.s32 $0xFFFFF800  }
0x96: {  	_ =	swait.ge [sflag:s1], $0x800  }
0x97: {  	[sflag:s1] =	ssyncset.done $0x0  }
0x98: {  	[sflag:s1] =	ssyncadd.s32 $0xFFFFF800  }
0x99: {  	_ =	swait.ge [sflag:s1], $0x800  }
0x9a: {  	[sflag:s1] =	ssyncset.done $0x0  }
0x9b: {  	[sflag:s1] =	ssyncadd.s32 $0xFFFFF800  }
0x9c: {  	_ =	swait.ge [sflag:s1], $0x800  }
0x9d: {  	[sflag:s1] =	ssyncset.done $0x0  }
0x9e: {  	[sflag:s1] =	ssyncadd.s32 $0xFFFFF800  }
0x9f: {  	_ =	swait.ge [sflag:s1], $0x800  }
0xa0: {  	[sflag:s1] =	ssyncset.done $0x0  }
0xa1: {  	[sflag:s1] =	ssyncadd.s32 $0xFFFFF800  }
0xa2: {  	_ =	swait.ge [sflag:s1], $0x800  }
0xa3: {  	[sflag:s1] =	ssyncset.done $0x0  }
0xa4: {  	[sflag:s1] =	ssyncadd.s32 $0xFFFFF800  }
0xa5: {  	_ =	swait.ge [sflag:s1], $0x800  }
0xa6: {  	[sflag:s1] =	ssyncset.done $0x0  }
0xa7: {  	[sflag:s1] =	ssyncadd.s32 $0xFFFFF800  }
0xa8: {  	_ =	swait.ge [sflag:s1], $0x800  }
0xa9: {  	[sflag:s1] =	ssyncset.done $0x0  }
0xaa: {  	[sflag:s1] =	ssyncadd.s32 $0xFFFFF800  }
0xab: {  	_ =	swait.ge [sflag:s1], $0x800  }
0xac: {  	[sflag:s1] =	ssyncset.done $0x0  }
0xad: {  	[sflag:s1] =	ssyncadd.s32 $0xFFFFF800  }
0xae: {  	_ =	swait.ge [sflag:s1], $0x800  }
0xaf: {  	[sflag:s1] =	ssyncset.done $0x0  }
0xb0: {  	[sflag:s1] =	ssyncadd.s32 $0xFFFFF800  }
0xb1: {  	_ =	swait.ge [sflag:s1], $0x800  }
0xb2: {  	[sflag:s1] =	ssyncset.done $0x0  }
0xb3: {  	[sflag:s1] =	ssyncadd.s32 $0xFFFFF800  }
0xb4: {  	_ =	swait.ge [sflag:s1], $0x800  }
0xb5: {  	[sflag:s1] =	ssyncset.done $0x0  }
0xb6: {  	[sflag:s1] =	ssyncadd.s32 $0xFFFFF800  }
0xb7: {  	_ =	swait.ge [sflag:s1], $0x800  }
0xb8: {  	[sflag:s1] =	ssyncset.done $0x0  }
0xb9: {  	[sflag:s1] =	ssyncadd.s32 $0xFFFFF800  }
0xba: {  	_ =	swait.ge [sflag:s1], $0x800  }
0xbb: {  	[sflag:s1] =	ssyncset.done $0x0  }
0xbc: {  	[sflag:s1] =	ssyncadd.s32 $0xFFFFF800  }
0xbd: {  	_ =	swait.ge [sflag:s1], $0x800  }
0xbe: {  	[sflag:s1] =	ssyncset.done $0x0  }
0xbf: {  	[sflag:s1] =	ssyncadd.s32 $0xFFFFF800  }
0xc0: {  	_ =	swait.ge [sflag:s1], $0x800  }
0xc1: {  	p0 =	sne.s32 s4, $0x1;
	[sflag:s1] =	ssyncset.done $0x0  }
.Ltmp0:
0xc2: {  	s0 =	rddreg [dreg:$0x5];
	[sflag:s1] =	ssyncadd.s32 $0xFFFFF800;
	(pc) =	sbr.rel @p0 .LBB2_1-.Ltmp0, $4  }
0xc3: {  	[hbm4b:s0+s3] =	stream.linear.scatter [tilespmem:s6], [sflag:$0x2], $0x10000, $0x38;
	[tilespmem:$0x10200] =	vst v63  }
0xc4: {  	_ =	swait.ge [sflag:s5], $0x10000  }
0xc5: {  	[sflag:s5] =	ssyncset.done $0x0  }
0xc6: {  	s4 =	sadd.s32 $0xFFFFFFFF, s4;
	[sflag:s5] =	ssyncadd.s32 $0xFFFF0000  }
0xc7: {  	_ =	sfence.sel $0x180000  }
0xc8: {  	[bflag:$0x0] =	sbarrier.arrive $0xFFFF  }
0xc9: {  	_ =	strace $0x90000047  }
0xca: {  	s0 =	stileid.u32;
	[bflag:$0x2] =	sbarrier.arrive $0xFFFF  }
0xcb: {  	p0 =	sne.s32 s0, $0x0;
	s0 =	rddreg [dreg:$0x3]  }
0xcc: {  	s0 =	sadd.s32 @!p0 $0x100000, s0  }
0xcd: {  	[sflag:s0] =	ssyncadd.tile.s32 @!p0 $0x1;
	_ =	shalt  }
.Lfunc_end2:
_tile_overlayer_lowered:
.L_overlay_start_2:
0xce: {  	(tag) =	ssettag $0x2  }
0xcf: {  	s0 =	rddreg [dreg:$0x0];
	s2 =	stileid.u32  }
0xd0: {  	s1 =	rddreg [dreg:$0x1];
	p0 =	sne.s32 s2, $0x0  }
0xd1: {  	s3 =	rddreg [dreg:$0x2];
	[bflag:$0x3] =	sbarrier.arrive $0xFFFF;
	s2 =	simm.s32 @!p0 $0x1C02  }
0xd2: {  	[timem:s3], [sflag:s2] =	dma.local @!p0 [hbm:s0], s1  }
0xd3: {  	s0 =	simm.s32 @!p0 $0x2  }
0xd4: {  	_ =	swait.ge @!p0 [sflag:s0], s1  }
0xd5: {  	s1 =	ssub.s32 @!p0 $0x0, s1;
	[sflag:s0] =	ssyncset.done @!p0 $0x0  }
0xd6: {  	[sflag:s0] =	ssyncadd.s32 @!p0 s1  }
0xd7: {  	[bflag:$0x3] =	sbarrier.arrive $0xFFFF  }
0xd8: {  	_ =	shalt  }

// kernel: kernel.8.cloned.1.call-start
scs
__scs_entry_jumppad:
0x0: {  	(pc) =	sbr.rel $0x88, $3  }
0x1: {  	(tag) =	ssettag $0x0;
	lr =	simm.s32 $0x1  }
0x2: {  	[smem:$0x3F95] =	sst lr;
	_ =	strace $0xD0000000  }
0x3: {  	_ = 	snop  }
0x4: {  	_ = 	snop  }
0x5: {  	_ = 	snop  }
0x6: {  	_ = 	snop  }
0x7: {  	_ = 	snop  }
__scs_overlays_trampoline_lowered:
0x8: {  	[smem:$0x3FA4] =	sst s0  }
0x9: {  	[smem:$0x3FA5] =	sst s1  }
0xa: {  	[smem:$0x3FA6] =	sst s2  }
0xb: {  	[smem:$0x3FA7] =	sst s3  }
0xc: {  	[smem:$0x3FA8] =	sst s4  }
0xd: {  	[smem:$0x3FA9] =	sst s5  }
0xe: {  	[smem:$0x3FAA] =	sst s6  }
0xf: {  	[smem:$0x3FAB] =	sst s7  }
0x10: {  	[smem:$0x3FAC] =	sst s8  }
0x11: {  	[smem:$0x3FAD] =	sst s9;
	s0 =	simm.s32 @!p0 $0x0  }
0x12: {  	s1 =	sld [smem:$0x3F93];
	s0 =	simm.s32 @p0 $0x1  }
0x13: {  	[smem:$0x3FAE] =	sst s0;
	s0 =	simm.s32 @!p1 $0x0  }
0x14: {  	s2 =	sld [smem:$0x3F92];
	s0 =	simm.s32 @p1 $0x1  }
0x15: {  	[smem:$0x3FAF] =	sst s0;
	s0 =	simm.s32 @!p2 $0x0  }
0x16: {  	s3 =	sld [smem:$0x3FDB];
	s0 =	simm.s32 @p2 $0x1  }
0x17: {  	s4 =	simm.s32 $0x1BF5;
	[smem:$0x3FB1] =	sst s0  }
0x18: {  	s0 =	sld [smem:$0x3F94];
	_ =	swait.ge [sflag:s4], $0x0  }
0x19: {  	s7 =	sld [smem:$0x3F95]  }
0x1a: {  	s8 =	sadd.s32 $0xFFFFE003, lr  }
0x1b: {  	s9 =	sadd.s32 $0xFFFFFEF7, lr;
	s5 =	simm.s32 $0xFFFFFFFF;
	p2 =	slt.u32 s8, $0xFFFFF086  }
0x1c: {  	p1 =	slt.u32 s9, $0xF7A;
	s5 =	simm.s32 @!p2 $0x0  }
0x1d: {  	s5 =	simm.s32 @p1 $0x1;
	p0 =	seq.s32 s7, s2  }
0x1e: {  	s7 =	smul.u32 @!p0 $0xF7A, s2;
	p2 =	seq.s32 @!p0 s5, $0x0  }
0x1f: {  	s9 =	smul.u32 $0xF7A, s1;
	s8 =	simm.s32 @!p0 $0x1BF5;
	p2 =	por !p2, p0  }
0x20: {  	[sflag:s8] =	ssyncset.s32 @!p0 $0xFFFFF086;
	s6 =	sadd.s32 @!p0 s3, s7;
	s7 =	simm.s32 @!p0 $0x108  }
0x21: {  	s3 =	sadd.s32 s3, s9;
	s6 =	sadd.s32 @!p0 $0x88, s6;
	s7 =	simm.s32 @p2 $0x1082  }
0x22: {  	[simem:s7], [sflag:s8] =	dma.local @!p0 [hbm:s6], $0xF7A  }
0x23: {  	s9 =	sor.u32 $0xD0000000, s2;
	s6 =	simm.s32 $0x108;
	_ =	swait.ge @!p0 [sflag:s8], $0x0  }
0x24: {  	s3 =	sadd.s32 $0x88, s3;
	s6 =	simm.s32 @!p1 $0x1082;
	[sflag:s4] =	ssyncset.s32 $0xFFFFF086  }
0x25: {  	[simem:s6], [sflag:s4] =	dma.local [hbm:s3], $0xF7A  }
0x26: {  	[smem:$0x3F95] =	sst s1;
	(tag) =	ssettag s2;
	_ =	strace s9  }
0x27: {  	s1 =	sld [smem:$0x3FA5]  }
0x28: {  	s2 =	sld [smem:$0x3FA6]  }
0x29: {  	s4 =	sld [smem:$0x3FA8]  }
0x2a: {  	p0 =	seq.s32 s5, $0x0;
	s5 =	sld [smem:$0x3FA9]  }
0x2b: {  	s6 =	sld [smem:$0x3FAA]  }
0x2c: {  	s7 =	sld [smem:$0x3FAB]  }
0x2d: {  	s3 =	simm.s32 $0x108;
	s8 =	sld [smem:$0x3FAC]  }
0x2e: {  	s3 =	simm.s32 @!p0 $0x1082;
	s9 =	sld [smem:$0x3FAD]  }
0x2f: {  	lr =	sadd.s32 s0, s3;
	s0 =	sld [smem:$0x3FA4]  }
0x30: {  	s3 =	sld [smem:$0x3FA7]  }
0x31: {  	[smem:$0x3FB0] =	sst s10  }
0x32: {  	s10 =	sld [smem:$0x3FAE];
	_ =	sdelay $0x3  }
0x33: {  	p0 =	seq.s32 s10, $0x1;
	s10 =	sld [smem:$0x3FB0];
	_ =	sdelay $0x3  }
0x34: {  	[smem:$0x3FB0] =	sst s10  }
0x35: {  	s10 =	sld [smem:$0x3FAF];
	_ =	sdelay $0x3  }
0x36: {  	p1 =	seq.s32 s10, $0x1;
	s10 =	sld [smem:$0x3FB0];
	_ =	sdelay $0x3  }
0x37: {  	[smem:$0x3FB0] =	sst s10  }
0x38: {  	s10 =	sld [smem:$0x3FB1]  }
0x39: {  	_ = 	snop;
	(pc) =	sbr.ind lr, $3  }
0x3a: {  	_ = 	snop  }
0x3b: {  	_ = 	snop  }
0x3c: {  	p2 =	seq.s32 s10, $0x1;
	s10 =	sld [smem:$0x3FB0]  }
0x3d: {  	_ =	shalt  }
0x3e: {  	_ =	shalt  }
0x3f: {  	_ =	shalt  }
0x40: {  	_ =	shalt  }
0x41: {  	_ =	shalt  }
0x42: {  	_ =	shalt  }
0x43: {  	_ =	shalt  }
0x44: {  	_ =	shalt  }
0x45: {  	_ =	shalt  }
0x46: {  	_ =	shalt  }
0x47: {  	_ =	shalt  }
0x48: {  	_ =	shalt  }
0x49: {  	_ =	shalt  }
0x4a: {  	_ =	shalt  }
0x4b: {  	_ =	shalt  }
0x4c: {  	_ =	shalt  }
0x4d: {  	_ =	shalt  }
0x4e: {  	_ =	shalt  }
0x4f: {  	_ =	shalt  }
0x50: {  	_ =	shalt  }
0x51: {  	_ =	shalt  }
0x52: {  	_ =	shalt  }
0x53: {  	_ =	shalt  }
0x54: {  	_ =	shalt  }
0x55: {  	_ =	shalt  }
0x56: {  	_ =	shalt  }
0x57: {  	_ =	shalt  }
0x58: {  	_ =	shalt  }
0x59: {  	_ =	shalt  }
0x5a: {  	_ =	shalt  }
0x5b: {  	_ =	shalt  }
0x5c: {  	_ =	shalt  }
0x5d: {  	_ =	shalt  }
0x5e: {  	_ =	shalt  }
0x5f: {  	_ =	shalt  }
0x60: {  	_ =	shalt  }
0x61: {  	_ =	shalt  }
0x62: {  	_ =	shalt  }
0x63: {  	_ =	shalt  }
0x64: {  	_ =	shalt  }
0x65: {  	_ =	shalt  }
0x66: {  	_ =	shalt  }
0x67: {  	_ =	shalt  }
0x68: {  	_ =	shalt  }
0x69: {  	_ =	shalt  }
0x6a: {  	_ =	shalt  }
0x6b: {  	_ =	shalt  }
0x6c: {  	_ =	shalt  }
0x6d: {  	_ =	shalt  }
0x6e: {  	_ =	shalt  }
0x6f: {  	_ =	shalt  }
0x70: {  	_ =	shalt  }
0x71: {  	_ =	shalt  }
0x72: {  	_ =	shalt  }
0x73: {  	_ =	shalt  }
0x74: {  	_ =	shalt  }
0x75: {  	_ =	shalt  }
0x76: {  	_ =	shalt  }
0x77: {  	_ =	shalt  }
0x78: {  	_ =	shalt  }
0x79: {  	_ =	shalt  }
0x7a: {  	_ =	shalt  }
0x7b: {  	_ =	shalt  }
0x7c: {  	_ =	shalt  }
0x7d: {  	_ =	shalt  }
0x7e: {  	_ =	shalt  }
0x7f: {  	_ =	shalt  }
0x80: {  	_ =	shalt  }
0x81: {  	_ =	shalt  }
0x82: {  	_ =	shalt  }
0x83: {  	_ =	shalt  }
0x84: {  	_ =	shalt  }
0x85: {  	_ =	shalt  }
0x86: {  	_ =	shalt  }
0x87: {  	_ =	shalt  }
.Lfunc_end0:
.L_simem_size_0:
called_computation.1_lowered:
.L_overlay_start_0:
0x88: {  	s2 =	sld [smem:$0x3FD9]  }
0x89: {  	s3 =	sld [smem:$0x3FFE];
	_ =	sdelay $0x1  }
0x8a: {  	s1 =	srdreg.scid  }
0x8b: {  	s0 =	sand.u32 $0x1, s1  }
0x8c: {  	s14 =	sshll.u32 s0, $0xA;
	s2 =	sadd.s32 s3, s2  }
0x8d: {  	s2 =	sadd.s32 s2, s14  }
0x8e: {  	[smem:$0x3FBC] =	sst s2  }
0x8f: {  	_ = 	snop  }
0x90: {  	s2 =	sld [smem:$0x3FD0];
	_ =	sdelay $0x1  }
0x91: {  	s15 =	sld [smem:$0x3FC9]  }
0x92: {  	s5 =	simm.s32 $0xA;
	s6 =	simm.s32 $0x10;
	s4 =	sld [smem:$0x3FC7]  }
0x93: {  	[smem:s6], [sflag:s5] =	dma.local [hbm:s2], $0x1  }
0x94: {  	_ =	swait.eq [sflag:s5], $0x1  }
0x95: {  	[sflag:s5] =	ssyncset.done $0x0  }
0x96: {  	s16 =	sld [smem:$0x10];
	[sflag:s5] =	ssyncadd.s32 $0xFFFFFFFF  }
0x97: {  	s17 =	sld [smem:$0x11];
	(tm) =	ssettm $0x1  }
0x98: {  	s18 =	sld [smem:$0x3FFB];
	_ =	sdelay $0x3  }
0x99: {  	_ =	strace s18  }
0x9a: {  	s6 =	sld [smem:$0x3FFC];
	_ =	sdelay $0x3  }
0x9b: {  	_ =	strace s6  }
0x9c: {  	s6 =	sld [smem:$0x3FFD];
	_ =	sdelay $0x3  }
0x9d: {  	_ =	strace s6  }
0x9e: {  	_ =	strace $0x8FFFFFFF  }
0x9f: {  	s19 =	sld [smem:$0x3FDB];
	_ =	sdelay $0x1  }
0xa0: {  	s7 =	simm.s32 $_scs_section_size  }
0xa1: {  	s8 =	simm.s32 $_size__tile_overlayer_lowered;
	s9 =	simm.s32 $_tile_overlayer_lowered  }
0xa2: {  	s22 =	simm.s32 $0x1BFF;
	s21 =	sshll.u32 s9, $0x1;
	s6 =	sadd.s32 s7, s19  }
0xa3: {  	s10 =	simm.s32 $0x0;
	s20 =	sshll.u32 s8, $0x1;
	s8 =	sadd.s32 s21, s6  }
0xa4: {  	[timem:s10], [sflag:s22] =	dma.local [hbm:s8], s20  }
0xa5: {  	_ =	swait.ge [sflag:s22], s20  }
0xa6: {  	s7 =	ssub.s32 $0x0, s20;
	[sflag:s22] =	ssyncset.done $0x0  }
0xa7: {  	[sflag:s22] =	ssyncadd.s32 s7;
	_ =	sdelay $0x1  }
0xa8: {  	s23 =	simm.s32 $0x1B8B  }
0xa9: {  	_ =	swait.ge [sflag:s23], $0x1  }
0xaa: {  	[sflag:s23] =	ssyncset.done $0x0  }
0xab: {  	s25 =	simm.s32 $0x1B8E;
	s24 =	sld [smem:$0x3FFE];
	[sflag:s23] =	ssyncadd.s32 $0xFFFFFFFF  }
0xac: {  	s26 =	simm.s32 $execute0_lowered;
	[smem:$0x3FD2] =	sst s25  }
0xad: {  	s8 =	sshll.u32 s26, $0x1;
	_ =	strace $0x80000049;
	[dreg:$0x1] =	wrdreg $0xFFFFFFFF  }
0xae: {  	s28 =	simm.s32 $_size_execute0_lowered;
	s6 =	sadd.s32 s6, s8;
	[dreg:$0x0] =	wrdreg $0x0  }
0xaf: {  	s8 =	sshll.u32 s28, $0x1;
	[dreg:$0x2] =	wrdreg s6  }
0xb0: {  	[dreg:$0x3] =	wrdreg s8  }
0xb1: {  	[dreg:$0x4] =	wrdreg $0xC0  }
0xb2: {  	_ =	task [dreg:s10], $0x5FFFF  }
0xb3: {  	[dreg:$0x1] =	wrdreg $0xFFFFFFFF  }
0xb4: {  	[dreg:$0x0] =	wrdreg $0x60  }
0xb5: {  	[dreg:$0x2] =	wrdreg s15  }
0xb6: {  	[dreg:$0x3] =	wrdreg s24  }
0xb7: {  	[dreg:$0x4] =	wrdreg s4  }
0xb8: {  	[dreg:$0x5] =	wrdreg s16  }
0xb9: {  	[dreg:$0x6] =	wrdreg s17  }
0xba: {  	[dreg:$0x7] =	wrdreg $0x9  }
0xbb: {  	_ =	task.clear_ibuf [dreg:s10], $0x8FFFF;
	_ =	strace $0x90000049  }
0xbc: {  	s29 =	simm.s32 $0x9;
	_ =	strace $0x8000004B  }
0xbd: {  	_ =	swait.ge [sflag:s29], $0x1  }
0xbe: {  	[sflag:s29] =	ssyncadd.s32 $0xFFFFFFFF  }
0xbf: {  	_ =	strace $0x9000004B  }
0xc0: {  	_ =	sfence  }
0xc1: {  	s30 =	sld [smem:$0x0];
	_ =	sdelay $0x2  }
0xc2: {  	s31 =	sshll.u32 s1, $0xD;
	s1 =	sshrl.u32 s1, $0x2  }
0xc3: {  	s3 =	sand.u32 $0x4000, s31;
	s1 =	sadd.s32 s1, s30  }
0xc4: {  	s0 =	sor.u32 s3, s0;
	s1 =	sshll.u32 s1, $0x11  }
0xc5: {  	s0 =	sor.u32 s1, s0  }
0xc6: {  	s0 =	sadd.s32 $0x8F2B, s0  }
0xc7: {  	[sflag:s0] =	ssyncadd.remote.s32 $0x1  }
0xc8: {  	_ =	sfence.sel $0xFFFF  }
0xc9: {  	[dreg:$0x0] =	wrdreg $0xFFFFFFFF;
	(pc) =	sbr.abs _section_cstart, $3  }
0xca: {  	[dreg:$0x1] =	wrdreg $0xFFFFFFFF  }
0xcb: {  	_ =	task.clear_ibuf [dreg:s10], $0x2FFFF;
	_ =	strace $0x9FFFFFFF  }
0xcc: {  	(tm) =	ssettm $0x7FFFFFFF  }
0xcd: {  	_ =	shalt  }
tec
execute0_lowered:
.L_overlay_start_1:
0x0: {  	(tag) =	ssettag $0x1  }
0x1: {  	s1 =	rddreg [dreg:$0x1]  }
0x2: {  	s0 =	srdreg.scid;
	s4 =	rddreg [dreg:$0x3]  }
0x3: {  	s2 =	stileid.u32;
	s5 =	rddreg [dreg:$0x4]  }
0x4: {  	_ =	strace $0x8000004A;
	s8 =	simm.s32 $0x0;
	s9 =	simm.s32 $0x3  }
0x5: {  	s10 =	simm.s32 $0x4000;
	s11 =	simm.s32 $0x8000;
	s12 =	simm.s32 $0xC100  }
0x6: {  	s13 =	simm.s32 $0x1;
	s14 =	simm.s32 $0x10200;
	s15 =	simm.s32 $0x10E80  }
0x7: {  	s23 =	simm.s32 $0x14E80;
	s16 =	simm.s32 $0x11680;
	s24 =	simm.s32 $0x14E90  }
0x8: {  	s17 =	simm.s32 $0x11E80;
	s25 =	simm.s32 $0x14EA0;
	s18 =	simm.s32 $0x12680  }
0x9: {  	s26 =	simm.s32 $0x14EB0;
	s19 =	simm.s32 $0x12E80;
	[dreg:$0x6] =	wrdreg s23  }
0xa: {  	s28 =	simm.s32 $0x14EC0;
	s20 =	simm.s32 $0x13680;
	[dreg:$0x7] =	wrdreg s24  }
0xb: {  	s29 =	simm.s32 $0x14ED0;
	s21 =	simm.s32 $0x13E80;
	[dreg:$0x8] =	wrdreg s25  }
0xc: {  	s0 =	sand.u32 $0x1, s0;
	s2 =	sshll.u32 s2, $0x1;
	[dreg:$0x9] =	wrdreg s26  }
0xd: {  	s30 =	simm.s32 $0x14EE0;
	[dreg:$0xa] =	wrdreg s28;
	s2 =	sor.u32 s0, s2  }
0xe: {  	v2 =	vimm.s32 $0x0;
	v3 =	vlaneseq.u32;
	vm0 =	vcmask $0x704;
	s31 =	simm.s32 $0x14EF0;
	[dreg:$0xb] =	wrdreg s29;
	s2 =	smul.u32 $0xC38, s2  }
.Ltmp0:
0xf: {  	vm1 =	vcmask $0xB08;
	vm2 =	vcmask $0xF0C;
	vm3 =	vcmask $0x1310;
	[dreg:$0xc] =	wrdreg s30;
	s0 =	ssub.s32 $0x2, s0;
	(pc) =	sbr.rel .LBB2_1-.Ltmp0, $4  }
0x10: {  	vm4 =	vcmask $0x1714;
	vm5 =	vcmask $0x1B18;
	vm6 =	vcmask $0x1F1C;
	[dreg:$0xd] =	wrdreg s31;
	s6 =	sshrl.u32 s0, $0x1;
	s7 =	ssub.s32 $0x186A0, s2  }
0x11: {  	vm7 =	vcmask $0x2320;
	vm8 =	vcmask $0x2724;
	vm9 =	vcmask $0x2B28;
	s23 =	simm.s32 $0x2;
	s0 =	ssub.s32 s0, s6;
	s7 =	smin.u32 s7, $0xC38  }
0x12: {  	vm10 =	vcmask $0x2F2C;
	vm11 =	vcmask $0x3330;
	vm12 =	vcmask $0x3734;
	s24 =	simm.s32 $0x0;
	s0 =	smax.u32 s0, $0x1;
	s22 =	sadd.s32 s2, s7  }
0x13: {  	vm15 =	vmmov $0xffff;
	s6 =	sadd.s32 $0x2400, s1;
	v0 =	vmov s2;
	[dreg:$0xe] =	wrdreg s0;
	v1 =	vmov s22;
	s22 =	simm.s32 $0x14680  }
.LBB2_11:
0x14: {  	s24 =	sadd.s32 $0x1, s24;
	s0 =	rddreg [dreg:$0xe]  }
0x15: {  	p0 =	sne.s32 s24, s0  }
.Ltmp1:
0x16: {  	_ = 	snop;
	(pc) =	sbr.rel @!p0 .LBB2_12-.Ltmp1, $1  }
0x17: {  	_ =	sdelay $0x3  }
.LBB2_1:
0x18: {  	s0 =	rddreg [dreg:$0x0]  }
0x19: {  	[tilespmem:s8], [sflag:$0x3] =	stream.linear.gather [hbm4b:s0+s8], $0x4000, $0x38;
	[tilespmem:$0x14F00] =	vst v63  }
0x1a: {  	_ =	swait.ge [sflag:s9], $0x4000  }
0x1b: {  	[sflag:s9] =	ssyncset.done $0x0  }
0x1c: {  	[sflag:s9] =	ssyncadd.s32 $0xFFFFC000  }
0x1d: {  	s31 =	rddreg [dreg:$0x2]  }
0x1e: {  	[tilespmem:s10], [sflag:$0x3] =	stream.linear.gather [hbm4b:s31+s8], $0x4000, $0x38;
	[tilespmem:$0x14F00] =	vst v63  }
0x1f: {  	_ =	swait.ge [sflag:s9], $0x4000  }
0x20: {  	[sflag:s9] =	ssyncset.done $0x0  }
0x21: {  	[sflag:s9] =	ssyncadd.s32 $0xFFFFC000  }
0x22: {  	v4 =	vld [tilespmem:s8+$0x0]  }
0x23: {  	vm14 =	vmmov vm12;
	vm13 =	vmmov vm11;
	vm12 =	vmmov vm10  }
0x24: {  	vm11 =	vmmov vm9;
	vm10 =	vmmov vm8;
	vm9 =	vmmov vm7  }
0x25: {  	vm8 =	vmmov vm6;
	vm7 =	vmmov vm5;
	vm6 =	vmmov vm4  }
0x26: {  	vm5 =	vmmov vm3;
	vm4 =	vmmov vm2;
	vm3 =	vmmov vm1  }
0x27: {  	vm2 =	vmmov vm0;
	vm0 =	vge.s32 v4, v0;
	vm1 =	vlt.s32 v4, v1  }
0x28: {  	vm0 =	vmand vm0, vm1  }
0x29: {  	v5 =	vsel vm0, $0x1, v2  }
0x2a: {  	(xrf0) =	vadd.scan.msk.s32 $0xffff, v5;
	_ =	sdelay $0x4  }
0x2b: {  	v5 =	vsel vm0, $0xFFFFFFFF, v2  }
0x2c: {  	v5 =	vadd.s32 s8, v5;
	v6, _, _ =	vpop (xrf0)  }
0x2d: {  	v5 =	vadd.s32 v6, v5;
	(v2sf) =	vpush v6, $0xF;
	_ =	sdelay $0x4  }
0x2e: {  	[tilespmem:v5+s11+$0x0] =	vst.idx.msk vm0, v4;
	v4 =	vor.u32 s8, v3  }
0x2f: {  	s0 =	simm.s32 $0x10;
	[tilespmem:v5+s12+$0x0] =	vst.idx.msk vm0, v4  }
0x30: {  	s2 =	simm.s32 $0x20;
	s1 =	simm.s32 $0x0;
	s25 =	simm.s32 $0x10;
	v4 =	vld [tilespmem:s0+$0x0]  }
.LBB2_2:
0x31: {  	p0 =	sne.s32 s2, $0x3FF0;
	_ =	sdelay $0x3  }
0x32: {  	vm0 =	vge.s32 v4, v0;
	vm1 =	vlt.s32 v4, v1  }
0x33: {  	vm0 =	vmand vm0, vm1  }
0x34: {  	v5 =	vsel vm0, $0xFFFFFFFF, v2;
	v6 =	vsel vm0, $0x1, v2  }
0x35: {  	(xrf0) =	vadd.scan.msk.s32 $0xffff, v6;
	s26 =	spop (v2sf)  }
0x36: {  	s1 =	sadd.s32 s1, s26  }
0x37: {  	v5 =	vadd.s32 s1, v5;
	_ =	sdelay $0x3  }
0x38: {  	v6, _, _ =	vpop (xrf0)  }
0x39: {  	v5 =	vadd.s32 v6, v5;
	(v2sf) =	vpush v6, $0xF;
	_ =	sdelay $0x2  }
.Ltmp2:
0x3a: {  	(pc) =	sbr.rel @p0 .LBB2_2-.Ltmp2, $4  }
0x3b: {  	_ = 	snop  }
0x3c: {  	[tilespmem:v5+s11+$0x0] =	vst.idx.msk vm0, v4;
	v4 =	vor.u32 s0, v3;
	s0 =	smov.u32 s2  }
0x3d: {  	s25 =	sadd.s32 $0x10, s25;
	[tilespmem:v5+s12+$0x0] =	vst.idx.msk vm0, v4  }
0x3e: {  	s2 =	sadd.s32 $0x10, s2;
	v4 =	vld [tilespmem:s25+$0x0]  }
0x3f: {  	_ =	sdelay $0x3  }
0x40: {  	vm0 =	vge.s32 v4, v0;
	vm1 =	vlt.s32 v4, v1  }
0x41: {  	vm0 =	vmand vm0, vm1  }
0x42: {  	v5 =	vsel vm0, $0x1, v2  }
0x43: {  	(xrf0) =	vadd.scan.msk.s32 $0xffff, v5;
	_ =	sdelay $0x5  }
0x44: {  	v5, _, _ =	vpop (xrf0)  }
0x45: {  	(v2sf) =	vpush v5, $0xF;
	_ =	sdelay $0xa  }
0x46: {  	s2 =	spop (v2sf)  }
0x47: {  	v6 =	vsel vm0, $0xFFFFFFFF, v2;
	s1 =	sadd.s32 s1, s2  }
0x48: {  	v6 =	vadd.s32 s1, v6  }
0x49: {  	v5 =	vadd.s32 v5, v6  }
0x4a: {  	s31 =	spop (v2sf)  }
0x4b: {  	s2 =	sadd.s32 s1, s31  }
0x4c: {  	vm1 =	vmmov vm3;
	p0 =	slt.s32 s2, $0x1  }
.Ltmp3:
0x4d: {  	vm3 =	vmmov vm5;
	vm5 =	vmmov vm7;
	vm7 =	vmmov vm9;
	(pc) =	sbr.rel @p0 .LBB2_11-.Ltmp3, $4  }
0x4e: {  	vm9 =	vmmov vm11;
	vm11 =	vmmov vm13;
	[tilespmem:v5+s11+$0x0] =	vst.idx.msk vm0, v4;
	v4 =	vor.u32 s0, v3  }
0x4f: {  	vm13 =	vcmask $0x3B38;
	[tilespmem:v5+s12+$0x0] =	vst.idx.msk vm0, v4;
	vm0 =	vmmov vm2;
	vm2 =	vmmov vm4  }
0x50: {  	vm4 =	vmmov vm6;
	vm6 =	vmmov vm8;
	vm8 =	vmmov vm10  }
0x51: {  	vm10 =	vmmov vm12;
	vm12 =	vmmov vm14;
	vm14 =	vcmask $0x3F3C  }
0x52: {  	s0 =	sadd.s32 $0xF, s2  }
0x53: {  	s1 =	sand.u32 $0xF, s0  }
0x54: {  	s25 =	sshra.s32 s0, $0x1F;
	p0 =	slt.s32 s0, $0x1;
	p1 =	sne.s32 s1, $0x0  }
0x55: {  	s31 =	sshrl.u32 s25, $0x1C;
	p0 =	por !p0, !p1  }
0x56: {  	s1 =	simm.s32 $0x1;
	s0 =	sadd.s32 s31, s0;
	p0 =	por !p0, !p0  }
0x57: {  	s0 =	sshrl.u32 s0, $0x4;
	s1 =	simm.s32 @!p0 $0x0  }
0x58: {  	s0 =	ssub.s32 s0, s1  }
0x59: {  	s0 =	sshll.u32 s0, $0x4  }
0x5a: {  	v4 =	vld.msk [tilespmem:s2+$0x7FFF ss:$0x0], $0xffff;
	s1 =	sshra.s32 s0, $0x4  }
0x5b: {  	v5 =	vld.msk [tilespmem:s2+$0xC0FF ss:$0x0], $0xffff;
	p0 =	slt.s32 s1, $0x1  }
.Ltmp4:
0x5c: {  	_ = 	snop;
	(pc) =	sbr.rel @p0 .LBB2_8-.Ltmp4, $3  }
0x5d: {  	_ =	sdelay $0x1  }
0x5e: {  	s26 =	simm.s32 $0x8000;
	[tilespmem:s2+$0x8000] =	vst v4  }
0x5f: {  	s25 =	simm.s32 $0x0;
	[tilespmem:s2+$0xC100] =	vst v5;
	s2 =	simm.s32 $0x8000;
	s28 =	smov.u32 s1  }
.LBB2_5:
0x60: {  	v4 =	vld [tilespmem:s26+$0x0];
	_ =	sdelay $0x4  }
0x61: {  	v4 =	vsub.s32 v4, v0;
	_ =	sdelay $0x3  }
0x62: {  	v5 =	vor.u32 s25, v3  }
0x63: {  	[tilespmem:v4+s14+$0x0] =	vst.idx.msk $0x1, v5  }
0x64: {  	[tilespmem:v4+s14+$0x0] =	vst.idx.msk vm0, v5  }
0x65: {  	[tilespmem:v4+s14+$0x0] =	vst.idx.msk vm1, v5  }
0x66: {  	[tilespmem:v4+s14+$0x0] =	vst.idx.msk vm2, v5  }
0x67: {  	[tilespmem:v4+s14+$0x0] =	vst.idx.msk vm3, v5  }
0x68: {  	[tilespmem:v4+s14+$0x0] =	vst.idx.msk vm4, v5  }
0x69: {  	[tilespmem:v4+s14+$0x0] =	vst.idx.msk vm5, v5  }
0x6a: {  	[tilespmem:v4+s14+$0x0] =	vst.idx.msk vm6, v5  }
0x6b: {  	[tilespmem:v4+s14+$0x0] =	vst.idx.msk vm7, v5  }
0x6c: {  	[tilespmem:v4+s14+$0x0] =	vst.idx.msk vm8, v5  }
0x6d: {  	p0 =	sne.s32 s28, $0x1;
	[tilespmem:v4+s14+$0x0] =	vst.idx.msk vm9, v5  }
.Ltmp5:
0x6e: {  	[tilespmem:v4+s14+$0x0] =	vst.idx.msk vm10, v5;
	(pc) =	sbr.rel @p0 .LBB2_5-.Ltmp5, $4  }
0x6f: {  	[tilespmem:v4+s14+$0x0] =	vst.idx.msk vm11, v5  }
0x70: {  	[tilespmem:v4+s14+$0x0] =	vst.idx.msk vm12, v5  }
0x71: {  	[tilespmem:v4+s14+$0x0] =	vst.idx.msk vm13, v5  }
0x72: {  	s26 =	sadd.s32 $0x10, s26;
	s25 =	sadd.s32 $0x10, s25;
	s28 =	sadd.s32 $0xFFFFFFFF, s28;
	[tilespmem:v4+s14+$0x0] =	vst.idx.msk vm14, v5  }
0x73: {  	s25 =	simm.s32 $0xC100  }
.LBB2_7:
0x74: {  	v4 =	vld [tilespmem:s2+$0x0];
	_ =	sdelay $0x4  }
0x75: {  	v4 =	vsub.s32 v4, v0;
	_ =	sdelay $0x4  }
0x76: {  	v4 =	vld.idx.msk [tilespmem:v4+s14+$0x0], $0xffff;
	_ =	sdelay $0x7  }
0x77: {  	p0 =	sne.s32 s1, $0x1;
	v4 =	vld.idx.msk [tilespmem:v4+s12+$0x0], $0xffff  }
.Ltmp6:
0x78: {  	_ = 	snop;
	(pc) =	sbr.rel @p0 .LBB2_7-.Ltmp6, $2  }
0x79: {  	_ =	sdelay $0x2  }
0x7a: {  	s2 =	sadd.s32 $0x10, s2;
	s1 =	sadd.s32 $0xFFFFFFFF, s1;
	[tilespmem:s25+$0x0] =	vst v4;
	s25 =	sadd.s32 $0x10, s25  }
.LBB2_8:
0x7b: {  	s1 =	sadd.s32 $0x7F, s0  }
0x7c: {  	s2 =	sshra.s32 s1, $0x1F  }
0x7d: {  	s25 =	sshrl.u32 s2, $0x19  }
0x7e: {  	s1 =	sadd.s32 s25, s1  }
0x7f: {  	s1 =	sshra.s32 s1, $0x7  }
0x80: {  	s25 =	sadd.s32 s2, s1  }
0x81: {  	p0 =	slt.s32 s25, $0x1  }
.Ltmp7:
0x82: {  	_ = 	snop;
	(pc) =	sbr.rel @p0 .LBB2_11-.Ltmp7, $1  }
0x83: {  	_ =	sdelay $0x3  }
0x84: {  	s26 =	sadd.s32 $0xFFFFFFF0, s0;
	s28 =	simm.s32 $0x70  }
.LBB2_10:
0x85: {  	s0 =	sadd.s32 $0xFFFFFF90, s28  }
0x86: {  	s29 =	smov.u32 s26;
	p0 =	slt.s32 s0, s26  }
0x87: {  	s29 =	smov.u32 @p0 s0  }
0x88: {  	v4 =	vld [tilespmem:s29+$0xC100];
	_ =	sdelay $0x7  }
0x89: {  	[tilespmem:s15], [sflag:$0x1] =	stream.indirect_vreg.gather [hbm4b:s6+s8], $0x80, v4, vm15, $0xb8;
	[tilespmem:$0x14F00] =	vst v63  }
0x8a: {  	v4 =	vld.idx.msk [tilespmem:v4+s10+$0x0], $0xffff;
	_ =	sdelay $0x2  }
0x8b: {  	s0 =	sadd.s32 $0xFFFFFFA0, s28  }
0x8c: {  	s30 =	smov.u32 s26;
	p0 =	slt.s32 s0, s26  }
0x8d: {  	s30 =	smov.u32 @p0 s0;
	[tilespmem:$0x14E80] =	vst v4  }
0x8e: {  	v4 =	vld [tilespmem:s30+$0xC100];
	_ =	sdelay $0x7  }
0x8f: {  	[tilespmem:s16], [sflag:$0x1] =	stream.indirect_vreg.gather [hbm4b:s6+s8], $0x80, v4, vm15, $0xb8;
	[tilespmem:$0x14F00] =	vst v63  }
0x90: {  	v4 =	vld.idx.msk [tilespmem:v4+s10+$0x0], $0xffff;
	_ =	sdelay $0x2  }
0x91: {  	s0 =	sadd.s32 $0xFFFFFFB0, s28  }
0x92: {  	s31 =	smov.u32 s26;
	p0 =	slt.s32 s0, s26  }
0x93: {  	s31 =	smov.u32 @p0 s0;
	[tilespmem:$0x14E90] =	vst v4  }
0x94: {  	v4 =	vld [tilespmem:s31+$0xC100];
	_ =	sdelay $0x7  }
0x95: {  	[tilespmem:s17], [sflag:$0x1] =	stream.indirect_vreg.gather [hbm4b:s6+s8], $0x80, v4, vm15, $0xb8;
	[tilespmem:$0x14F00] =	vst v63  }
0x96: {  	v4 =	vld.idx.msk [tilespmem:v4+s10+$0x0], $0xffff;
	_ =	sdelay $0x2  }
0x97: {  	s0 =	sadd.s32 $0xFFFFFFC0, s28  }
0x98: {  	s2 =	smov.u32 s26;
	p0 =	slt.s32 s0, s26  }
0x99: {  	s2 =	smov.u32 @p0 s0;
	[tilespmem:$0x14EA0] =	vst v4  }
0x9a: {  	v4 =	vld [tilespmem:s2+$0xC100];
	_ =	sdelay $0x7  }
0x9b: {  	[tilespmem:s18], [sflag:$0x1] =	stream.indirect_vreg.gather [hbm4b:s6+s8], $0x80, v4, vm15, $0xb8;
	[tilespmem:$0x14F00] =	vst v63  }
0x9c: {  	v4 =	vld.idx.msk [tilespmem:v4+s10+$0x0], $0xffff;
	_ =	sdelay $0x2  }
0x9d: {  	s1 =	sadd.s32 $0xFFFFFFD0, s28  }
0x9e: {  	p0 =	slt.s32 s1, s26;
	s0 =	smov.u32 s26  }
0x9f: {  	s0 =	smov.u32 @p0 s1;
	[tilespmem:$0x14EB0] =	vst v4  }
0xa0: {  	v4 =	vld [tilespmem:s0+$0xC100];
	_ =	sdelay $0x7  }
0xa1: {  	[tilespmem:s19], [sflag:$0x1] =	stream.indirect_vreg.gather [hbm4b:s6+s8], $0x80, v4, vm15, $0xb8;
	[tilespmem:$0x14F00] =	vst v63  }
0xa2: {  	v4 =	vld.idx.msk [tilespmem:v4+s10+$0x0], $0xffff;
	_ =	sdelay $0x2  }
0xa3: {  	s3 =	sadd.s32 $0xFFFFFFE0, s28  }
0xa4: {  	p0 =	slt.s32 s3, s26;
	s1 =	smov.u32 s26  }
0xa5: {  	s1 =	smov.u32 @p0 s3;
	[tilespmem:$0x14EC0] =	vst v4  }
0xa6: {  	v4 =	vld [tilespmem:s1+$0xC100];
	_ =	sdelay $0x7  }
0xa7: {  	[tilespmem:s20], [sflag:$0x1] =	stream.indirect_vreg.gather [hbm4b:s6+s8], $0x80, v4, vm15, $0xb8;
	[tilespmem:$0x14F00] =	vst v63  }
0xa8: {  	v4 =	vld.idx.msk [tilespmem:v4+s10+$0x0], $0xffff;
	_ =	sdelay $0x2  }
0xa9: {  	s3 =	sadd.s32 $0xFFFFFFF0, s28  }
0xaa: {  	s7 =	smov.u32 s26;
	p0 =	slt.s32 s3, s26  }
0xab: {  	s7 =	smov.u32 @p0 s3;
	[tilespmem:$0x14ED0] =	vst v4  }
0xac: {  	v4 =	vld [tilespmem:s7+$0xC100];
	_ =	sdelay $0x7  }
0xad: {  	[tilespmem:s21], [sflag:$0x1] =	stream.indirect_vreg.gather [hbm4b:s6+s8], $0x80, v4, vm15, $0xb8;
	[tilespmem:$0x14F00] =	vst v63  }
0xae: {  	v4 =	vld.idx.msk [tilespmem:v4+s10+$0x0], $0xffff;
	_ =	sdelay $0x3  }
0xaf: {  	p0 =	slt.s32 s28, s26;
	s3 =	smov.u32 s26  }
0xb0: {  	s3 =	smov.u32 @p0 s28;
	[tilespmem:$0x14EE0] =	vst v4  }
0xb1: {  	v4 =	vld [tilespmem:s3+$0xC100];
	_ =	sdelay $0x7  }
0xb2: {  	[tilespmem:s22], [sflag:$0x1] =	stream.indirect_vreg.gather [hbm4b:s6+s8], $0x80, v4, vm15, $0xb8;
	[tilespmem:$0x14F00] =	vst v63  }
0xb3: {  	v4 =	vld.idx.msk [tilespmem:v4+s10+$0x0], $0xffff;
	_ =	sdelay $0x4  }
0xb4: {  	[tilespmem:$0x14EF0] =	vst v4  }
0xb5: {  	_ =	swait.ge [sflag:s13], $0x800  }
0xb6: {  	[sflag:s13] =	ssyncset.done $0x0  }
0xb7: {  	[sflag:s13] =	ssyncadd.s32 $0xFFFFF800  }
0xb8: {  	_ =	swait.ge [sflag:s13], $0x800  }
0xb9: {  	[sflag:s13] =	ssyncset.done $0x0  }
0xba: {  	[sflag:s13] =	ssyncadd.s32 $0xFFFFF800  }
0xbb: {  	_ =	swait.ge [sflag:s13], $0x800  }
0xbc: {  	[sflag:s13] =	ssyncset.done $0x0  }
0xbd: {  	[sflag:s13] =	ssyncadd.s32 $0xFFFFF800  }
0xbe: {  	_ =	swait.ge [sflag:s13], $0x800  }
0xbf: {  	[sflag:s13] =	ssyncset.done $0x0  }
0xc0: {  	[sflag:s13] =	ssyncadd.s32 $0xFFFFF800  }
0xc1: {  	_ =	swait.ge [sflag:s13], $0x800  }
0xc2: {  	[sflag:s13] =	ssyncset.done $0x0  }
0xc3: {  	[sflag:s13] =	ssyncadd.s32 $0xFFFFF800  }
0xc4: {  	_ =	swait.ge [sflag:s13], $0x800  }
0xc5: {  	[sflag:s13] =	ssyncset.done $0x0  }
0xc6: {  	[sflag:s13] =	ssyncadd.s32 $0xFFFFF800  }
0xc7: {  	_ =	swait.ge [sflag:s13], $0x800  }
0xc8: {  	[sflag:s13] =	ssyncset.done $0x0  }
0xc9: {  	[sflag:s13] =	ssyncadd.s32 $0xFFFFF800  }
0xca: {  	_ =	swait.ge [sflag:s13], $0x800  }
0xcb: {  	[sflag:s13] =	ssyncset.done $0x0  }
0xcc: {  	[sflag:s13] =	ssyncadd.s32 $0xFFFFF800  }
0xcd: {  	v4 =	vld [tilespmem:s29+$0x8000];
	_ =	sdelay $0x7  }
0xce: {  	[hbm4b:s4+s8] =	stream.indirect_vreg.scatter [tilespmem:s15], [sflag:$0x2], $0x80, v4, vm15, $0xb8;
	[tilespmem:$0x14F00] =	vst v63  }
0xcf: {  	s29 =	rddreg [dreg:$0x6]  }
0xd0: {  	[hbm4b:s5+s8] =	stream.indirect_vreg.scatter [tilespmem:s29], [sflag:$0x2], $0x1, v4, vm15, $0xb8;
	[tilespmem:$0x14F00] =	vst v63  }
0xd1: {  	v4 =	vld [tilespmem:s30+$0x8000];
	_ =	sdelay $0x7  }
0xd2: {  	[hbm4b:s4+s8] =	stream.indirect_vreg.scatter [tilespmem:s16], [sflag:$0x2], $0x80, v4, vm15, $0xb8;
	[tilespmem:$0x14F00] =	vst v63  }
0xd3: {  	s30 =	rddreg [dreg:$0x7]  }
0xd4: {  	[hbm4b:s5+s8] =	stream.indirect_vreg.scatter [tilespmem:s30], [sflag:$0x2], $0x1, v4, vm15, $0xb8;
	[tilespmem:$0x14F00] =	vst v63  }
0xd5: {  	v4 =	vld [tilespmem:s31+$0x8000];
	_ =	sdelay $0x7  }
0xd6: {  	[hbm4b:s4+s8] =	stream.indirect_vreg.scatter [tilespmem:s17], [sflag:$0x2], $0x80, v4, vm15, $0xb8;
	[tilespmem:$0x14F00] =	vst v63  }
0xd7: {  	s30 =	rddreg [dreg:$0x8]  }
0xd8: {  	[hbm4b:s5+s8] =	stream.indirect_vreg.scatter [tilespmem:s30], [sflag:$0x2], $0x1, v4, vm15, $0xb8;
	[tilespmem:$0x14F00] =	vst v63  }
0xd9: {  	v4 =	vld [tilespmem:s2+$0x8000];
	_ =	sdelay $0x7  }
0xda: {  	[hbm4b:s4+s8] =	stream.indirect_vreg.scatter [tilespmem:s18], [sflag:$0x2], $0x80, v4, vm15, $0xb8;
	[tilespmem:$0x14F00] =	vst v63  }
0xdb: {  	s31 =	rddreg [dreg:$0x9]  }
0xdc: {  	[hbm4b:s5+s8] =	stream.indirect_vreg.scatter [tilespmem:s31], [sflag:$0x2], $0x1, v4, vm15, $0xb8;
	[tilespmem:$0x14F00] =	vst v63  }
0xdd: {  	v4 =	vld [tilespmem:s0+$0x8000];
	_ =	sdelay $0x7  }
0xde: {  	[hbm4b:s4+s8] =	stream.indirect_vreg.scatter [tilespmem:s19], [sflag:$0x2], $0x80, v4, vm15, $0xb8;
	[tilespmem:$0x14F00] =	vst v63  }
0xdf: {  	s2 =	rddreg [dreg:$0xa]  }
0xe0: {  	[hbm4b:s5+s8] =	stream.indirect_vreg.scatter [tilespmem:s2], [sflag:$0x2], $0x1, v4, vm15, $0xb8;
	[tilespmem:$0x14F00] =	vst v63  }
0xe1: {  	v4 =	vld [tilespmem:s1+$0x8000];
	_ =	sdelay $0x7  }
0xe2: {  	[hbm4b:s4+s8] =	stream.indirect_vreg.scatter [tilespmem:s20], [sflag:$0x2], $0x80, v4, vm15, $0xb8;
	[tilespmem:$0x14F00] =	vst v63  }
0xe3: {  	s29 =	rddreg [dreg:$0xb]  }
0xe4: {  	[hbm4b:s5+s8] =	stream.indirect_vreg.scatter [tilespmem:s29], [sflag:$0x2], $0x1, v4, vm15, $0xb8;
	[tilespmem:$0x14F00] =	vst v63  }
0xe5: {  	v4 =	vld [tilespmem:s7+$0x8000];
	_ =	sdelay $0x7  }
0xe6: {  	[hbm4b:s4+s8] =	stream.indirect_vreg.scatter [tilespmem:s21], [sflag:$0x2], $0x80, v4, vm15, $0xb8;
	[tilespmem:$0x14F00] =	vst v63  }
0xe7: {  	s30 =	rddreg [dreg:$0xc]  }
0xe8: {  	[hbm4b:s5+s8] =	stream.indirect_vreg.scatter [tilespmem:s30], [sflag:$0x2], $0x1, v4, vm15, $0xb8;
	[tilespmem:$0x14F00] =	vst v63  }
0xe9: {  	v4 =	vld [tilespmem:s3+$0x8000];
	_ =	sdelay $0x7  }
0xea: {  	[hbm4b:s4+s8] =	stream.indirect_vreg.scatter [tilespmem:s22], [sflag:$0x2], $0x80, v4, vm15, $0xb8;
	[tilespmem:$0x14F00] =	vst v63  }
0xeb: {  	s31 =	rddreg [dreg:$0xd]  }
0xec: {  	[hbm4b:s5+s8] =	stream.indirect_vreg.scatter [tilespmem:s31], [sflag:$0x2], $0x1, v4, vm15, $0xb8;
	[tilespmem:$0x14F00] =	vst v63  }
0xed: {  	_ =	swait.ge [sflag:s23], $0x800  }
0xee: {  	[sflag:s23] =	ssyncset.done $0x0  }
0xef: {  	[sflag:s23] =	ssyncadd.s32 $0xFFFFF800  }
0xf0: {  	_ =	swait.ge [sflag:s23], $0x10  }
0xf1: {  	[sflag:s23] =	ssyncset.done $0x0  }
0xf2: {  	[sflag:s23] =	ssyncadd.s32 $0xFFFFFFF0  }
0xf3: {  	_ =	swait.ge [sflag:s23], $0x800  }
0xf4: {  	[sflag:s23] =	ssyncset.done $0x0  }
0xf5: {  	[sflag:s23] =	ssyncadd.s32 $0xFFFFF800  }
0xf6: {  	_ =	swait.ge [sflag:s23], $0x10  }
0xf7: {  	[sflag:s23] =	ssyncset.done $0x0  }
0xf8: {  	[sflag:s23] =	ssyncadd.s32 $0xFFFFFFF0  }
0xf9: {  	_ =	swait.ge [sflag:s23], $0x800  }
0xfa: {  	[sflag:s23] =	ssyncset.done $0x0  }
0xfb: {  	[sflag:s23] =	ssyncadd.s32 $0xFFFFF800  }
0xfc: {  	_ =	swait.ge [sflag:s23], $0x10  }
0xfd: {  	[sflag:s23] =	ssyncset.done $0x0  }
0xfe: {  	[sflag:s23] =	ssyncadd.s32 $0xFFFFFFF0  }
0xff: {  	_ =	swait.ge [sflag:s23], $0x800  }
0x100: {  	[sflag:s23] =	ssyncset.done $0x0  }
0x101: {  	[sflag:s23] =	ssyncadd.s32 $0xFFFFF800  }
0x102: {  	_ =	swait.ge [sflag:s23], $0x10  }
0x103: {  	[sflag:s23] =	ssyncset.done $0x0  }
0x104: {  	[sflag:s23] =	ssyncadd.s32 $0xFFFFFFF0  }
0x105: {  	_ =	swait.ge [sflag:s23], $0x800  }
0x106: {  	[sflag:s23] =	ssyncset.done $0x0  }
0x107: {  	[sflag:s23] =	ssyncadd.s32 $0xFFFFF800  }
0x108: {  	_ =	swait.ge [sflag:s23], $0x10  }
0x109: {  	[sflag:s23] =	ssyncset.done $0x0  }
0x10a: {  	[sflag:s23] =	ssyncadd.s32 $0xFFFFFFF0  }
0x10b: {  	_ =	swait.ge [sflag:s23], $0x800  }
0x10c: {  	[sflag:s23] =	ssyncset.done $0x0  }
0x10d: {  	[sflag:s23] =	ssyncadd.s32 $0xFFFFF800  }
0x10e: {  	_ =	swait.ge [sflag:s23], $0x10  }
0x10f: {  	[sflag:s23] =	ssyncset.done $0x0  }
0x110: {  	[sflag:s23] =	ssyncadd.s32 $0xFFFFFFF0  }
0x111: {  	_ =	swait.ge [sflag:s23], $0x800  }
0x112: {  	[sflag:s23] =	ssyncset.done $0x0  }
0x113: {  	[sflag:s23] =	ssyncadd.s32 $0xFFFFF800  }
0x114: {  	_ =	swait.ge [sflag:s23], $0x10  }
0x115: {  	[sflag:s23] =	ssyncset.done $0x0  }
0x116: {  	[sflag:s23] =	ssyncadd.s32 $0xFFFFFFF0  }
0x117: {  	p0 =	sne.s32 s25, $0x1;
	_ =	swait.ge [sflag:s23], $0x800  }
.Ltmp8:
0x118: {  	[sflag:s23] =	ssyncset.done $0x0;
	(pc) =	sbr.rel @p0 .LBB2_10-.Ltmp8, $4  }
0x119: {  	[sflag:s23] =	ssyncadd.s32 $0xFFFFF800  }
0x11a: {  	_ =	swait.ge [sflag:s23], $0x10  }
0x11b: {  	[sflag:s23] =	ssyncset.done $0x0  }
0x11c: {  	s28 =	sadd.s32 $0x80, s28;
	s25 =	sadd.s32 $0xFFFFFFFF, s25;
	[sflag:s23] =	ssyncadd.s32 $0xFFFFFFF0  }
.Ltmp9:
0x11d: {  	_ = 	snop;
	(pc) =	sbr.rel .LBB2_11-.Ltmp9, $1  }
0x11e: {  	_ =	sdelay $0x3  }
.LBB2_12:
0x11f: {  	_ =	sfence.sel $0x180000  }
0x120: {  	[bflag:$0x0] =	sbarrier.arrive $0xFFFF  }
0x121: {  	_ =	strace $0x9000004A  }
0x122: {  	s0 =	stileid.u32;
	[bflag:$0x2] =	sbarrier.arrive $0xFFFF  }
0x123: {  	p0 =	sne.s32 s0, $0x0;
	s0 =	rddreg [dreg:$0x5]  }
0x124: {  	s0 =	sadd.s32 @!p0 $0x100000, s0  }
0x125: {  	[sflag:s0] =	ssyncadd.tile.s32 @!p0 $0x1;
	_ =	shalt  }
.Lfunc_end2:
_tile_overlayer_lowered:
.L_overlay_start_2:
0x126: {  	(tag) =	ssettag $0x2  }
0x127: {  	s0 =	rddreg [dreg:$0x0];
	s2 =	stileid.u32  }
0x128: {  	s1 =	rddreg [dreg:$0x1];
	p0 =	sne.s32 s2, $0x0  }
0x129: {  	s3 =	rddreg [dreg:$0x2];
	[bflag:$0x3] =	sbarrier.arrive $0xFFFF;
	s2 =	simm.s32 @!p0 $0x1C03  }
0x12a: {  	[timem:s3], [sflag:s2] =	dma.local @!p0 [hbm:s0], s1  }
0x12b: {  	s0 =	simm.s32 @!p0 $0x3  }
0x12c: {  	_ =	swait.ge @!p0 [sflag:s0], s1  }
0x12d: {  	s1 =	ssub.s32 @!p0 $0x0, s1;
	[sflag:s0] =	ssyncset.done @!p0 $0x0  }
0x12e: {  	[sflag:s0] =	ssyncadd.s32 @!p0 s1  }
0x12f: {  	[bflag:$0x3] =	sbarrier.arrive $0xFFFF  }
0x130: {  	_ =	shalt  }

</sc_bundles>
